<compile_context>
chip_gen: v7x
topology: tpu7x:2x2x1
jax: 0.10.2.dev20260603
libtpu: 0.0.44.dev20260713+nightly
codegen_flags: <defaults>
</compile_context>

<pallas_src>
import functools

import jax
import jax.numpy as jnp
from jax import lax
from jax.experimental import pallas as pl
from jax.experimental.pallas import tpu as pltpu
from jax.experimental.pallas import tpu_sc as plsc

NC = 2
NS = 16
NW = NC * NS
CH = 80
BK = 2000


def _silu(x):
    return x * jax.nn.sigmoid(x)


def _tables_body(h_ref, wa_ref, wb_ref, a_ref, b_ref):
    h = h_ref[...]
    a_ref[...] = jnp.dot(h, wa_ref[...], preferred_element_type=jnp.float32)
    b_ref[...] = jnp.dot(h, wb_ref[...], preferred_element_type=jnp.float32)


def _tables(h, w1a, w1b):
    n, d = h.shape
    return pl.pallas_call(
        _tables_body,
        out_shape=[jax.ShapeDtypeStruct((n, d), jnp.float32),
                   jax.ShapeDtypeStruct((n, d), jnp.float32)],
    )(h, w1a, w1b)


def _chunk(epw):
    for ch in (80, 40, 16, 8):
        if epw % ch == 0:
            return ch
    raise ValueError(epw)


def _gather(ha, hb, row, col):
    n, d = ha.shape
    e = row.shape[0]
    epw = e // NW
    CH = _chunk(epw)
    nchunk = epw // CH
    mesh = plsc.VectorSubcoreMesh(core_axis_name="c", subcore_axis_name="s")

    def body(ha_hbm, hb_hbm, row_hbm, col_hbm, outa, outb,
             idxa, idxb, bufa, bufb, sems, semw):
        c = lax.axis_index("c")
        s = lax.axis_index("s")
        base = (c * NS + s) * epw
        pltpu.sync_copy(row_hbm.at[c, s], idxa)
        pltpu.sync_copy(col_hbm.at[c, s], idxb)

        def fetch(i, slot):
            pltpu.async_copy(ha_hbm.at[idxa.at[i]], bufa.at[slot],
                             sems.at[slot])
            pltpu.async_copy(hb_hbm.at[idxb.at[i]], bufb.at[slot],
                             sems.at[slot])

        def drain(i, slot):
            pltpu.make_async_copy(ha_hbm.at[idxa.at[i]], bufa.at[slot],
                                  sems.at[slot]).wait()
            pltpu.make_async_copy(hb_hbm.at[idxb.at[i]], bufb.at[slot],
                                  sems.at[slot]).wait()
            off = base + i * CH
            pltpu.async_copy(bufa.at[slot], outa.at[pl.ds(off, CH)],
                             semw.at[slot])
            pltpu.async_copy(bufb.at[slot], outb.at[pl.ds(off, CH)],
                             semw.at[slot])

        def wait_write(i, slot):
            off = base + i * CH
            pltpu.make_async_copy(bufa.at[slot], outa.at[pl.ds(off, CH)],
                                  semw.at[slot]).wait()
            pltpu.make_async_copy(bufb.at[slot], outb.at[pl.ds(off, CH)],
                                  semw.at[slot]).wait()

        fetch(0, 0)

        def step(i, carry):
            slot = lax.rem(i, 2)
            nslot = 1 - slot

            @pl.when(i + 1 < nchunk)
            def _():
                @pl.when(i >= 1)
                def _():
                    wait_write(i - 1, nslot)

                fetch(i + 1, nslot)

            drain(i, slot)
            return carry

        lax.fori_loop(0, nchunk, step, 0)
        for k in (nchunk - 2, nchunk - 1):
            wait_write(k, k % 2)

    fn = pl.kernel(
        body,
        out_type=[jax.ShapeDtypeStruct((e, d), jnp.float32),
                  jax.ShapeDtypeStruct((e, d), jnp.float32)],
        mesh=mesh,
        scratch_types=[
            pltpu.VMEM((nchunk, CH), jnp.int32),
            pltpu.VMEM((nchunk, CH), jnp.int32),
            pltpu.VMEM((2, CH, d), jnp.float32),
            pltpu.VMEM((2, CH, d), jnp.float32),
            pltpu.SemaphoreType.DMA((2,)),
            pltpu.SemaphoreType.DMA((2,)),
        ],
    )
    row4 = row.reshape(NC, NS, nchunk, CH)
    col4 = col.reshape(NC, NS, nchunk, CH)
    return fn(ha, hb, row4, col4)


def _mlp_body(pa_ref, pb_ref, cd_ref, w1c_ref, b1_ref, w2_ref, b2_ref,
              wc1_ref, bc1_ref, wc2_ref, out_ref):
    cd = cd_ref[...]
    radial = jnp.sum(cd * cd, axis=1, keepdims=True)
    x = pa_ref[...] + pb_ref[...] + radial * w1c_ref[...] + b1_ref[...]
    x = _silu(x)
    x = _silu(jnp.dot(x, w2_ref[...], preferred_element_type=jnp.float32)
              + b2_ref[...])
    x = _silu(jnp.dot(x, wc1_ref[...], preferred_element_type=jnp.float32)
              + bc1_ref[...])
    s = jnp.dot(x, wc2_ref[...], preferred_element_type=jnp.float32)
    t = jnp.clip(cd * s, -100.0, 100.0)
    ones = jnp.ones((t.shape[0], 1), jnp.float32)
    zeros = jnp.zeros((t.shape[0], 4), jnp.float32)
    out_ref[...] = jnp.concatenate([t, ones, zeros], axis=1)


def _mlp(pa, pb, cd, w1c, b1, w2, b2, wc1, bc1, wc2):
    e, d = pa.shape
    grid = (e // BK,)
    edge = lambda i: (i, 0)
    whole = lambda i: (0, 0)
    return pl.pallas_call(
        _mlp_body,
        grid=grid,
        in_specs=[
            pl.BlockSpec((BK, d), edge),
            pl.BlockSpec((BK, d), edge),
            pl.BlockSpec((BK, 3), edge),
            pl.BlockSpec((1, d), whole),
            pl.BlockSpec((1, d), whole),
            pl.BlockSpec((d, d), whole),
            pl.BlockSpec((1, d), whole),
            pl.BlockSpec((d, d), whole),
            pl.BlockSpec((1, d), whole),
            pl.BlockSpec((d, 1), whole),
        ],
        out_specs=pl.BlockSpec((BK, 8), edge),
        out_shape=jax.ShapeDtypeStruct((e, 8), jnp.float32),
    )(pa, pb, cd, w1c, b1, w2, b2, wc1, bc1, wc2)


def _scatter(t8, row, zer):
    e = row.shape[0]
    n = zer.shape[0]
    eh = e // NC
    ept = eh // NS
    CH = _chunk(ept)
    nchunk = ept // CH
    mesh = plsc.VectorSubcoreMesh(core_axis_name="c", subcore_axis_name="s")

    def body(t8_hbm, row_hbm, zer_hbm, out_hbm, idxv, buf, acc, seml, sems):
        c = lax.axis_index("c")
        s = lax.axis_index("s")
        pltpu.sync_copy(row_hbm.at[c, s], idxv)

        @pl.when(s == 0)
        def _():
            pltpu.sync_copy(zer_hbm, acc)

        plsc.subcore_barrier()
        base = c * eh + s * ept

        def fetch(i, slot):
            off = base + i * CH
            pltpu.async_copy(t8_hbm.at[pl.ds(off, CH)], buf.at[slot],
                             seml.at[slot])

        def wait_fetch(i, slot):
            off = base + i * CH
            pltpu.make_async_copy(t8_hbm.at[pl.ds(off, CH)], buf.at[slot],
                                  seml.at[slot]).wait()

        def scat(i, slot):
            pltpu.async_copy(buf.at[slot], acc.at[idxv.at[i]],
                             sems.at[slot], add=True)

        def wait_scat(i, slot):
            pltpu.make_async_copy(buf.at[slot], acc.at[idxv.at[i]],
                                  sems.at[slot]).wait()

        fetch(0, 0)

        def step(i, carry):
            slot = lax.rem(i, 2)
            nslot = 1 - slot

            @pl.when(i + 1 < nchunk)
            def _():
                @pl.when(i >= 1)
                def _():
                    wait_scat(i - 1, nslot)

                fetch(i + 1, nslot)

            wait_fetch(i, slot)
            scat(i, slot)
            return carry

        lax.fori_loop(0, nchunk, step, 0)
        for k in (nchunk - 2, nchunk - 1):
            wait_scat(k, k % 2)
        plsc.subcore_barrier()

        @pl.when(s == 0)
        def _():
            pltpu.sync_copy(acc, out_hbm.at[c])

    fn = pl.kernel(
        body,
        out_type=jax.ShapeDtypeStruct((NC, n, 8), jnp.float32),
        mesh=mesh,
        compiler_params=pltpu.CompilerParams(use_tc_tiling_on_sc=False),
        scratch_types=[
            pltpu.VMEM((nchunk, CH), jnp.int32),
            pltpu.VMEM((2, CH, 8), jnp.float32),
            pltpu.VMEM_SHARED((n, 8), jnp.float32),
            pltpu.SemaphoreType.DMA((2,)),
            pltpu.SemaphoreType.DMA((2,)),
        ],
    )
    row4 = row.reshape(NC, NS, nchunk, CH)
    return fn(t8, row4, zer)


def _combine_body(p_ref, o_ref):
    p = p_ref[...]
    acc = jnp.sum(p, axis=0)
    cnt = jnp.maximum(acc[:, 3:4], 1.0)
    o_ref[...] = acc[:, 0:3] / cnt


def _combine(parts):
    _, n, _ = parts.shape
    return pl.pallas_call(
        _combine_body,
        out_shape=jax.ShapeDtypeStruct((n, 3), jnp.float32),
    )(parts)


NSLICE = 2


def kernel(h, coord_diff, edge_index, W1, b1, W2, b2, Wc1, bc1, Wc2):
    n, d = h.shape
    e = coord_diff.shape[0]
    row = edge_index[0]
    col = edge_index[1]
    w1a = W1[:d]
    w1b = W1[d:2 * d]
    w1c = W1[2 * d].reshape(1, d)
    ha, hb = _tables(h, w1a, w1b)
    zer = jnp.zeros((n, 8), jnp.float32)
    es = e // NSLICE
    parts = []
    for k in range(NSLICE):
        sl = slice(k * es, (k + 1) * es)
        pa, pb = _gather(ha, hb, row[sl], col[sl])
        t8 = _mlp(pa, pb, coord_diff[sl], w1c, b1.reshape(1, d), W2,
                  b2.reshape(1, d), Wc1, bc1.reshape(1, d), Wc2)
        parts.append(_scatter(t8, row[sl], zer))
    return _combine(jnp.concatenate(parts, axis=0))

# --- scband reference (transcript-rebuilt; emitter-appended) ---
"""Pipeline reference for scband-egcl-22497038697192 (READ-ONLY COPY).

The authoritative reference and input builder live on the scoring server;
editing this copy changes nothing except your own understanding.
"""

import jax, jax.numpy as jnp
import numpy as np

N = 10000
E = 320000
D = 128   # h_dim
H = 128   # hidden_nf


def _glorot(key, fan_in, fan_out, gain=1.0):
    limit = gain * np.sqrt(6.0 / (fan_in + fan_out))
    return jax.random.uniform(key, (fan_in, fan_out), dtype=jnp.float32, minval=-limit, maxval=limit)


def silu(x):
    return x * jax.nn.sigmoid(x)


def setup_inputs(seed: int = 0) -> dict:
    key = jax.random.key(seed)
    ks = jax.random.split(key, 12)
    h = jax.random.normal(ks[0], (N, D), dtype=jnp.float32)
    coord_diff = jax.random.normal(ks[1], (E, 3), dtype=jnp.float32)
    edge_index = jax.random.randint(ks[2], (2, E), 0, N, dtype=jnp.int32)
    # edge_nn: Linear(2*D+1 -> H), SiLU, Linear(H -> H), SiLU
    W1 = _glorot(ks[3], 2 * D + 1, H)
    b1 = jnp.zeros((H,), dtype=jnp.float32)
    W2 = _glorot(ks[4], H, H)
    b2 = jnp.zeros((H,), dtype=jnp.float32)
    # coord_nn: Linear(H -> H), SiLU, Linear(H -> 1, bias=False, xavier gain=0.001)
    Wc1 = _glorot(ks[5], H, H)
    bc1 = jnp.zeros((H,), dtype=jnp.float32)
    Wc2 = _glorot(ks[6], H, 1, gain=0.001)
    return {"h": h, "coord_diff": coord_diff, "edge_index": edge_index,
            "W1": W1, "b1": b1, "W2": W2, "b2": b2,
            "Wc1": Wc1, "bc1": bc1, "Wc2": Wc2}


def unsorted_segment_mean(data, segment_ids, num_segments):
    seg_sum = jax.ops.segment_sum(data, segment_ids, num_segments=num_segments)
    counts = jax.ops.segment_sum(jnp.ones((data.shape[0],), dtype=data.dtype), segment_ids, num_segments=num_segments)
    counts = jnp.clip(counts, 1.0, None)
    return seg_sum / counts[:, None]


def reference(h, coord_diff, edge_index, W1, b1, W2, b2, Wc1, bc1, Wc2):
    coords_weight = 1.0
    radial = jnp.sum(coord_diff ** 2, axis=1, keepdims=True)  # [E, 1]
    row = edge_index[0]
    col = edge_index[1]
    source = jnp.take(h, row, axis=0)  # gather [E, D]
    target = jnp.take(h, col, axis=0)  # gather [E, D]
    # edge_model
    out = jnp.concatenate([source, target, radial], axis=1)  # [E, 2D+1]
    out = silu(out @ W1 + b1)
    edge_feat = silu(out @ W2 + b2)  # [E, H]
    # energy_model
    scale = silu(edge_feat @ Wc1 + bc1) @ Wc2  # [E, 1]
    trans = coord_diff * scale
    trans = jnp.clip(trans, -100.0, 100.0)
    agg = unsorted_segment_mean(trans, row, num_segments=N)  # [N, 3]
    return agg * coords_weight

if __name__ == "__main__":
    import jax
    _d = setup_inputs()
    print(jax.jit(kernel)(*tuple(_d.values())))

</pallas_src>

<mosaic_0001>
#map = affine_map<(d0, d1) -> (0, 0)>
#map1 = affine_map<(d0, d1) -> (0, 0, 0, 0)>
#map2 = affine_map<(d0, d1) -> (0, 0, 0)>
module attributes {stable_mosaic.version = 14 : i64} {
  func.func @body(%arg0: i32, %arg1: i32, %arg2: memref<160000x8xf32, #tpu.memory_space<hbm>>, %arg3: memref<2x16x125x40xi32, #tpu.memory_space<hbm>>, %arg4: memref<10000x8xf32, #tpu.memory_space<hbm>>, %arg5: memref<2x10000x8xf32, #tpu.memory_space<hbm>>, %arg6: memref<125x40xi32, #tpu.memory_space<vmem>>, %arg7: memref<2x40x8xf32, #tpu.memory_space<vmem>>, %arg8: memref<10000x8xf32, #tpu.memory_space<vmem_shared>>, %arg9: memref<2x!tpu.dma_semaphore, #tpu.memory_space<semaphore_mem>>, %arg10: memref<2x!tpu.dma_semaphore, #tpu.memory_space<semaphore_mem>>) attributes {dimension_semantics = [#tpu.dimension_semantics<core_parallel>, #tpu.dimension_semantics<subcore_parallel>], iteration_bounds = array<i64: 2, 16>, scalar_prefetch = 0 : i64, scratch_operands = 5 : i64, tpu.core_type = #tpu.core_type<sc_vector_subcore>, window_params = [{transform_indices = #map}, {transform_indices = #map1}, {transform_indices = #map}, {transform_indices = #map2}]} {
    "tpu.region"() ({
      %run_scoped3A = tpu.sem_alloc : memref<!tpu.dma_semaphore, #tpu.memory_space<semaphore_mem>>
      %dma_start3A_62 = arith.constant 0 : i32
      %dma_start3A_63 = arith.constant 0 : i32
      %dma_start3A_64 = tpu.memref_slice %arg3[%arg0, %arg1, %dma_start3A_62, %dma_start3A_63] : memref<2x16x125x40xi32, #tpu.memory_space<hbm>> -> memref<1x1x125x40xi32, #tpu.memory_space<hbm>>
      %dma_start3A_65 = tpu.memref_squeeze %dma_start3A_64 : memref<1x1x125x40xi32, #tpu.memory_space<hbm>> -> memref<125x40xi32, #tpu.memory_space<hbm>>
      %dma_start3A_66 = arith.constant 0 : i32
      %dma_start3A_67 = arith.constant 0 : i32
      %dma_start3A_68 = tpu.memref_slice %arg3[%arg0, %arg1, %dma_start3A_66, %dma_start3A_67] : memref<2x16x125x40xi32, #tpu.memory_space<hbm>> -> memref<1x1x125x40xi32, #tpu.memory_space<hbm>>
      %dma_start3A_69 = tpu.memref_squeeze %dma_start3A_68 : memref<1x1x125x40xi32, #tpu.memory_space<hbm>> -> memref<125x40xi32, #tpu.memory_space<hbm>>
      tpu.enqueue_dma source(%dma_start3A_69 : memref<125x40xi32, #tpu.memory_space<hbm>>) target(%arg6 : memref<125x40xi32, #tpu.memory_space<vmem>>) target_semaphore(%run_scoped3A : memref<!tpu.dma_semaphore, #tpu.memory_space<semaphore_mem>>)
      %dma_wait3A_70 = arith.constant 0 : i32
      %dma_wait3A_71 = arith.constant 0 : i32
      %dma_wait3A_72 = tpu.memref_slice %arg3[%arg0, %arg1, %dma_wait3A_70, %dma_wait3A_71] : memref<2x16x125x40xi32, #tpu.memory_space<hbm>> -> memref<1x1x125x40xi32, #tpu.memory_space<hbm>>
      %dma_wait3A_73 = tpu.memref_squeeze %dma_wait3A_72 : memref<1x1x125x40xi32, #tpu.memory_space<hbm>> -> memref<125x40xi32, #tpu.memory_space<hbm>>
      %dma_wait3A_74 = arith.constant 0 : i32
      %dma_wait3A_75 = arith.constant 0 : i32
      %dma_wait3A_76 = tpu.memref_slice %arg3[%arg0, %arg1, %dma_wait3A_74, %dma_wait3A_75] : memref<2x16x125x40xi32, #tpu.memory_space<hbm>> -> memref<1x1x125x40xi32, #tpu.memory_space<hbm>>
      %dma_wait3A_77 = tpu.memref_squeeze %dma_wait3A_76 : memref<1x1x125x40xi32, #tpu.memory_space<hbm>> -> memref<125x40xi32, #tpu.memory_space<hbm>>
      tpu.wait_dma2 semaphore(%run_scoped3A : memref<!tpu.dma_semaphore, #tpu.memory_space<semaphore_mem>>) src(%dma_wait3A_77 : memref<125x40xi32, #tpu.memory_space<hbm>>) dst(%arg6 : memref<125x40xi32, #tpu.memory_space<vmem>>)
      tpu.yield
    }) : () -> ()
    %eq3A = arith.constant 0 : i32
    %eq3A_0 = arith.cmpi eq, %arg1, %eq3A : i32
    %convert_element_type3A = arith.extui %eq3A_0 : i1 to i32
    %cond3A = arith.constant 0 : i32
    %cond3A_1 = arith.cmpi ne, %convert_element_type3A, %cond3A : i32
    scf.if %cond3A_1 {
      "tpu.region"() ({
        %run_scoped3A = tpu.sem_alloc : memref<!tpu.dma_semaphore, #tpu.memory_space<semaphore_mem>>
        tpu.enqueue_dma source(%arg4 : memref<10000x8xf32, #tpu.memory_space<hbm>>) target(%arg8 : memref<10000x8xf32, #tpu.memory_space<vmem_shared>>) target_semaphore(%run_scoped3A : memref<!tpu.dma_semaphore, #tpu.memory_space<semaphore_mem>>)
        tpu.wait_dma2 semaphore(%run_scoped3A : memref<!tpu.dma_semaphore, #tpu.memory_space<semaphore_mem>>) src(%arg4 : memref<10000x8xf32, #tpu.memory_space<hbm>>) dst(%arg8 : memref<10000x8xf32, #tpu.memory_space<vmem_shared>>)
        tpu.yield
      }) : () -> ()
    } else {
    }
    %barrier3A = arith.constant 0 : index
    tpu.barrier barrier_id(%barrier3A)
    %mul3A = arith.constant 80000 : i32
    %mul3A_2 = arith.muli %arg0, %mul3A : i32
    %mul3A_3 = arith.constant 5000 : i32
    %mul3A_4 = arith.muli %arg1, %mul3A_3 : i32
    %add3A = arith.addi %mul3A_2, %mul3A_4 : i32
    %add3A_5 = arith.constant 0 : i32
    %add3A_6 = arith.addi %add3A, %add3A_5 : i32
    %dma_start3A = arith.constant 0 : i32
    %dma_start3A_7 = arith.constant 0 : i32
    %dma_start3A_8 = arith.constant 0 : i32
    %dma_start3A_9 = arith.constant 0 : i32
    %dma_start3A_10 = tpu.memref_slice %arg7[%dma_start3A, %dma_start3A_8, %dma_start3A_9] : memref<2x40x8xf32, #tpu.memory_space<vmem>> -> memref<1x40x8xf32, #tpu.memory_space<vmem>>
    %dma_start3A_11 = tpu.memref_squeeze %dma_start3A_10 : memref<1x40x8xf32, #tpu.memory_space<vmem>> -> memref<40x8xf32, #tpu.memory_space<vmem>>
    %dma_start3A_12 = arith.constant 0 : i32
    %dma_start3A_13 = tpu.memref_slice %arg2[%add3A_6, %dma_start3A_12] : memref<160000x8xf32, #tpu.memory_space<hbm>> -> memref<40x8xf32, #tpu.memory_space<hbm>>
    %dma_start3A_14 = tpu.memref_slice %arg9[%dma_start3A_7] : memref<2x!tpu.dma_semaphore, #tpu.memory_space<semaphore_mem>> -> memref<1x!tpu.dma_semaphore, #tpu.memory_space<semaphore_mem>>
    %dma_start3A_15 = tpu.memref_squeeze %dma_start3A_14 : memref<1x!tpu.dma_semaphore, #tpu.memory_space<semaphore_mem>> -> memref<!tpu.dma_semaphore, #tpu.memory_space<semaphore_mem>>
    %dma_start3A_16 = arith.constant 0 : i32
    %dma_start3A_17 = arith.constant 0 : i32
    %dma_start3A_18 = tpu.memref_slice %arg7[%dma_start3A, %dma_start3A_16, %dma_start3A_17] : memref<2x40x8xf32, #tpu.memory_space<vmem>> -> memref<1x40x8xf32, #tpu.memory_space<vmem>>
    %dma_start3A_19 = tpu.memref_squeeze %dma_start3A_18 : memref<1x40x8xf32, #tpu.memory_space<vmem>> -> memref<40x8xf32, #tpu.memory_space<vmem>>
    %dma_start3A_20 = arith.constant 0 : i32
    %dma_start3A_21 = tpu.memref_slice %arg2[%add3A_6, %dma_start3A_20] : memref<160000x8xf32, #tpu.memory_space<hbm>> -> memref<40x8xf32, #tpu.memory_space<hbm>>
    tpu.enqueue_dma source(%dma_start3A_21 : memref<40x8xf32, #tpu.memory_space<hbm>>) target(%dma_start3A_19 : memref<40x8xf32, #tpu.memory_space<vmem>>) target_semaphore(%dma_start3A_15 : memref<!tpu.dma_semaphore, #tpu.memory_space<semaphore_mem>>)
    %scan3A = arith.constant 0 : i32
    %scan3A_22 = arith.constant 0 : i32
    %scan3A_23 = arith.constant 125 : i32
    %scan3A_24 = arith.addi %scan3A_22, %scan3A_23 : i32
    %scan3A_25 = arith.constant 1 : i32
    scf.for %scan3A_62 = %scan3A_22 to %scan3A_24 step %scan3A_25  : i32 {
      %rem3A = arith.constant 2 : i32
      %rem3A_63 = arith.remsi %scan3A_62, %rem3A : i32
      %sub3A = arith.constant 1 : i32
      %sub3A_64 = arith.subi %sub3A, %rem3A_63 : i32
      %add3A_65 = arith.constant 1 : i32
      %add3A_66 = arith.addi %scan3A_62, %add3A_65 : i32
      %lt3A = arith.constant 125 : i32
      %lt3A_67 = arith.cmpi slt, %add3A_66, %lt3A : i32
      %convert_element_type3A_68 = arith.extui %lt3A_67 : i1 to i32
      %cond3A_69 = arith.constant 0 : i32
      %cond3A_70 = arith.cmpi ne, %convert_element_type3A_68, %cond3A_69 : i32
      scf.if %cond3A_70 {
        %ge3A = arith.constant 1 : i32
        %ge3A_100 = arith.cmpi sge, %scan3A_62, %ge3A : i32
        %convert_element_type3A_101 = arith.extui %ge3A_100 : i1 to i32
        %cond3A_102 = arith.constant 0 : i32
        %cond3A_103 = arith.cmpi ne, %convert_element_type3A_101, %cond3A_102 : i32
        scf.if %cond3A_103 {
          %sub3A_123 = arith.constant 1 : i32
          %sub3A_124 = arith.subi %scan3A_62, %sub3A_123 : i32
          %dma_wait3A_125 = arith.constant 0 : i32
          %dma_wait3A_126 = arith.constant 0 : i32
          %dma_wait3A_127 = tpu.memref_slice %arg7[%sub3A_64, %dma_wait3A_125, %dma_wait3A_126] : memref<2x40x8xf32, #tpu.memory_space<vmem>> -> memref<1x40x8xf32, #tpu.memory_space<vmem>>
          %dma_wait3A_128 = tpu.memref_squeeze %dma_wait3A_127 : memref<1x40x8xf32, #tpu.memory_space<vmem>> -> memref<40x8xf32, #tpu.memory_space<vmem>>
          %dma_wait3A_129 = arith.constant 0 : i32
          %dma_wait3A_130 = tpu.memref_slice %arg6[%sub3A_124, %dma_wait3A_129] : memref<125x40xi32, #tpu.memory_space<vmem>> -> memref<1x40xi32, #tpu.memory_space<vmem>>
          %dma_wait3A_131 = tpu.memref_squeeze %dma_wait3A_130 : memref<1x40xi32, #tpu.memory_space<vmem>> -> memref<40xi32, #tpu.memory_space<vmem>>
          %dma_wait3A_132 = arith.constant 0 : i32
          %dma_wait3A_133 = arith.constant 0 : i32
          %dma_wait3A_134 = tpu.memref_slice %arg8[%dma_wait3A_132, %dma_wait3A_133] : memref<10000x8xf32, #tpu.memory_space<vmem_shared>> -> memref<10000x8xf32, #tpu.memory_space<vmem_shared>>
          %dma_wait3A_135 = tpu.memref_slice %arg10[%sub3A_64] : memref<2x!tpu.dma_semaphore, #tpu.memory_space<semaphore_mem>> -> memref<1x!tpu.dma_semaphore, #tpu.memory_space<semaphore_mem>>
          %dma_wait3A_136 = tpu.memref_squeeze %dma_wait3A_135 : memref<1x!tpu.dma_semaphore, #tpu.memory_space<semaphore_mem>> -> memref<!tpu.dma_semaphore, #tpu.memory_space<semaphore_mem>>
          tpu.wait_indirect_dma semaphore(%dma_wait3A_136 : memref<!tpu.dma_semaphore, #tpu.memory_space<semaphore_mem>>) src(%dma_wait3A_128 : memref<40x8xf32, #tpu.memory_space<vmem>>) dst(%dma_wait3A_134 : memref<10000x8xf32, #tpu.memory_space<vmem_shared>>)
        } else {
        }
        %add3A_104 = arith.constant 1 : i32
        %add3A_105 = arith.addi %scan3A_62, %add3A_104 : i32
        %mul3A_106 = arith.constant 40 : i32
        %mul3A_107 = arith.muli %add3A_105, %mul3A_106 : i32
        %add3A_108 = arith.addi %add3A, %mul3A_107 : i32
        %dma_start3A_109 = arith.constant 0 : i32
        %dma_start3A_110 = arith.constant 0 : i32
        %dma_start3A_111 = tpu.memref_slice %arg7[%sub3A_64, %dma_start3A_109, %dma_start3A_110] : memref<2x40x8xf32, #tpu.memory_space<vmem>> -> memref<1x40x8xf32, #tpu.memory_space<vmem>>
        %dma_start3A_112 = tpu.memref_squeeze %dma_start3A_111 : memref<1x40x8xf32, #tpu.memory_space<vmem>> -> memref<40x8xf32, #tpu.memory_space<vmem>>
        %dma_start3A_113 = arith.constant 0 : i32
        %dma_start3A_114 = tpu.memref_slice %arg2[%add3A_108, %dma_start3A_113] : memref<160000x8xf32, #tpu.memory_space<hbm>> -> memref<40x8xf32, #tpu.memory_space<hbm>>
        %dma_start3A_115 = tpu.memref_slice %arg9[%sub3A_64] : memref<2x!tpu.dma_semaphore, #tpu.memory_space<semaphore_mem>> -> memref<1x!tpu.dma_semaphore, #tpu.memory_space<semaphore_mem>>
        %dma_start3A_116 = tpu.memref_squeeze %dma_start3A_115 : memref<1x!tpu.dma_semaphore, #tpu.memory_space<semaphore_mem>> -> memref<!tpu.dma_semaphore, #tpu.memory_space<semaphore_mem>>
        %dma_start3A_117 = arith.constant 0 : i32
        %dma_start3A_118 = arith.constant 0 : i32
        %dma_start3A_119 = tpu.memref_slice %arg7[%sub3A_64, %dma_start3A_117, %dma_start3A_118] : memref<2x40x8xf32, #tpu.memory_space<vmem>> -> memref<1x40x8xf32, #tpu.memory_space<vmem>>
        %dma_start3A_120 = tpu.memref_squeeze %dma_start3A_119 : memref<1x40x8xf32, #tpu.memory_space<vmem>> -> memref<40x8xf32, #tpu.memory_space<vmem>>
        %dma_start3A_121 = arith.constant 0 : i32
        %dma_start3A_122 = tpu.memref_slice %arg2[%add3A_108, %dma_start3A_121] : memref<160000x8xf32, #tpu.memory_space<hbm>> -> memref<40x8xf32, #tpu.memory_space<hbm>>
        tpu.enqueue_dma source(%dma_start3A_122 : memref<40x8xf32, #tpu.memory_space<hbm>>) target(%dma_start3A_120 : memref<40x8xf32, #tpu.memory_space<vmem>>) target_semaphore(%dma_start3A_116 : memref<!tpu.dma_semaphore, #tpu.memory_space<semaphore_mem>>)
      } else {
      }
      %mul3A_71 = arith.constant 40 : i32
      %mul3A_72 = arith.muli %scan3A_62, %mul3A_71 : i32
      %add3A_73 = arith.addi %add3A, %mul3A_72 : i32
      %dma_wait3A_74 = arith.constant 0 : i32
      %dma_wait3A_75 = arith.constant 0 : i32
      %dma_wait3A_76 = tpu.memref_slice %arg7[%rem3A_63, %dma_wait3A_74, %dma_wait3A_75] : memref<2x40x8xf32, #tpu.memory_space<vmem>> -> memref<1x40x8xf32, #tpu.memory_space<vmem>>
      %dma_wait3A_77 = tpu.memref_squeeze %dma_wait3A_76 : memref<1x40x8xf32, #tpu.memory_space<vmem>> -> memref<40x8xf32, #tpu.memory_space<vmem>>
      %dma_wait3A_78 = arith.constant 0 : i32
      %dma_wait3A_79 = tpu.memref_slice %arg2[%add3A_73, %dma_wait3A_78] : memref<160000x8xf32, #tpu.memory_space<hbm>> -> memref<40x8xf32, #tpu.memory_space<hbm>>
      %dma_wait3A_80 = tpu.memref_slice %arg9[%rem3A_63] : memref<2x!tpu.dma_semaphore, #tpu.memory_space<semaphore_mem>> -> memref<1x!tpu.dma_semaphore, #tpu.memory_space<semaphore_mem>>
      %dma_wait3A_81 = tpu.memref_squeeze %dma_wait3A_80 : memref<1x!tpu.dma_semaphore, #tpu.memory_space<semaphore_mem>> -> memref<!tpu.dma_semaphore, #tpu.memory_space<semaphore_mem>>
      %dma_wait3A_82 = arith.constant 0 : i32
      %dma_wait3A_83 = arith.constant 0 : i32
      %dma_wait3A_84 = tpu.memref_slice %arg7[%rem3A_63, %dma_wait3A_82, %dma_wait3A_83] : memref<2x40x8xf32, #tpu.memory_space<vmem>> -> memref<1x40x8xf32, #tpu.memory_space<vmem>>
      %dma_wait3A_85 = tpu.memref_squeeze %dma_wait3A_84 : memref<1x40x8xf32, #tpu.memory_space<vmem>> -> memref<40x8xf32, #tpu.memory_space<vmem>>
      %dma_wait3A_86 = arith.constant 0 : i32
      %dma_wait3A_87 = tpu.memref_slice %arg2[%add3A_73, %dma_wait3A_86] : memref<160000x8xf32, #tpu.memory_space<hbm>> -> memref<40x8xf32, #tpu.memory_space<hbm>>
      tpu.wait_dma2 semaphore(%dma_wait3A_81 : memref<!tpu.dma_semaphore, #tpu.memory_space<semaphore_mem>>) src(%dma_wait3A_87 : memref<40x8xf32, #tpu.memory_space<hbm>>) dst(%dma_wait3A_85 : memref<40x8xf32, #tpu.memory_space<vmem>>)
      %dma_start3A_88 = arith.constant 0 : i32
      %dma_start3A_89 = arith.constant 0 : i32
      %dma_start3A_90 = tpu.memref_slice %arg7[%rem3A_63, %dma_start3A_88, %dma_start3A_89] : memref<2x40x8xf32, #tpu.memory_space<vmem>> -> memref<1x40x8xf32, #tpu.memory_space<vmem>>
      %dma_start3A_91 = tpu.memref_squeeze %dma_start3A_90 : memref<1x40x8xf32, #tpu.memory_space<vmem>> -> memref<40x8xf32, #tpu.memory_space<vmem>>
      %dma_start3A_92 = arith.constant 0 : i32
      %dma_start3A_93 = tpu.memref_slice %arg6[%scan3A_62, %dma_start3A_92] : memref<125x40xi32, #tpu.memory_space<vmem>> -> memref<1x40xi32, #tpu.memory_space<vmem>>
      %dma_start3A_94 = tpu.memref_squeeze %dma_start3A_93 : memref<1x40xi32, #tpu.memory_space<vmem>> -> memref<40xi32, #tpu.memory_space<vmem>>
      %dma_start3A_95 = arith.constant 0 : i32
      %dma_start3A_96 = arith.constant 0 : i32
      %dma_start3A_97 = tpu.memref_slice %arg8[%dma_start3A_95, %dma_start3A_96] : memref<10000x8xf32, #tpu.memory_space<vmem_shared>> -> memref<10000x8xf32, #tpu.memory_space<vmem_shared>>
      %dma_start3A_98 = tpu.memref_slice %arg10[%rem3A_63] : memref<2x!tpu.dma_semaphore, #tpu.memory_space<semaphore_mem>> -> memref<1x!tpu.dma_semaphore, #tpu.memory_space<semaphore_mem>>
      %dma_start3A_99 = tpu.memref_squeeze %dma_start3A_98 : memref<1x!tpu.dma_semaphore, #tpu.memory_space<semaphore_mem>> -> memref<!tpu.dma_semaphore, #tpu.memory_space<semaphore_mem>>
      tpu.enqueue_indirect_dma source(%dma_start3A_91 : memref<40x8xf32, #tpu.memory_space<vmem>>) target(%dma_start3A_97 : memref<10000x8xf32, #tpu.memory_space<vmem_shared>>) offsets(%dma_start3A_94 : memref<40xi32, #tpu.memory_space<vmem>>) semaphore(%dma_start3A_99 : memref<!tpu.dma_semaphore, #tpu.memory_space<semaphore_mem>>) {add = true}
    }
    %scan3A_26 = arith.constant 125 : i32
    %dma_wait3A = arith.constant 1 : i32
    %dma_wait3A_27 = arith.constant 123 : i32
    %dma_wait3A_28 = arith.constant 1 : i32
    %dma_wait3A_29 = arith.constant 0 : i32
    %dma_wait3A_30 = arith.constant 0 : i32
    %dma_wait3A_31 = tpu.memref_slice %arg7[%dma_wait3A, %dma_wait3A_29, %dma_wait3A_30] : memref<2x40x8xf32, #tpu.memory_space<vmem>> -> memref<1x40x8xf32, #tpu.memory_space<vmem>>
    %dma_wait3A_32 = tpu.memref_squeeze %dma_wait3A_31 : memref<1x40x8xf32, #tpu.memory_space<vmem>> -> memref<40x8xf32, #tpu.memory_space<vmem>>
    %dma_wait3A_33 = arith.constant 0 : i32
    %dma_wait3A_34 = tpu.memref_slice %arg6[%dma_wait3A_27, %dma_wait3A_33] : memref<125x40xi32, #tpu.memory_space<vmem>> -> memref<1x40xi32, #tpu.memory_space<vmem>>
    %dma_wait3A_35 = tpu.memref_squeeze %dma_wait3A_34 : memref<1x40xi32, #tpu.memory_space<vmem>> -> memref<40xi32, #tpu.memory_space<vmem>>
    %dma_wait3A_36 = arith.constant 0 : i32
    %dma_wait3A_37 = arith.constant 0 : i32
    %dma_wait3A_38 = tpu.memref_slice %arg8[%dma_wait3A_36, %dma_wait3A_37] : memref<10000x8xf32, #tpu.memory_space<vmem_shared>> -> memref<10000x8xf32, #tpu.memory_space<vmem_shared>>
    %dma_wait3A_39 = tpu.memref_slice %arg10[%dma_wait3A_28] : memref<2x!tpu.dma_semaphore, #tpu.memory_space<semaphore_mem>> -> memref<1x!tpu.dma_semaphore, #tpu.memory_space<semaphore_mem>>
    %dma_wait3A_40 = tpu.memref_squeeze %dma_wait3A_39 : memref<1x!tpu.dma_semaphore, #tpu.memory_space<semaphore_mem>> -> memref<!tpu.dma_semaphore, #tpu.memory_space<semaphore_mem>>
    tpu.wait_indirect_dma semaphore(%dma_wait3A_40 : memref<!tpu.dma_semaphore, #tpu.memory_space<semaphore_mem>>) src(%dma_wait3A_32 : memref<40x8xf32, #tpu.memory_space<vmem>>) dst(%dma_wait3A_38 : memref<10000x8xf32, #tpu.memory_space<vmem_shared>>)
    %dma_wait3A_41 = arith.constant 0 : i32
    %dma_wait3A_42 = arith.constant 124 : i32
    %dma_wait3A_43 = arith.constant 0 : i32
    %dma_wait3A_44 = arith.constant 0 : i32
    %dma_wait3A_45 = arith.constant 0 : i32
    %dma_wait3A_46 = tpu.memref_slice %arg7[%dma_wait3A_41, %dma_wait3A_44, %dma_wait3A_45] : memref<2x40x8xf32, #tpu.memory_space<vmem>> -> memref<1x40x8xf32, #tpu.memory_space<vmem>>
    %dma_wait3A_47 = tpu.memref_squeeze %dma_wait3A_46 : memref<1x40x8xf32, #tpu.memory_space<vmem>> -> memref<40x8xf32, #tpu.memory_space<vmem>>
    %dma_wait3A_48 = arith.constant 0 : i32
    %dma_wait3A_49 = tpu.memref_slice %arg6[%dma_wait3A_42, %dma_wait3A_48] : memref<125x40xi32, #tpu.memory_space<vmem>> -> memref<1x40xi32, #tpu.memory_space<vmem>>
    %dma_wait3A_50 = tpu.memref_squeeze %dma_wait3A_49 : memref<1x40xi32, #tpu.memory_space<vmem>> -> memref<40xi32, #tpu.memory_space<vmem>>
    %dma_wait3A_51 = arith.constant 0 : i32
    %dma_wait3A_52 = arith.constant 0 : i32
    %dma_wait3A_53 = tpu.memref_slice %arg8[%dma_wait3A_51, %dma_wait3A_52] : memref<10000x8xf32, #tpu.memory_space<vmem_shared>> -> memref<10000x8xf32, #tpu.memory_space<vmem_shared>>
    %dma_wait3A_54 = tpu.memref_slice %arg10[%dma_wait3A_43] : memref<2x!tpu.dma_semaphore, #tpu.memory_space<semaphore_mem>> -> memref<1x!tpu.dma_semaphore, #tpu.memory_space<semaphore_mem>>
    %dma_wait3A_55 = tpu.memref_squeeze %dma_wait3A_54 : memref<1x!tpu.dma_semaphore, #tpu.memory_space<semaphore_mem>> -> memref<!tpu.dma_semaphore, #tpu.memory_space<semaphore_mem>>
    tpu.wait_indirect_dma semaphore(%dma_wait3A_55 : memref<!tpu.dma_semaphore, #tpu.memory_space<semaphore_mem>>) src(%dma_wait3A_47 : memref<40x8xf32, #tpu.memory_space<vmem>>) dst(%dma_wait3A_53 : memref<10000x8xf32, #tpu.memory_space<vmem_shared>>)
    %barrier3A_56 = arith.constant 0 : index
    tpu.barrier barrier_id(%barrier3A_56)
    %eq3A_57 = arith.constant 0 : i32
    %eq3A_58 = arith.cmpi eq, %arg1, %eq3A_57 : i32
    %convert_element_type3A_59 = arith.extui %eq3A_58 : i1 to i32
    %cond3A_60 = arith.constant 0 : i32
    %cond3A_61 = arith.cmpi ne, %convert_element_type3A_59, %cond3A_60 : i32
    scf.if %cond3A_61 {
      "tpu.region"() ({
        %run_scoped3A = tpu.sem_alloc : memref<!tpu.dma_semaphore, #tpu.memory_space<semaphore_mem>>
        %dma_start3A_62 = arith.constant 0 : i32
        %dma_start3A_63 = arith.constant 0 : i32
        %dma_start3A_64 = tpu.memref_slice %arg5[%arg0, %dma_start3A_62, %dma_start3A_63] : memref<2x10000x8xf32, #tpu.memory_space<hbm>> -> memref<1x10000x8xf32, #tpu.memory_space<hbm>>
        %dma_start3A_65 = tpu.memref_squeeze %dma_start3A_64 : memref<1x10000x8xf32, #tpu.memory_space<hbm>> -> memref<10000x8xf32, #tpu.memory_space<hbm>>
        tpu.enqueue_dma source(%arg8 : memref<10000x8xf32, #tpu.memory_space<vmem_shared>>) target(%dma_start3A_65 : memref<10000x8xf32, #tpu.memory_space<hbm>>) target_semaphore(%run_scoped3A : memref<!tpu.dma_semaphore, #tpu.memory_space<semaphore_mem>>)
        %dma_wait3A_66 = arith.constant 0 : i32
        %dma_wait3A_67 = arith.constant 0 : i32
        %dma_wait3A_68 = tpu.memref_slice %arg5[%arg0, %dma_wait3A_66, %dma_wait3A_67] : memref<2x10000x8xf32, #tpu.memory_space<hbm>> -> memref<1x10000x8xf32, #tpu.memory_space<hbm>>
        %dma_wait3A_69 = tpu.memref_squeeze %dma_wait3A_68 : memref<1x10000x8xf32, #tpu.memory_space<hbm>> -> memref<10000x8xf32, #tpu.memory_space<hbm>>
        tpu.wait_dma2 semaphore(%run_scoped3A : memref<!tpu.dma_semaphore, #tpu.memory_space<semaphore_mem>>) src(%arg8 : memref<10000x8xf32, #tpu.memory_space<vmem_shared>>) dst(%dma_wait3A_69 : memref<10000x8xf32, #tpu.memory_space<hbm>>)
        tpu.yield
      }) : () -> ()
    } else {
    }
    return
  }
}

#map = affine_map<(d0, d1) -> (0, 0)>
#map1 = affine_map<(d0, d1) -> (0, 0, 0, 0)>
module attributes {stable_mosaic.version = 14 : i64} {
  func.func @body(%arg0: i32, %arg1: i32, %arg2: memref<10000x128xf32, #tpu.memory_space<hbm>>, %arg3: memref<10000x128xf32, #tpu.memory_space<hbm>>, %arg4: memref<2x16x125x40xi32, #tpu.memory_space<hbm>>, %arg5: memref<2x16x125x40xi32, #tpu.memory_space<hbm>>, %arg6: memref<160000x128xf32, #tpu.memory_space<hbm>>, %arg7: memref<160000x128xf32, #tpu.memory_space<hbm>>, %arg8: memref<125x40xi32, #tpu.memory_space<vmem>>, %arg9: memref<125x40xi32, #tpu.memory_space<vmem>>, %arg10: memref<2x40x128xf32, #tpu.memory_space<vmem>>, %arg11: memref<2x40x128xf32, #tpu.memory_space<vmem>>, %arg12: memref<2x!tpu.dma_semaphore, #tpu.memory_space<semaphore_mem>>, %arg13: memref<2x!tpu.dma_semaphore, #tpu.memory_space<semaphore_mem>>) attributes {dimension_semantics = [#tpu.dimension_semantics<core_parallel>, #tpu.dimension_semantics<subcore_parallel>], iteration_bounds = array<i64: 2, 16>, scalar_prefetch = 0 : i64, scratch_operands = 6 : i64, tpu.core_type = #tpu.core_type<sc_vector_subcore>, window_params = [{transform_indices = #map}, {transform_indices = #map}, {transform_indices = #map1}, {transform_indices = #map1}, {transform_indices = #map}, {transform_indices = #map}]} {
    %mul3A = arith.constant 16 : i32
    %mul3A_0 = arith.muli %arg0, %mul3A : i32
    %add3A = arith.addi %mul3A_0, %arg1 : i32
    %mul3A_1 = arith.constant 5000 : i32
    %mul3A_2 = arith.muli %add3A, %mul3A_1 : i32
    "tpu.region"() ({
      %run_scoped3A = tpu.sem_alloc : memref<!tpu.dma_semaphore, #tpu.memory_space<semaphore_mem>>
      %dma_start3A_104 = arith.constant 0 : i32
      %dma_start3A_105 = arith.constant 0 : i32
      %dma_start3A_106 = tpu.memref_slice %arg4[%arg0, %arg1, %dma_start3A_104, %dma_start3A_105] : memref<2x16x125x40xi32, #tpu.memory_space<hbm>> -> memref<1x1x125x40xi32, #tpu.memory_space<hbm>>
      %dma_start3A_107 = tpu.memref_squeeze %dma_start3A_106 : memref<1x1x125x40xi32, #tpu.memory_space<hbm>> -> memref<125x40xi32, #tpu.memory_space<hbm>>
      %dma_start3A_108 = arith.constant 0 : i32
      %dma_start3A_109 = arith.constant 0 : i32
      %dma_start3A_110 = tpu.memref_slice %arg4[%arg0, %arg1, %dma_start3A_108, %dma_start3A_109] : memref<2x16x125x40xi32, #tpu.memory_space<hbm>> -> memref<1x1x125x40xi32, #tpu.memory_space<hbm>>
      %dma_start3A_111 = tpu.memref_squeeze %dma_start3A_110 : memref<1x1x125x40xi32, #tpu.memory_space<hbm>> -> memref<125x40xi32, #tpu.memory_space<hbm>>
      tpu.enqueue_dma source(%dma_start3A_111 : memref<125x40xi32, #tpu.memory_space<hbm>>) target(%arg8 : memref<125x40xi32, #tpu.memory_space<vmem>>) target_semaphore(%run_scoped3A : memref<!tpu.dma_semaphore, #tpu.memory_space<semaphore_mem>>)
      %dma_wait3A_112 = arith.constant 0 : i32
      %dma_wait3A_113 = arith.constant 0 : i32
      %dma_wait3A_114 = tpu.memref_slice %arg4[%arg0, %arg1, %dma_wait3A_112, %dma_wait3A_113] : memref<2x16x125x40xi32, #tpu.memory_space<hbm>> -> memref<1x1x125x40xi32, #tpu.memory_space<hbm>>
      %dma_wait3A_115 = tpu.memref_squeeze %dma_wait3A_114 : memref<1x1x125x40xi32, #tpu.memory_space<hbm>> -> memref<125x40xi32, #tpu.memory_space<hbm>>
      %dma_wait3A_116 = arith.constant 0 : i32
      %dma_wait3A_117 = arith.constant 0 : i32
      %dma_wait3A_118 = tpu.memref_slice %arg4[%arg0, %arg1, %dma_wait3A_116, %dma_wait3A_117] : memref<2x16x125x40xi32, #tpu.memory_space<hbm>> -> memref<1x1x125x40xi32, #tpu.memory_space<hbm>>
      %dma_wait3A_119 = tpu.memref_squeeze %dma_wait3A_118 : memref<1x1x125x40xi32, #tpu.memory_space<hbm>> -> memref<125x40xi32, #tpu.memory_space<hbm>>
      tpu.wait_dma2 semaphore(%run_scoped3A : memref<!tpu.dma_semaphore, #tpu.memory_space<semaphore_mem>>) src(%dma_wait3A_119 : memref<125x40xi32, #tpu.memory_space<hbm>>) dst(%arg8 : memref<125x40xi32, #tpu.memory_space<vmem>>)
      tpu.yield
    }) : () -> ()
    "tpu.region"() ({
      %run_scoped3A = tpu.sem_alloc : memref<!tpu.dma_semaphore, #tpu.memory_space<semaphore_mem>>
      %dma_start3A_104 = arith.constant 0 : i32
      %dma_start3A_105 = arith.constant 0 : i32
      %dma_start3A_106 = tpu.memref_slice %arg5[%arg0, %arg1, %dma_start3A_104, %dma_start3A_105] : memref<2x16x125x40xi32, #tpu.memory_space<hbm>> -> memref<1x1x125x40xi32, #tpu.memory_space<hbm>>
      %dma_start3A_107 = tpu.memref_squeeze %dma_start3A_106 : memref<1x1x125x40xi32, #tpu.memory_space<hbm>> -> memref<125x40xi32, #tpu.memory_space<hbm>>
      %dma_start3A_108 = arith.constant 0 : i32
      %dma_start3A_109 = arith.constant 0 : i32
      %dma_start3A_110 = tpu.memref_slice %arg5[%arg0, %arg1, %dma_start3A_108, %dma_start3A_109] : memref<2x16x125x40xi32, #tpu.memory_space<hbm>> -> memref<1x1x125x40xi32, #tpu.memory_space<hbm>>
      %dma_start3A_111 = tpu.memref_squeeze %dma_start3A_110 : memref<1x1x125x40xi32, #tpu.memory_space<hbm>> -> memref<125x40xi32, #tpu.memory_space<hbm>>
      tpu.enqueue_dma source(%dma_start3A_111 : memref<125x40xi32, #tpu.memory_space<hbm>>) target(%arg9 : memref<125x40xi32, #tpu.memory_space<vmem>>) target_semaphore(%run_scoped3A : memref<!tpu.dma_semaphore, #tpu.memory_space<semaphore_mem>>)
      %dma_wait3A_112 = arith.constant 0 : i32
      %dma_wait3A_113 = arith.constant 0 : i32
      %dma_wait3A_114 = tpu.memref_slice %arg5[%arg0, %arg1, %dma_wait3A_112, %dma_wait3A_113] : memref<2x16x125x40xi32, #tpu.memory_space<hbm>> -> memref<1x1x125x40xi32, #tpu.memory_space<hbm>>
      %dma_wait3A_115 = tpu.memref_squeeze %dma_wait3A_114 : memref<1x1x125x40xi32, #tpu.memory_space<hbm>> -> memref<125x40xi32, #tpu.memory_space<hbm>>
      %dma_wait3A_116 = arith.constant 0 : i32
      %dma_wait3A_117 = arith.constant 0 : i32
      %dma_wait3A_118 = tpu.memref_slice %arg5[%arg0, %arg1, %dma_wait3A_116, %dma_wait3A_117] : memref<2x16x125x40xi32, #tpu.memory_space<hbm>> -> memref<1x1x125x40xi32, #tpu.memory_space<hbm>>
      %dma_wait3A_119 = tpu.memref_squeeze %dma_wait3A_118 : memref<1x1x125x40xi32, #tpu.memory_space<hbm>> -> memref<125x40xi32, #tpu.memory_space<hbm>>
      tpu.wait_dma2 semaphore(%run_scoped3A : memref<!tpu.dma_semaphore, #tpu.memory_space<semaphore_mem>>) src(%dma_wait3A_119 : memref<125x40xi32, #tpu.memory_space<hbm>>) dst(%arg9 : memref<125x40xi32, #tpu.memory_space<vmem>>)
      tpu.yield
    }) : () -> ()
    %dma_start3A = arith.constant 0 : i32
    %dma_start3A_3 = arith.constant 0 : i32
    %dma_start3A_4 = arith.constant 0 : i32
    %dma_start3A_5 = arith.constant 0 : i32
    %dma_start3A_6 = arith.constant 0 : i32
    %dma_start3A_7 = tpu.memref_slice %arg10[%dma_start3A_3, %dma_start3A_5, %dma_start3A_6] : memref<2x40x128xf32, #tpu.memory_space<vmem>> -> memref<1x40x128xf32, #tpu.memory_space<vmem>>
    %dma_start3A_8 = tpu.memref_squeeze %dma_start3A_7 : memref<1x40x128xf32, #tpu.memory_space<vmem>> -> memref<40x128xf32, #tpu.memory_space<vmem>>
    %dma_start3A_9 = arith.constant 0 : i32
    %dma_start3A_10 = tpu.memref_slice %arg8[%dma_start3A, %dma_start3A_9] : memref<125x40xi32, #tpu.memory_space<vmem>> -> memref<1x40xi32, #tpu.memory_space<vmem>>
    %dma_start3A_11 = tpu.memref_squeeze %dma_start3A_10 : memref<1x40xi32, #tpu.memory_space<vmem>> -> memref<40xi32, #tpu.memory_space<vmem>>
    %dma_start3A_12 = arith.constant 0 : i32
    %dma_start3A_13 = arith.constant 0 : i32
    %dma_start3A_14 = tpu.memref_slice %arg2[%dma_start3A_12, %dma_start3A_13] : memref<10000x128xf32, #tpu.memory_space<hbm>> -> memref<10000x128xf32, #tpu.memory_space<hbm>>
    %dma_start3A_15 = tpu.memref_slice %arg12[%dma_start3A_4] : memref<2x!tpu.dma_semaphore, #tpu.memory_space<semaphore_mem>> -> memref<1x!tpu.dma_semaphore, #tpu.memory_space<semaphore_mem>>
    %dma_start3A_16 = tpu.memref_squeeze %dma_start3A_15 : memref<1x!tpu.dma_semaphore, #tpu.memory_space<semaphore_mem>> -> memref<!tpu.dma_semaphore, #tpu.memory_space<semaphore_mem>>
    tpu.enqueue_indirect_dma source(%dma_start3A_14 : memref<10000x128xf32, #tpu.memory_space<hbm>>) target(%dma_start3A_8 : memref<40x128xf32, #tpu.memory_space<vmem>>) offsets(%dma_start3A_11 : memref<40xi32, #tpu.memory_space<vmem>>) semaphore(%dma_start3A_16 : memref<!tpu.dma_semaphore, #tpu.memory_space<semaphore_mem>>)
    %dma_start3A_17 = arith.constant 0 : i32
    %dma_start3A_18 = arith.constant 0 : i32
    %dma_start3A_19 = arith.constant 0 : i32
    %dma_start3A_20 = arith.constant 0 : i32
    %dma_start3A_21 = arith.constant 0 : i32
    %dma_start3A_22 = tpu.memref_slice %arg11[%dma_start3A_18, %dma_start3A_20, %dma_start3A_21] : memref<2x40x128xf32, #tpu.memory_space<vmem>> -> memref<1x40x128xf32, #tpu.memory_space<vmem>>
    %dma_start3A_23 = tpu.memref_squeeze %dma_start3A_22 : memref<1x40x128xf32, #tpu.memory_space<vmem>> -> memref<40x128xf32, #tpu.memory_space<vmem>>
    %dma_start3A_24 = arith.constant 0 : i32
    %dma_start3A_25 = tpu.memref_slice %arg9[%dma_start3A_17, %dma_start3A_24] : memref<125x40xi32, #tpu.memory_space<vmem>> -> memref<1x40xi32, #tpu.memory_space<vmem>>
    %dma_start3A_26 = tpu.memref_squeeze %dma_start3A_25 : memref<1x40xi32, #tpu.memory_space<vmem>> -> memref<40xi32, #tpu.memory_space<vmem>>
    %dma_start3A_27 = arith.constant 0 : i32
    %dma_start3A_28 = arith.constant 0 : i32
    %dma_start3A_29 = tpu.memref_slice %arg3[%dma_start3A_27, %dma_start3A_28] : memref<10000x128xf32, #tpu.memory_space<hbm>> -> memref<10000x128xf32, #tpu.memory_space<hbm>>
    %dma_start3A_30 = tpu.memref_slice %arg12[%dma_start3A_19] : memref<2x!tpu.dma_semaphore, #tpu.memory_space<semaphore_mem>> -> memref<1x!tpu.dma_semaphore, #tpu.memory_space<semaphore_mem>>
    %dma_start3A_31 = tpu.memref_squeeze %dma_start3A_30 : memref<1x!tpu.dma_semaphore, #tpu.memory_space<semaphore_mem>> -> memref<!tpu.dma_semaphore, #tpu.memory_space<semaphore_mem>>
    tpu.enqueue_indirect_dma source(%dma_start3A_29 : memref<10000x128xf32, #tpu.memory_space<hbm>>) target(%dma_start3A_23 : memref<40x128xf32, #tpu.memory_space<vmem>>) offsets(%dma_start3A_26 : memref<40xi32, #tpu.memory_space<vmem>>) semaphore(%dma_start3A_31 : memref<!tpu.dma_semaphore, #tpu.memory_space<semaphore_mem>>)
    %scan3A = arith.constant 0 : i32
    %scan3A_32 = arith.constant 0 : i32
    %scan3A_33 = arith.constant 125 : i32
    %scan3A_34 = arith.addi %scan3A_32, %scan3A_33 : i32
    %scan3A_35 = arith.constant 1 : i32
    scf.for %scan3A_104 = %scan3A_32 to %scan3A_34 step %scan3A_35  : i32 {
      %rem3A = arith.constant 2 : i32
      %rem3A_105 = arith.remsi %scan3A_104, %rem3A : i32
      %sub3A = arith.constant 1 : i32
      %sub3A_106 = arith.subi %sub3A, %rem3A_105 : i32
      %add3A_107 = arith.constant 1 : i32
      %add3A_108 = arith.addi %scan3A_104, %add3A_107 : i32
      %lt3A = arith.constant 125 : i32
      %lt3A_109 = arith.cmpi slt, %add3A_108, %lt3A : i32
      %convert_element_type3A = arith.extui %lt3A_109 : i1 to i32
      %cond3A = arith.constant 0 : i32
      %cond3A_110 = arith.cmpi ne, %convert_element_type3A, %cond3A : i32
      scf.if %cond3A_110 {
        %ge3A = arith.constant 1 : i32
        %ge3A_166 = arith.cmpi sge, %scan3A_104, %ge3A : i32
        %convert_element_type3A_167 = arith.extui %ge3A_166 : i1 to i32
        %cond3A_168 = arith.constant 0 : i32
        %cond3A_169 = arith.cmpi ne, %convert_element_type3A_167, %cond3A_168 : i32
        scf.if %cond3A_169 {
          %sub3A_196 = arith.constant 1 : i32
          %sub3A_197 = arith.subi %scan3A_104, %sub3A_196 : i32
          %mul3A_198 = arith.constant 40 : i32
          %mul3A_199 = arith.muli %sub3A_197, %mul3A_198 : i32
          %add3A_200 = arith.addi %mul3A_2, %mul3A_199 : i32
          %dma_wait3A_201 = arith.constant 0 : i32
          %dma_wait3A_202 = arith.constant 0 : i32
          %dma_wait3A_203 = tpu.memref_slice %arg10[%sub3A_106, %dma_wait3A_201, %dma_wait3A_202] : memref<2x40x128xf32, #tpu.memory_space<vmem>> -> memref<1x40x128xf32, #tpu.memory_space<vmem>>
          %dma_wait3A_204 = tpu.memref_squeeze %dma_wait3A_203 : memref<1x40x128xf32, #tpu.memory_space<vmem>> -> memref<40x128xf32, #tpu.memory_space<vmem>>
          %dma_wait3A_205 = arith.constant 0 : i32
          %dma_wait3A_206 = tpu.memref_slice %arg6[%add3A_200, %dma_wait3A_205] : memref<160000x128xf32, #tpu.memory_space<hbm>> -> memref<40x128xf32, #tpu.memory_space<hbm>>
          %dma_wait3A_207 = tpu.memref_slice %arg13[%sub3A_106] : memref<2x!tpu.dma_semaphore, #tpu.memory_space<semaphore_mem>> -> memref<1x!tpu.dma_semaphore, #tpu.memory_space<semaphore_mem>>
          %dma_wait3A_208 = tpu.memref_squeeze %dma_wait3A_207 : memref<1x!tpu.dma_semaphore, #tpu.memory_space<semaphore_mem>> -> memref<!tpu.dma_semaphore, #tpu.memory_space<semaphore_mem>>
          %dma_wait3A_209 = arith.constant 0 : i32
          %dma_wait3A_210 = tpu.memref_slice %arg6[%add3A_200, %dma_wait3A_209] : memref<160000x128xf32, #tpu.memory_space<hbm>> -> memref<40x128xf32, #tpu.memory_space<hbm>>
          %dma_wait3A_211 = arith.constant 0 : i32
          %dma_wait3A_212 = arith.constant 0 : i32
          %dma_wait3A_213 = tpu.memref_slice %arg10[%sub3A_106, %dma_wait3A_211, %dma_wait3A_212] : memref<2x40x128xf32, #tpu.memory_space<vmem>> -> memref<1x40x128xf32, #tpu.memory_space<vmem>>
          %dma_wait3A_214 = tpu.memref_squeeze %dma_wait3A_213 : memref<1x40x128xf32, #tpu.memory_space<vmem>> -> memref<40x128xf32, #tpu.memory_space<vmem>>
          tpu.wait_dma2 semaphore(%dma_wait3A_208 : memref<!tpu.dma_semaphore, #tpu.memory_space<semaphore_mem>>) src(%dma_wait3A_214 : memref<40x128xf32, #tpu.memory_space<vmem>>) dst(%dma_wait3A_210 : memref<40x128xf32, #tpu.memory_space<hbm>>)
          %dma_wait3A_215 = arith.constant 0 : i32
          %dma_wait3A_216 = arith.constant 0 : i32
          %dma_wait3A_217 = tpu.memref_slice %arg11[%sub3A_106, %dma_wait3A_215, %dma_wait3A_216] : memref<2x40x128xf32, #tpu.memory_space<vmem>> -> memref<1x40x128xf32, #tpu.memory_space<vmem>>
          %dma_wait3A_218 = tpu.memref_squeeze %dma_wait3A_217 : memref<1x40x128xf32, #tpu.memory_space<vmem>> -> memref<40x128xf32, #tpu.memory_space<vmem>>
          %dma_wait3A_219 = arith.constant 0 : i32
          %dma_wait3A_220 = tpu.memref_slice %arg7[%add3A_200, %dma_wait3A_219] : memref<160000x128xf32, #tpu.memory_space<hbm>> -> memref<40x128xf32, #tpu.memory_space<hbm>>
          %dma_wait3A_221 = tpu.memref_slice %arg13[%sub3A_106] : memref<2x!tpu.dma_semaphore, #tpu.memory_space<semaphore_mem>> -> memref<1x!tpu.dma_semaphore, #tpu.memory_space<semaphore_mem>>
          %dma_wait3A_222 = tpu.memref_squeeze %dma_wait3A_221 : memref<1x!tpu.dma_semaphore, #tpu.memory_space<semaphore_mem>> -> memref<!tpu.dma_semaphore, #tpu.memory_space<semaphore_mem>>
          %dma_wait3A_223 = arith.constant 0 : i32
          %dma_wait3A_224 = tpu.memref_slice %arg7[%add3A_200, %dma_wait3A_223] : memref<160000x128xf32, #tpu.memory_space<hbm>> -> memref<40x128xf32, #tpu.memory_space<hbm>>
          %dma_wait3A_225 = arith.constant 0 : i32
          %dma_wait3A_226 = arith.constant 0 : i32
          %dma_wait3A_227 = tpu.memref_slice %arg11[%sub3A_106, %dma_wait3A_225, %dma_wait3A_226] : memref<2x40x128xf32, #tpu.memory_space<vmem>> -> memref<1x40x128xf32, #tpu.memory_space<vmem>>
          %dma_wait3A_228 = tpu.memref_squeeze %dma_wait3A_227 : memref<1x40x128xf32, #tpu.memory_space<vmem>> -> memref<40x128xf32, #tpu.memory_space<vmem>>
          tpu.wait_dma2 semaphore(%dma_wait3A_222 : memref<!tpu.dma_semaphore, #tpu.memory_space<semaphore_mem>>) src(%dma_wait3A_228 : memref<40x128xf32, #tpu.memory_space<vmem>>) dst(%dma_wait3A_224 : memref<40x128xf32, #tpu.memory_space<hbm>>)
        } else {
        }
        %add3A_170 = arith.constant 1 : i32
        %add3A_171 = arith.addi %scan3A_104, %add3A_170 : i32
        %dma_start3A_172 = arith.constant 0 : i32
        %dma_start3A_173 = arith.constant 0 : i32
        %dma_start3A_174 = tpu.memref_slice %arg10[%sub3A_106, %dma_start3A_172, %dma_start3A_173] : memref<2x40x128xf32, #tpu.memory_space<vmem>> -> memref<1x40x128xf32, #tpu.memory_space<vmem>>
        %dma_start3A_175 = tpu.memref_squeeze %dma_start3A_174 : memref<1x40x128xf32, #tpu.memory_space<vmem>> -> memref<40x128xf32, #tpu.memory_space<vmem>>
        %dma_start3A_176 = arith.constant 0 : i32
        %dma_start3A_177 = tpu.memref_slice %arg8[%add3A_171, %dma_start3A_176] : memref<125x40xi32, #tpu.memory_space<vmem>> -> memref<1x40xi32, #tpu.memory_space<vmem>>
        %dma_start3A_178 = tpu.memref_squeeze %dma_start3A_177 : memref<1x40xi32, #tpu.memory_space<vmem>> -> memref<40xi32, #tpu.memory_space<vmem>>
        %dma_start3A_179 = arith.constant 0 : i32
        %dma_start3A_180 = arith.constant 0 : i32
        %dma_start3A_181 = tpu.memref_slice %arg2[%dma_start3A_179, %dma_start3A_180] : memref<10000x128xf32, #tpu.memory_space<hbm>> -> memref<10000x128xf32, #tpu.memory_space<hbm>>
        %dma_start3A_182 = tpu.memref_slice %arg12[%sub3A_106] : memref<2x!tpu.dma_semaphore, #tpu.memory_space<semaphore_mem>> -> memref<1x!tpu.dma_semaphore, #tpu.memory_space<semaphore_mem>>
        %dma_start3A_183 = tpu.memref_squeeze %dma_start3A_182 : memref<1x!tpu.dma_semaphore, #tpu.memory_space<semaphore_mem>> -> memref<!tpu.dma_semaphore, #tpu.memory_space<semaphore_mem>>
        tpu.enqueue_indirect_dma source(%dma_start3A_181 : memref<10000x128xf32, #tpu.memory_space<hbm>>) target(%dma_start3A_175 : memref<40x128xf32, #tpu.memory_space<vmem>>) offsets(%dma_start3A_178 : memref<40xi32, #tpu.memory_space<vmem>>) semaphore(%dma_start3A_183 : memref<!tpu.dma_semaphore, #tpu.memory_space<semaphore_mem>>)
        %dma_start3A_184 = arith.constant 0 : i32
        %dma_start3A_185 = arith.constant 0 : i32
        %dma_start3A_186 = tpu.memref_slice %arg11[%sub3A_106, %dma_start3A_184, %dma_start3A_185] : memref<2x40x128xf32, #tpu.memory_space<vmem>> -> memref<1x40x128xf32, #tpu.memory_space<vmem>>
        %dma_start3A_187 = tpu.memref_squeeze %dma_start3A_186 : memref<1x40x128xf32, #tpu.memory_space<vmem>> -> memref<40x128xf32, #tpu.memory_space<vmem>>
        %dma_start3A_188 = arith.constant 0 : i32
        %dma_start3A_189 = tpu.memref_slice %arg9[%add3A_171, %dma_start3A_188] : memref<125x40xi32, #tpu.memory_space<vmem>> -> memref<1x40xi32, #tpu.memory_space<vmem>>
        %dma_start3A_190 = tpu.memref_squeeze %dma_start3A_189 : memref<1x40xi32, #tpu.memory_space<vmem>> -> memref<40xi32, #tpu.memory_space<vmem>>
        %dma_start3A_191 = arith.constant 0 : i32
        %dma_start3A_192 = arith.constant 0 : i32
        %dma_start3A_193 = tpu.memref_slice %arg3[%dma_start3A_191, %dma_start3A_192] : memref<10000x128xf32, #tpu.memory_space<hbm>> -> memref<10000x128xf32, #tpu.memory_space<hbm>>
        %dma_start3A_194 = tpu.memref_slice %arg12[%sub3A_106] : memref<2x!tpu.dma_semaphore, #tpu.memory_space<semaphore_mem>> -> memref<1x!tpu.dma_semaphore, #tpu.memory_space<semaphore_mem>>
        %dma_start3A_195 = tpu.memref_squeeze %dma_start3A_194 : memref<1x!tpu.dma_semaphore, #tpu.memory_space<semaphore_mem>> -> memref<!tpu.dma_semaphore, #tpu.memory_space<semaphore_mem>>
        tpu.enqueue_indirect_dma source(%dma_start3A_193 : memref<10000x128xf32, #tpu.memory_space<hbm>>) target(%dma_start3A_187 : memref<40x128xf32, #tpu.memory_space<vmem>>) offsets(%dma_start3A_190 : memref<40xi32, #tpu.memory_space<vmem>>) semaphore(%dma_start3A_195 : memref<!tpu.dma_semaphore, #tpu.memory_space<semaphore_mem>>)
      } else {
      }
      %dma_wait3A_111 = arith.constant 0 : i32
      %dma_wait3A_112 = arith.constant 0 : i32
      %dma_wait3A_113 = tpu.memref_slice %arg10[%rem3A_105, %dma_wait3A_111, %dma_wait3A_112] : memref<2x40x128xf32, #tpu.memory_space<vmem>> -> memref<1x40x128xf32, #tpu.memory_space<vmem>>
      %dma_wait3A_114 = tpu.memref_squeeze %dma_wait3A_113 : memref<1x40x128xf32, #tpu.memory_space<vmem>> -> memref<40x128xf32, #tpu.memory_space<vmem>>
      %dma_wait3A_115 = arith.constant 0 : i32
      %dma_wait3A_116 = tpu.memref_slice %arg8[%scan3A_104, %dma_wait3A_115] : memref<125x40xi32, #tpu.memory_space<vmem>> -> memref<1x40xi32, #tpu.memory_space<vmem>>
      %dma_wait3A_117 = tpu.memref_squeeze %dma_wait3A_116 : memref<1x40xi32, #tpu.memory_space<vmem>> -> memref<40xi32, #tpu.memory_space<vmem>>
      %dma_wait3A_118 = arith.constant 0 : i32
      %dma_wait3A_119 = arith.constant 0 : i32
      %dma_wait3A_120 = tpu.memref_slice %arg2[%dma_wait3A_118, %dma_wait3A_119] : memref<10000x128xf32, #tpu.memory_space<hbm>> -> memref<10000x128xf32, #tpu.memory_space<hbm>>
      %dma_wait3A_121 = tpu.memref_slice %arg12[%rem3A_105] : memref<2x!tpu.dma_semaphore, #tpu.memory_space<semaphore_mem>> -> memref<1x!tpu.dma_semaphore, #tpu.memory_space<semaphore_mem>>
      %dma_wait3A_122 = tpu.memref_squeeze %dma_wait3A_121 : memref<1x!tpu.dma_semaphore, #tpu.memory_space<semaphore_mem>> -> memref<!tpu.dma_semaphore, #tpu.memory_space<semaphore_mem>>
      tpu.wait_indirect_dma semaphore(%dma_wait3A_122 : memref<!tpu.dma_semaphore, #tpu.memory_space<semaphore_mem>>) src(%dma_wait3A_120 : memref<10000x128xf32, #tpu.memory_space<hbm>>) dst(%dma_wait3A_114 : memref<40x128xf32, #tpu.memory_space<vmem>>)
      %dma_wait3A_123 = arith.constant 0 : i32
      %dma_wait3A_124 = arith.constant 0 : i32
      %dma_wait3A_125 = tpu.memref_slice %arg11[%rem3A_105, %dma_wait3A_123, %dma_wait3A_124] : memref<2x40x128xf32, #tpu.memory_space<vmem>> -> memref<1x40x128xf32, #tpu.memory_space<vmem>>
      %dma_wait3A_126 = tpu.memref_squeeze %dma_wait3A_125 : memref<1x40x128xf32, #tpu.memory_space<vmem>> -> memref<40x128xf32, #tpu.memory_space<vmem>>
      %dma_wait3A_127 = arith.constant 0 : i32
      %dma_wait3A_128 = tpu.memref_slice %arg9[%scan3A_104, %dma_wait3A_127] : memref<125x40xi32, #tpu.memory_space<vmem>> -> memref<1x40xi32, #tpu.memory_space<vmem>>
      %dma_wait3A_129 = tpu.memref_squeeze %dma_wait3A_128 : memref<1x40xi32, #tpu.memory_space<vmem>> -> memref<40xi32, #tpu.memory_space<vmem>>
      %dma_wait3A_130 = arith.constant 0 : i32
      %dma_wait3A_131 = arith.constant 0 : i32
      %dma_wait3A_132 = tpu.memref_slice %arg3[%dma_wait3A_130, %dma_wait3A_131] : memref<10000x128xf32, #tpu.memory_space<hbm>> -> memref<10000x128xf32, #tpu.memory_space<hbm>>
      %dma_wait3A_133 = tpu.memref_slice %arg12[%rem3A_105] : memref<2x!tpu.dma_semaphore, #tpu.memory_space<semaphore_mem>> -> memref<1x!tpu.dma_semaphore, #tpu.memory_space<semaphore_mem>>
      %dma_wait3A_134 = tpu.memref_squeeze %dma_wait3A_133 : memref<1x!tpu.dma_semaphore, #tpu.memory_space<semaphore_mem>> -> memref<!tpu.dma_semaphore, #tpu.memory_space<semaphore_mem>>
      tpu.wait_indirect_dma semaphore(%dma_wait3A_134 : memref<!tpu.dma_semaphore, #tpu.memory_space<semaphore_mem>>) src(%dma_wait3A_132 : memref<10000x128xf32, #tpu.memory_space<hbm>>) dst(%dma_wait3A_126 : memref<40x128xf32, #tpu.memory_space<vmem>>)
      %mul3A_135 = arith.constant 40 : i32
      %mul3A_136 = arith.muli %scan3A_104, %mul3A_135 : i32
      %add3A_137 = arith.addi %mul3A_2, %mul3A_136 : i32
      %dma_start3A_138 = arith.constant 0 : i32
      %dma_start3A_139 = arith.constant 0 : i32
      %dma_start3A_140 = tpu.memref_slice %arg10[%rem3A_105, %dma_start3A_138, %dma_start3A_139] : memref<2x40x128xf32, #tpu.memory_space<vmem>> -> memref<1x40x128xf32, #tpu.memory_space<vmem>>
      %dma_start3A_141 = tpu.memref_squeeze %dma_start3A_140 : memref<1x40x128xf32, #tpu.memory_space<vmem>> -> memref<40x128xf32, #tpu.memory_space<vmem>>
      %dma_start3A_142 = arith.constant 0 : i32
      %dma_start3A_143 = tpu.memref_slice %arg6[%add3A_137, %dma_start3A_142] : memref<160000x128xf32, #tpu.memory_space<hbm>> -> memref<40x128xf32, #tpu.memory_space<hbm>>
      %dma_start3A_144 = tpu.memref_slice %arg13[%rem3A_105] : memref<2x!tpu.dma_semaphore, #tpu.memory_space<semaphore_mem>> -> memref<1x!tpu.dma_semaphore, #tpu.memory_space<semaphore_mem>>
      %dma_start3A_145 = tpu.memref_squeeze %dma_start3A_144 : memref<1x!tpu.dma_semaphore, #tpu.memory_space<semaphore_mem>> -> memref<!tpu.dma_semaphore, #tpu.memory_space<semaphore_mem>>
      %dma_start3A_146 = arith.constant 0 : i32
      %dma_start3A_147 = tpu.memref_slice %arg6[%add3A_137, %dma_start3A_146] : memref<160000x128xf32, #tpu.memory_space<hbm>> -> memref<40x128xf32, #tpu.memory_space<hbm>>
      %dma_start3A_148 = arith.constant 0 : i32
      %dma_start3A_149 = arith.constant 0 : i32
      %dma_start3A_150 = tpu.memref_slice %arg10[%rem3A_105, %dma_start3A_148, %dma_start3A_149] : memref<2x40x128xf32, #tpu.memory_space<vmem>> -> memref<1x40x128xf32, #tpu.memory_space<vmem>>
      %dma_start3A_151 = tpu.memref_squeeze %dma_start3A_150 : memref<1x40x128xf32, #tpu.memory_space<vmem>> -> memref<40x128xf32, #tpu.memory_space<vmem>>
      tpu.enqueue_dma source(%dma_start3A_151 : memref<40x128xf32, #tpu.memory_space<vmem>>) target(%dma_start3A_147 : memref<40x128xf32, #tpu.memory_space<hbm>>) target_semaphore(%dma_start3A_145 : memref<!tpu.dma_semaphore, #tpu.memory_space<semaphore_mem>>)
      %dma_start3A_152 = arith.constant 0 : i32
      %dma_start3A_153 = arith.constant 0 : i32
      %dma_start3A_154 = tpu.memref_slice %arg11[%rem3A_105, %dma_start3A_152, %dma_start3A_153] : memref<2x40x128xf32, #tpu.memory_space<vmem>> -> memref<1x40x128xf32, #tpu.memory_space<vmem>>
      %dma_start3A_155 = tpu.memref_squeeze %dma_start3A_154 : memref<1x40x128xf32, #tpu.memory_space<vmem>> -> memref<40x128xf32, #tpu.memory_space<vmem>>
      %dma_start3A_156 = arith.constant 0 : i32
      %dma_start3A_157 = tpu.memref_slice %arg7[%add3A_137, %dma_start3A_156] : memref<160000x128xf32, #tpu.memory_space<hbm>> -> memref<40x128xf32, #tpu.memory_space<hbm>>
      %dma_start3A_158 = tpu.memref_slice %arg13[%rem3A_105] : memref<2x!tpu.dma_semaphore, #tpu.memory_space<semaphore_mem>> -> memref<1x!tpu.dma_semaphore, #tpu.memory_space<semaphore_mem>>
      %dma_start3A_159 = tpu.memref_squeeze %dma_start3A_158 : memref<1x!tpu.dma_semaphore, #tpu.memory_space<semaphore_mem>> -> memref<!tpu.dma_semaphore, #tpu.memory_space<semaphore_mem>>
      %dma_start3A_160 = arith.constant 0 : i32
      %dma_start3A_161 = tpu.memref_slice %arg7[%add3A_137, %dma_start3A_160] : memref<160000x128xf32, #tpu.memory_space<hbm>> -> memref<40x128xf32, #tpu.memory_space<hbm>>
      %dma_start3A_162 = arith.constant 0 : i32
      %dma_start3A_163 = arith.constant 0 : i32
      %dma_start3A_164 = tpu.memref_slice %arg11[%rem3A_105, %dma_start3A_162, %dma_start3A_163] : memref<2x40x128xf32, #tpu.memory_space<vmem>> -> memref<1x40x128xf32, #tpu.memory_space<vmem>>
      %dma_start3A_165 = tpu.memref_squeeze %dma_start3A_164 : memref<1x40x128xf32, #tpu.memory_space<vmem>> -> memref<40x128xf32, #tpu.memory_space<vmem>>
      tpu.enqueue_dma source(%dma_start3A_165 : memref<40x128xf32, #tpu.memory_space<vmem>>) target(%dma_start3A_161 : memref<40x128xf32, #tpu.memory_space<hbm>>) target_semaphore(%dma_start3A_159 : memref<!tpu.dma_semaphore, #tpu.memory_space<semaphore_mem>>)
    }
    %scan3A_36 = arith.constant 125 : i32
    %add3A_37 = arith.constant 4920 : i32
    %add3A_38 = arith.addi %mul3A_2, %add3A_37 : i32
    %dma_wait3A = arith.constant 1 : i32
    %dma_wait3A_39 = arith.constant 1 : i32
    %dma_wait3A_40 = arith.constant 0 : i32
    %dma_wait3A_41 = arith.constant 0 : i32
    %dma_wait3A_42 = tpu.memref_slice %arg10[%dma_wait3A, %dma_wait3A_40, %dma_wait3A_41] : memref<2x40x128xf32, #tpu.memory_space<vmem>> -> memref<1x40x128xf32, #tpu.memory_space<vmem>>
    %dma_wait3A_43 = tpu.memref_squeeze %dma_wait3A_42 : memref<1x40x128xf32, #tpu.memory_space<vmem>> -> memref<40x128xf32, #tpu.memory_space<vmem>>
    %dma_wait3A_44 = arith.constant 0 : i32
    %dma_wait3A_45 = tpu.memref_slice %arg6[%add3A_38, %dma_wait3A_44] : memref<160000x128xf32, #tpu.memory_space<hbm>> -> memref<40x128xf32, #tpu.memory_space<hbm>>
    %dma_wait3A_46 = tpu.memref_slice %arg13[%dma_wait3A_39] : memref<2x!tpu.dma_semaphore, #tpu.memory_space<semaphore_mem>> -> memref<1x!tpu.dma_semaphore, #tpu.memory_space<semaphore_mem>>
    %dma_wait3A_47 = tpu.memref_squeeze %dma_wait3A_46 : memref<1x!tpu.dma_semaphore, #tpu.memory_space<semaphore_mem>> -> memref<!tpu.dma_semaphore, #tpu.memory_space<semaphore_mem>>
    %dma_wait3A_48 = arith.constant 0 : i32
    %dma_wait3A_49 = tpu.memref_slice %arg6[%add3A_38, %dma_wait3A_48] : memref<160000x128xf32, #tpu.memory_space<hbm>> -> memref<40x128xf32, #tpu.memory_space<hbm>>
    %dma_wait3A_50 = arith.constant 0 : i32
    %dma_wait3A_51 = arith.constant 0 : i32
    %dma_wait3A_52 = tpu.memref_slice %arg10[%dma_wait3A, %dma_wait3A_50, %dma_wait3A_51] : memref<2x40x128xf32, #tpu.memory_space<vmem>> -> memref<1x40x128xf32, #tpu.memory_space<vmem>>
    %dma_wait3A_53 = tpu.memref_squeeze %dma_wait3A_52 : memref<1x40x128xf32, #tpu.memory_space<vmem>> -> memref<40x128xf32, #tpu.memory_space<vmem>>
    tpu.wait_dma2 semaphore(%dma_wait3A_47 : memref<!tpu.dma_semaphore, #tpu.memory_space<semaphore_mem>>) src(%dma_wait3A_53 : memref<40x128xf32, #tpu.memory_space<vmem>>) dst(%dma_wait3A_49 : memref<40x128xf32, #tpu.memory_space<hbm>>)
    %dma_wait3A_54 = arith.constant 1 : i32
    %dma_wait3A_55 = arith.constant 1 : i32
    %dma_wait3A_56 = arith.constant 0 : i32
    %dma_wait3A_57 = arith.constant 0 : i32
    %dma_wait3A_58 = tpu.memref_slice %arg11[%dma_wait3A_54, %dma_wait3A_56, %dma_wait3A_57] : memref<2x40x128xf32, #tpu.memory_space<vmem>> -> memref<1x40x128xf32, #tpu.memory_space<vmem>>
    %dma_wait3A_59 = tpu.memref_squeeze %dma_wait3A_58 : memref<1x40x128xf32, #tpu.memory_space<vmem>> -> memref<40x128xf32, #tpu.memory_space<vmem>>
    %dma_wait3A_60 = arith.constant 0 : i32
    %dma_wait3A_61 = tpu.memref_slice %arg7[%add3A_38, %dma_wait3A_60] : memref<160000x128xf32, #tpu.memory_space<hbm>> -> memref<40x128xf32, #tpu.memory_space<hbm>>
    %dma_wait3A_62 = tpu.memref_slice %arg13[%dma_wait3A_55] : memref<2x!tpu.dma_semaphore, #tpu.memory_space<semaphore_mem>> -> memref<1x!tpu.dma_semaphore, #tpu.memory_space<semaphore_mem>>
    %dma_wait3A_63 = tpu.memref_squeeze %dma_wait3A_62 : memref<1x!tpu.dma_semaphore, #tpu.memory_space<semaphore_mem>> -> memref<!tpu.dma_semaphore, #tpu.memory_space<semaphore_mem>>
    %dma_wait3A_64 = arith.constant 0 : i32
    %dma_wait3A_65 = tpu.memref_slice %arg7[%add3A_38, %dma_wait3A_64] : memref<160000x128xf32, #tpu.memory_space<hbm>> -> memref<40x128xf32, #tpu.memory_space<hbm>>
    %dma_wait3A_66 = arith.constant 0 : i32
    %dma_wait3A_67 = arith.constant 0 : i32
    %dma_wait3A_68 = tpu.memref_slice %arg11[%dma_wait3A_54, %dma_wait3A_66, %dma_wait3A_67] : memref<2x40x128xf32, #tpu.memory_space<vmem>> -> memref<1x40x128xf32, #tpu.memory_space<vmem>>
    %dma_wait3A_69 = tpu.memref_squeeze %dma_wait3A_68 : memref<1x40x128xf32, #tpu.memory_space<vmem>> -> memref<40x128xf32, #tpu.memory_space<vmem>>
    tpu.wait_dma2 semaphore(%dma_wait3A_63 : memref<!tpu.dma_semaphore, #tpu.memory_space<semaphore_mem>>) src(%dma_wait3A_69 : memref<40x128xf32, #tpu.memory_space<vmem>>) dst(%dma_wait3A_65 : memref<40x128xf32, #tpu.memory_space<hbm>>)
    %add3A_70 = arith.constant 4960 : i32
    %add3A_71 = arith.addi %mul3A_2, %add3A_70 : i32
    %dma_wait3A_72 = arith.constant 0 : i32
    %dma_wait3A_73 = arith.constant 0 : i32
    %dma_wait3A_74 = arith.constant 0 : i32
    %dma_wait3A_75 = arith.constant 0 : i32
    %dma_wait3A_76 = tpu.memref_slice %arg10[%dma_wait3A_72, %dma_wait3A_74, %dma_wait3A_75] : memref<2x40x128xf32, #tpu.memory_space<vmem>> -> memref<1x40x128xf32, #tpu.memory_space<vmem>>
    %dma_wait3A_77 = tpu.memref_squeeze %dma_wait3A_76 : memref<1x40x128xf32, #tpu.memory_space<vmem>> -> memref<40x128xf32, #tpu.memory_space<vmem>>
    %dma_wait3A_78 = arith.constant 0 : i32
    %dma_wait3A_79 = tpu.memref_slice %arg6[%add3A_71, %dma_wait3A_78] : memref<160000x128xf32, #tpu.memory_space<hbm>> -> memref<40x128xf32, #tpu.memory_space<hbm>>
    %dma_wait3A_80 = tpu.memref_slice %arg13[%dma_wait3A_73] : memref<2x!tpu.dma_semaphore, #tpu.memory_space<semaphore_mem>> -> memref<1x!tpu.dma_semaphore, #tpu.memory_space<semaphore_mem>>
    %dma_wait3A_81 = tpu.memref_squeeze %dma_wait3A_80 : memref<1x!tpu.dma_semaphore, #tpu.memory_space<semaphore_mem>> -> memref<!tpu.dma_semaphore, #tpu.memory_space<semaphore_mem>>
    %dma_wait3A_82 = arith.constant 0 : i32
    %dma_wait3A_83 = tpu.memref_slice %arg6[%add3A_71, %dma_wait3A_82] : memref<160000x128xf32, #tpu.memory_space<hbm>> -> memref<40x128xf32, #tpu.memory_space<hbm>>
    %dma_wait3A_84 = arith.constant 0 : i32
    %dma_wait3A_85 = arith.constant 0 : i32
    %dma_wait3A_86 = tpu.memref_slice %arg10[%dma_wait3A_72, %dma_wait3A_84, %dma_wait3A_85] : memref<2x40x128xf32, #tpu.memory_space<vmem>> -> memref<1x40x128xf32, #tpu.memory_space<vmem>>
    %dma_wait3A_87 = tpu.memref_squeeze %dma_wait3A_86 : memref<1x40x128xf32, #tpu.memory_space<vmem>> -> memref<40x128xf32, #tpu.memory_space<vmem>>
    tpu.wait_dma2 semaphore(%dma_wait3A_81 : memref<!tpu.dma_semaphore, #tpu.memory_space<semaphore_mem>>) src(%dma_wait3A_87 : memref<40x128xf32, #tpu.memory_space<vmem>>) dst(%dma_wait3A_83 : memref<40x128xf32, #tpu.memory_space<hbm>>)
    %dma_wait3A_88 = arith.constant 0 : i32
    %dma_wait3A_89 = arith.constant 0 : i32
    %dma_wait3A_90 = arith.constant 0 : i32
    %dma_wait3A_91 = arith.constant 0 : i32
    %dma_wait3A_92 = tpu.memref_slice %arg11[%dma_wait3A_88, %dma_wait3A_90, %dma_wait3A_91] : memref<2x40x128xf32, #tpu.memory_space<vmem>> -> memref<1x40x128xf32, #tpu.memory_space<vmem>>
    %dma_wait3A_93 = tpu.memref_squeeze %dma_wait3A_92 : memref<1x40x128xf32, #tpu.memory_space<vmem>> -> memref<40x128xf32, #tpu.memory_space<vmem>>
    %dma_wait3A_94 = arith.constant 0 : i32
    %dma_wait3A_95 = tpu.memref_slice %arg7[%add3A_71, %dma_wait3A_94] : memref<160000x128xf32, #tpu.memory_space<hbm>> -> memref<40x128xf32, #tpu.memory_space<hbm>>
    %dma_wait3A_96 = tpu.memref_slice %arg13[%dma_wait3A_89] : memref<2x!tpu.dma_semaphore, #tpu.memory_space<semaphore_mem>> -> memref<1x!tpu.dma_semaphore, #tpu.memory_space<semaphore_mem>>
    %dma_wait3A_97 = tpu.memref_squeeze %dma_wait3A_96 : memref<1x!tpu.dma_semaphore, #tpu.memory_space<semaphore_mem>> -> memref<!tpu.dma_semaphore, #tpu.memory_space<semaphore_mem>>
    %dma_wait3A_98 = arith.constant 0 : i32
    %dma_wait3A_99 = tpu.memref_slice %arg7[%add3A_71, %dma_wait3A_98] : memref<160000x128xf32, #tpu.memory_space<hbm>> -> memref<40x128xf32, #tpu.memory_space<hbm>>
    %dma_wait3A_100 = arith.constant 0 : i32
    %dma_wait3A_101 = arith.constant 0 : i32
    %dma_wait3A_102 = tpu.memref_slice %arg11[%dma_wait3A_88, %dma_wait3A_100, %dma_wait3A_101] : memref<2x40x128xf32, #tpu.memory_space<vmem>> -> memref<1x40x128xf32, #tpu.memory_space<vmem>>
    %dma_wait3A_103 = tpu.memref_squeeze %dma_wait3A_102 : memref<1x40x128xf32, #tpu.memory_space<vmem>> -> memref<40x128xf32, #tpu.memory_space<vmem>>
    tpu.wait_dma2 semaphore(%dma_wait3A_97 : memref<!tpu.dma_semaphore, #tpu.memory_space<semaphore_mem>>) src(%dma_wait3A_103 : memref<40x128xf32, #tpu.memory_space<vmem>>) dst(%dma_wait3A_99 : memref<40x128xf32, #tpu.memory_space<hbm>>)
    return
  }
}

#map = affine_map<(d0, d1) -> (0, 0)>
#map1 = affine_map<(d0, d1) -> (0, 0, 0, 0)>
module attributes {stable_mosaic.version = 14 : i64} {
  func.func @body(%arg0: i32, %arg1: i32, %arg2: memref<10000x128xf32, #tpu.memory_space<hbm>>, %arg3: memref<10000x128xf32, #tpu.memory_space<hbm>>, %arg4: memref<2x16x125x40xi32, #tpu.memory_space<hbm>>, %arg5: memref<2x16x125x40xi32, #tpu.memory_space<hbm>>, %arg6: memref<160000x128xf32, #tpu.memory_space<hbm>>, %arg7: memref<160000x128xf32, #tpu.memory_space<hbm>>, %arg8: memref<125x40xi32, #tpu.memory_space<vmem>>, %arg9: memref<125x40xi32, #tpu.memory_space<vmem>>, %arg10: memref<2x40x128xf32, #tpu.memory_space<vmem>>, %arg11: memref<2x40x128xf32, #tpu.memory_space<vmem>>, %arg12: memref<2x!tpu.dma_semaphore, #tpu.memory_space<semaphore_mem>>, %arg13: memref<2x!tpu.dma_semaphore, #tpu.memory_space<semaphore_mem>>) attributes {dimension_semantics = [#tpu.dimension_semantics<core_parallel>, #tpu.dimension_semantics<subcore_parallel>], iteration_bounds = array<i64: 2, 16>, scalar_prefetch = 0 : i64, scratch_operands = 6 : i64, tpu.core_type = #tpu.core_type<sc_vector_subcore>, window_params = [{transform_indices = #map}, {transform_indices = #map}, {transform_indices = #map1}, {transform_indices = #map1}, {transform_indices = #map}, {transform_indices = #map}]} {
    %mul3A = arith.constant 16 : i32
    %mul3A_0 = arith.muli %arg0, %mul3A : i32
    %add3A = arith.addi %mul3A_0, %arg1 : i32
    %mul3A_1 = arith.constant 5000 : i32
    %mul3A_2 = arith.muli %add3A, %mul3A_1 : i32
    "tpu.region"() ({
      %run_scoped3A = tpu.sem_alloc : memref<!tpu.dma_semaphore, #tpu.memory_space<semaphore_mem>>
      %dma_start3A_104 = arith.constant 0 : i32
      %dma_start3A_105 = arith.constant 0 : i32
      %dma_start3A_106 = tpu.memref_slice %arg4[%arg0, %arg1, %dma_start3A_104, %dma_start3A_105] : memref<2x16x125x40xi32, #tpu.memory_space<hbm>> -> memref<1x1x125x40xi32, #tpu.memory_space<hbm>>
      %dma_start3A_107 = tpu.memref_squeeze %dma_start3A_106 : memref<1x1x125x40xi32, #tpu.memory_space<hbm>> -> memref<125x40xi32, #tpu.memory_space<hbm>>
      %dma_start3A_108 = arith.constant 0 : i32
      %dma_start3A_109 = arith.constant 0 : i32
      %dma_start3A_110 = tpu.memref_slice %arg4[%arg0, %arg1, %dma_start3A_108, %dma_start3A_109] : memref<2x16x125x40xi32, #tpu.memory_space<hbm>> -> memref<1x1x125x40xi32, #tpu.memory_space<hbm>>
      %dma_start3A_111 = tpu.memref_squeeze %dma_start3A_110 : memref<1x1x125x40xi32, #tpu.memory_space<hbm>> -> memref<125x40xi32, #tpu.memory_space<hbm>>
      tpu.enqueue_dma source(%dma_start3A_111 : memref<125x40xi32, #tpu.memory_space<hbm>>) target(%arg8 : memref<125x40xi32, #tpu.memory_space<vmem>>) target_semaphore(%run_scoped3A : memref<!tpu.dma_semaphore, #tpu.memory_space<semaphore_mem>>)
      %dma_wait3A_112 = arith.constant 0 : i32
      %dma_wait3A_113 = arith.constant 0 : i32
      %dma_wait3A_114 = tpu.memref_slice %arg4[%arg0, %arg1, %dma_wait3A_112, %dma_wait3A_113] : memref<2x16x125x40xi32, #tpu.memory_space<hbm>> -> memref<1x1x125x40xi32, #tpu.memory_space<hbm>>
      %dma_wait3A_115 = tpu.memref_squeeze %dma_wait3A_114 : memref<1x1x125x40xi32, #tpu.memory_space<hbm>> -> memref<125x40xi32, #tpu.memory_space<hbm>>
      %dma_wait3A_116 = arith.constant 0 : i32
      %dma_wait3A_117 = arith.constant 0 : i32
      %dma_wait3A_118 = tpu.memref_slice %arg4[%arg0, %arg1, %dma_wait3A_116, %dma_wait3A_117] : memref<2x16x125x40xi32, #tpu.memory_space<hbm>> -> memref<1x1x125x40xi32, #tpu.memory_space<hbm>>
      %dma_wait3A_119 = tpu.memref_squeeze %dma_wait3A_118 : memref<1x1x125x40xi32, #tpu.memory_space<hbm>> -> memref<125x40xi32, #tpu.memory_space<hbm>>
      tpu.wait_dma2 semaphore(%run_scoped3A : memref<!tpu.dma_semaphore, #tpu.memory_space<semaphore_mem>>) src(%dma_wait3A_119 : memref<125x40xi32, #tpu.memory_space<hbm>>) dst(%arg8 : memref<125x40xi32, #tpu.memory_space<vmem>>)
      tpu.yield
    }) : () -> ()
    "tpu.region"() ({
      %run_scoped3A = tpu.sem_alloc : memref<!tpu.dma_semaphore, #tpu.memory_space<semaphore_mem>>
      %dma_start3A_104 = arith.constant 0 : i32
      %dma_start3A_105 = arith.constant 0 : i32
      %dma_start3A_106 = tpu.memref_slice %arg5[%arg0, %arg1, %dma_start3A_104, %dma_start3A_105] : memref<2x16x125x40xi32, #tpu.memory_space<hbm>> -> memref<1x1x125x40xi32, #tpu.memory_space<hbm>>
      %dma_start3A_107 = tpu.memref_squeeze %dma_start3A_106 : memref<1x1x125x40xi32, #tpu.memory_space<hbm>> -> memref<125x40xi32, #tpu.memory_space<hbm>>
      %dma_start3A_108 = arith.constant 0 : i32
      %dma_start3A_109 = arith.constant 0 : i32
      %dma_start3A_110 = tpu.memref_slice %arg5[%arg0, %arg1, %dma_start3A_108, %dma_start3A_109] : memref<2x16x125x40xi32, #tpu.memory_space<hbm>> -> memref<1x1x125x40xi32, #tpu.memory_space<hbm>>
      %dma_start3A_111 = tpu.memref_squeeze %dma_start3A_110 : memref<1x1x125x40xi32, #tpu.memory_space<hbm>> -> memref<125x40xi32, #tpu.memory_space<hbm>>
      tpu.enqueue_dma source(%dma_start3A_111 : memref<125x40xi32, #tpu.memory_space<hbm>>) target(%arg9 : memref<125x40xi32, #tpu.memory_space<vmem>>) target_semaphore(%run_scoped3A : memref<!tpu.dma_semaphore, #tpu.memory_space<semaphore_mem>>)
      %dma_wait3A_112 = arith.constant 0 : i32
      %dma_wait3A_113 = arith.constant 0 : i32
      %dma_wait3A_114 = tpu.memref_slice %arg5[%arg0, %arg1, %dma_wait3A_112, %dma_wait3A_113] : memref<2x16x125x40xi32, #tpu.memory_space<hbm>> -> memref<1x1x125x40xi32, #tpu.memory_space<hbm>>
      %dma_wait3A_115 = tpu.memref_squeeze %dma_wait3A_114 : memref<1x1x125x40xi32, #tpu.memory_space<hbm>> -> memref<125x40xi32, #tpu.memory_space<hbm>>
      %dma_wait3A_116 = arith.constant 0 : i32
      %dma_wait3A_117 = arith.constant 0 : i32
      %dma_wait3A_118 = tpu.memref_slice %arg5[%arg0, %arg1, %dma_wait3A_116, %dma_wait3A_117] : memref<2x16x125x40xi32, #tpu.memory_space<hbm>> -> memref<1x1x125x40xi32, #tpu.memory_space<hbm>>
      %dma_wait3A_119 = tpu.memref_squeeze %dma_wait3A_118 : memref<1x1x125x40xi32, #tpu.memory_space<hbm>> -> memref<125x40xi32, #tpu.memory_space<hbm>>
      tpu.wait_dma2 semaphore(%run_scoped3A : memref<!tpu.dma_semaphore, #tpu.memory_space<semaphore_mem>>) src(%dma_wait3A_119 : memref<125x40xi32, #tpu.memory_space<hbm>>) dst(%arg9 : memref<125x40xi32, #tpu.memory_space<vmem>>)
      tpu.yield
    }) : () -> ()
    %dma_start3A = arith.constant 0 : i32
    %dma_start3A_3 = arith.constant 0 : i32
    %dma_start3A_4 = arith.constant 0 : i32
    %dma_start3A_5 = arith.constant 0 : i32
    %dma_start3A_6 = arith.constant 0 : i32
    %dma_start3A_7 = tpu.memref_slice %arg10[%dma_start3A_3, %dma_start3A_5, %dma_start3A_6] : memref<2x40x128xf32, #tpu.memory_space<vmem>> -> memref<1x40x128xf32, #tpu.memory_space<vmem>>
    %dma_start3A_8 = tpu.memref_squeeze %dma_start3A_7 : memref<1x40x128xf32, #tpu.memory_space<vmem>> -> memref<40x128xf32, #tpu.memory_space<vmem>>
    %dma_start3A_9 = arith.constant 0 : i32
    %dma_start3A_10 = tpu.memref_slice %arg8[%dma_start3A, %dma_start3A_9] : memref<125x40xi32, #tpu.memory_space<vmem>> -> memref<1x40xi32, #tpu.memory_space<vmem>>
    %dma_start3A_11 = tpu.memref_squeeze %dma_start3A_10 : memref<1x40xi32, #tpu.memory_space<vmem>> -> memref<40xi32, #tpu.memory_space<vmem>>
    %dma_start3A_12 = arith.constant 0 : i32
    %dma_start3A_13 = arith.constant 0 : i32
    %dma_start3A_14 = tpu.memref_slice %arg2[%dma_start3A_12, %dma_start3A_13] : memref<10000x128xf32, #tpu.memory_space<hbm>> -> memref<10000x128xf32, #tpu.memory_space<hbm>>
    %dma_start3A_15 = tpu.memref_slice %arg12[%dma_start3A_4] : memref<2x!tpu.dma_semaphore, #tpu.memory_space<semaphore_mem>> -> memref<1x!tpu.dma_semaphore, #tpu.memory_space<semaphore_mem>>
    %dma_start3A_16 = tpu.memref_squeeze %dma_start3A_15 : memref<1x!tpu.dma_semaphore, #tpu.memory_space<semaphore_mem>> -> memref<!tpu.dma_semaphore, #tpu.memory_space<semaphore_mem>>
    tpu.enqueue_indirect_dma source(%dma_start3A_14 : memref<10000x128xf32, #tpu.memory_space<hbm>>) target(%dma_start3A_8 : memref<40x128xf32, #tpu.memory_space<vmem>>) offsets(%dma_start3A_11 : memref<40xi32, #tpu.memory_space<vmem>>) semaphore(%dma_start3A_16 : memref<!tpu.dma_semaphore, #tpu.memory_space<semaphore_mem>>)
    %dma_start3A_17 = arith.constant 0 : i32
    %dma_start3A_18 = arith.constant 0 : i32
    %dma_start3A_19 = arith.constant 0 : i32
    %dma_start3A_20 = arith.constant 0 : i32
    %dma_start3A_21 = arith.constant 0 : i32
    %dma_start3A_22 = tpu.memref_slice %arg11[%dma_start3A_18, %dma_start3A_20, %dma_start3A_21] : memref<2x40x128xf32, #tpu.memory_space<vmem>> -> memref<1x40x128xf32, #tpu.memory_space<vmem>>
    %dma_start3A_23 = tpu.memref_squeeze %dma_start3A_22 : memref<1x40x128xf32, #tpu.memory_space<vmem>> -> memref<40x128xf32, #tpu.memory_space<vmem>>
    %dma_start3A_24 = arith.constant 0 : i32
    %dma_start3A_25 = tpu.memref_slice %arg9[%dma_start3A_17, %dma_start3A_24] : memref<125x40xi32, #tpu.memory_space<vmem>> -> memref<1x40xi32, #tpu.memory_space<vmem>>
    %dma_start3A_26 = tpu.memref_squeeze %dma_start3A_25 : memref<1x40xi32, #tpu.memory_space<vmem>> -> memref<40xi32, #tpu.memory_space<vmem>>
    %dma_start3A_27 = arith.constant 0 : i32
    %dma_start3A_28 = arith.constant 0 : i32
    %dma_start3A_29 = tpu.memref_slice %arg3[%dma_start3A_27, %dma_start3A_28] : memref<10000x128xf32, #tpu.memory_space<hbm>> -> memref<10000x128xf32, #tpu.memory_space<hbm>>
    %dma_start3A_30 = tpu.memref_slice %arg12[%dma_start3A_19] : memref<2x!tpu.dma_semaphore, #tpu.memory_space<semaphore_mem>> -> memref<1x!tpu.dma_semaphore, #tpu.memory_space<semaphore_mem>>
    %dma_start3A_31 = tpu.memref_squeeze %dma_start3A_30 : memref<1x!tpu.dma_semaphore, #tpu.memory_space<semaphore_mem>> -> memref<!tpu.dma_semaphore, #tpu.memory_space<semaphore_mem>>
    tpu.enqueue_indirect_dma source(%dma_start3A_29 : memref<10000x128xf32, #tpu.memory_space<hbm>>) target(%dma_start3A_23 : memref<40x128xf32, #tpu.memory_space<vmem>>) offsets(%dma_start3A_26 : memref<40xi32, #tpu.memory_space<vmem>>) semaphore(%dma_start3A_31 : memref<!tpu.dma_semaphore, #tpu.memory_space<semaphore_mem>>)
    %scan3A = arith.constant 0 : i32
    %scan3A_32 = arith.constant 0 : i32
    %scan3A_33 = arith.constant 125 : i32
    %scan3A_34 = arith.addi %scan3A_32, %scan3A_33 : i32
    %scan3A_35 = arith.constant 1 : i32
    scf.for %scan3A_104 = %scan3A_32 to %scan3A_34 step %scan3A_35  : i32 {
      %rem3A = arith.constant 2 : i32
      %rem3A_105 = arith.remsi %scan3A_104, %rem3A : i32
      %sub3A = arith.constant 1 : i32
      %sub3A_106 = arith.subi %sub3A, %rem3A_105 : i32
      %add3A_107 = arith.constant 1 : i32
      %add3A_108 = arith.addi %scan3A_104, %add3A_107 : i32
      %lt3A = arith.constant 125 : i32
      %lt3A_109 = arith.cmpi slt, %add3A_108, %lt3A : i32
      %convert_element_type3A = arith.extui %lt3A_109 : i1 to i32
      %cond3A = arith.constant 0 : i32
      %cond3A_110 = arith.cmpi ne, %convert_element_type3A, %cond3A : i32
      scf.if %cond3A_110 {
        %ge3A = arith.constant 1 : i32
        %ge3A_166 = arith.cmpi sge, %scan3A_104, %ge3A : i32
        %convert_element_type3A_167 = arith.extui %ge3A_166 : i1 to i32
        %cond3A_168 = arith.constant 0 : i32
        %cond3A_169 = arith.cmpi ne, %convert_element_type3A_167, %cond3A_168 : i32
        scf.if %cond3A_169 {
          %sub3A_196 = arith.constant 1 : i32
          %sub3A_197 = arith.subi %scan3A_104, %sub3A_196 : i32
          %mul3A_198 = arith.constant 40 : i32
          %mul3A_199 = arith.muli %sub3A_197, %mul3A_198 : i32
          %add3A_200 = arith.addi %mul3A_2, %mul3A_199 : i32
          %dma_wait3A_201 = arith.constant 0 : i32
          %dma_wait3A_202 = arith.constant 0 : i32
          %dma_wait3A_203 = tpu.memref_slice %arg10[%sub3A_106, %dma_wait3A_201, %dma_wait3A_202] : memref<2x40x128xf32, #tpu.memory_space<vmem>> -> memref<1x40x128xf32, #tpu.memory_space<vmem>>
          %dma_wait3A_204 = tpu.memref_squeeze %dma_wait3A_203 : memref<1x40x128xf32, #tpu.memory_space<vmem>> -> memref<40x128xf32, #tpu.memory_space<vmem>>
          %dma_wait3A_205 = arith.constant 0 : i32
          %dma_wait3A_206 = tpu.memref_slice %arg6[%add3A_200, %dma_wait3A_205] : memref<160000x128xf32, #tpu.memory_space<hbm>> -> memref<40x128xf32, #tpu.memory_space<hbm>>
          %dma_wait3A_207 = tpu.memref_slice %arg13[%sub3A_106] : memref<2x!tpu.dma_semaphore, #tpu.memory_space<semaphore_mem>> -> memref<1x!tpu.dma_semaphore, #tpu.memory_space<semaphore_mem>>
          %dma_wait3A_208 = tpu.memref_squeeze %dma_wait3A_207 : memref<1x!tpu.dma_semaphore, #tpu.memory_space<semaphore_mem>> -> memref<!tpu.dma_semaphore, #tpu.memory_space<semaphore_mem>>
          %dma_wait3A_209 = arith.constant 0 : i32
          %dma_wait3A_210 = tpu.memref_slice %arg6[%add3A_200, %dma_wait3A_209] : memref<160000x128xf32, #tpu.memory_space<hbm>> -> memref<40x128xf32, #tpu.memory_space<hbm>>
          %dma_wait3A_211 = arith.constant 0 : i32
          %dma_wait3A_212 = arith.constant 0 : i32
          %dma_wait3A_213 = tpu.memref_slice %arg10[%sub3A_106, %dma_wait3A_211, %dma_wait3A_212] : memref<2x40x128xf32, #tpu.memory_space<vmem>> -> memref<1x40x128xf32, #tpu.memory_space<vmem>>
          %dma_wait3A_214 = tpu.memref_squeeze %dma_wait3A_213 : memref<1x40x128xf32, #tpu.memory_space<vmem>> -> memref<40x128xf32, #tpu.memory_space<vmem>>
          tpu.wait_dma2 semaphore(%dma_wait3A_208 : memref<!tpu.dma_semaphore, #tpu.memory_space<semaphore_mem>>) src(%dma_wait3A_214 : memref<40x128xf32, #tpu.memory_space<vmem>>) dst(%dma_wait3A_210 : memref<40x128xf32, #tpu.memory_space<hbm>>)
          %dma_wait3A_215 = arith.constant 0 : i32
          %dma_wait3A_216 = arith.constant 0 : i32
          %dma_wait3A_217 = tpu.memref_slice %arg11[%sub3A_106, %dma_wait3A_215, %dma_wait3A_216] : memref<2x40x128xf32, #tpu.memory_space<vmem>> -> memref<1x40x128xf32, #tpu.memory_space<vmem>>
          %dma_wait3A_218 = tpu.memref_squeeze %dma_wait3A_217 : memref<1x40x128xf32, #tpu.memory_space<vmem>> -> memref<40x128xf32, #tpu.memory_space<vmem>>
          %dma_wait3A_219 = arith.constant 0 : i32
          %dma_wait3A_220 = tpu.memref_slice %arg7[%add3A_200, %dma_wait3A_219] : memref<160000x128xf32, #tpu.memory_space<hbm>> -> memref<40x128xf32, #tpu.memory_space<hbm>>
          %dma_wait3A_221 = tpu.memref_slice %arg13[%sub3A_106] : memref<2x!tpu.dma_semaphore, #tpu.memory_space<semaphore_mem>> -> memref<1x!tpu.dma_semaphore, #tpu.memory_space<semaphore_mem>>
          %dma_wait3A_222 = tpu.memref_squeeze %dma_wait3A_221 : memref<1x!tpu.dma_semaphore, #tpu.memory_space<semaphore_mem>> -> memref<!tpu.dma_semaphore, #tpu.memory_space<semaphore_mem>>
          %dma_wait3A_223 = arith.constant 0 : i32
          %dma_wait3A_224 = tpu.memref_slice %arg7[%add3A_200, %dma_wait3A_223] : memref<160000x128xf32, #tpu.memory_space<hbm>> -> memref<40x128xf32, #tpu.memory_space<hbm>>
          %dma_wait3A_225 = arith.constant 0 : i32
          %dma_wait3A_226 = arith.constant 0 : i32
          %dma_wait3A_227 = tpu.memref_slice %arg11[%sub3A_106, %dma_wait3A_225, %dma_wait3A_226] : memref<2x40x128xf32, #tpu.memory_space<vmem>> -> memref<1x40x128xf32, #tpu.memory_space<vmem>>
          %dma_wait3A_228 = tpu.memref_squeeze %dma_wait3A_227 : memref<1x40x128xf32, #tpu.memory_space<vmem>> -> memref<40x128xf32, #tpu.memory_space<vmem>>
          tpu.wait_dma2 semaphore(%dma_wait3A_222 : memref<!tpu.dma_semaphore, #tpu.memory_space<semaphore_mem>>) src(%dma_wait3A_228 : memref<40x128xf32, #tpu.memory_space<vmem>>) dst(%dma_wait3A_224 : memref<40x128xf32, #tpu.memory_space<hbm>>)
        } else {
        }
        %add3A_170 = arith.constant 1 : i32
        %add3A_171 = arith.addi %scan3A_104, %add3A_170 : i32
        %dma_start3A_172 = arith.constant 0 : i32
        %dma_start3A_173 = arith.constant 0 : i32
        %dma_start3A_174 = tpu.memref_slice %arg10[%sub3A_106, %dma_start3A_172, %dma_start3A_173] : memref<2x40x128xf32, #tpu.memory_space<vmem>> -> memref<1x40x128xf32, #tpu.memory_space<vmem>>
        %dma_start3A_175 = tpu.memref_squeeze %dma_start3A_174 : memref<1x40x128xf32, #tpu.memory_space<vmem>> -> memref<40x128xf32, #tpu.memory_space<vmem>>
        %dma_start3A_176 = arith.constant 0 : i32
        %dma_start3A_177 = tpu.memref_slice %arg8[%add3A_171, %dma_start3A_176] : memref<125x40xi32, #tpu.memory_space<vmem>> -> memref<1x40xi32, #tpu.memory_space<vmem>>
        %dma_start3A_178 = tpu.memref_squeeze %dma_start3A_177 : memref<1x40xi32, #tpu.memory_space<vmem>> -> memref<40xi32, #tpu.memory_space<vmem>>
        %dma_start3A_179 = arith.constant 0 : i32
        %dma_start3A_180 = arith.constant 0 : i32
        %dma_start3A_181 = tpu.memref_slice %arg2[%dma_start3A_179, %dma_start3A_180] : memref<10000x128xf32, #tpu.memory_space<hbm>> -> memref<10000x128xf32, #tpu.memory_space<hbm>>
        %dma_start3A_182 = tpu.memref_slice %arg12[%sub3A_106] : memref<2x!tpu.dma_semaphore, #tpu.memory_space<semaphore_mem>> -> memref<1x!tpu.dma_semaphore, #tpu.memory_space<semaphore_mem>>
        %dma_start3A_183 = tpu.memref_squeeze %dma_start3A_182 : memref<1x!tpu.dma_semaphore, #tpu.memory_space<semaphore_mem>> -> memref<!tpu.dma_semaphore, #tpu.memory_space<semaphore_mem>>
        tpu.enqueue_indirect_dma source(%dma_start3A_181 : memref<10000x128xf32, #tpu.memory_space<hbm>>) target(%dma_start3A_175 : memref<40x128xf32, #tpu.memory_space<vmem>>) offsets(%dma_start3A_178 : memref<40xi32, #tpu.memory_space<vmem>>) semaphore(%dma_start3A_183 : memref<!tpu.dma_semaphore, #tpu.memory_space<semaphore_mem>>)
        %dma_start3A_184 = arith.constant 0 : i32
        %dma_start3A_185 = arith.constant 0 : i32
        %dma_start3A_186 = tpu.memref_slice %arg11[%sub3A_106, %dma_start3A_184, %dma_start3A_185] : memref<2x40x128xf32, #tpu.memory_space<vmem>> -> memref<1x40x128xf32, #tpu.memory_space<vmem>>
        %dma_start3A_187 = tpu.memref_squeeze %dma_start3A_186 : memref<1x40x128xf32, #tpu.memory_space<vmem>> -> memref<40x128xf32, #tpu.memory_space<vmem>>
        %dma_start3A_188 = arith.constant 0 : i32
        %dma_start3A_189 = tpu.memref_slice %arg9[%add3A_171, %dma_start3A_188] : memref<125x40xi32, #tpu.memory_space<vmem>> -> memref<1x40xi32, #tpu.memory_space<vmem>>
        %dma_start3A_190 = tpu.memref_squeeze %dma_start3A_189 : memref<1x40xi32, #tpu.memory_space<vmem>> -> memref<40xi32, #tpu.memory_space<vmem>>
        %dma_start3A_191 = arith.constant 0 : i32
        %dma_start3A_192 = arith.constant 0 : i32
        %dma_start3A_193 = tpu.memref_slice %arg3[%dma_start3A_191, %dma_start3A_192] : memref<10000x128xf32, #tpu.memory_space<hbm>> -> memref<10000x128xf32, #tpu.memory_space<hbm>>
        %dma_start3A_194 = tpu.memref_slice %arg12[%sub3A_106] : memref<2x!tpu.dma_semaphore, #tpu.memory_space<semaphore_mem>> -> memref<1x!tpu.dma_semaphore, #tpu.memory_space<semaphore_mem>>
        %dma_start3A_195 = tpu.memref_squeeze %dma_start3A_194 : memref<1x!tpu.dma_semaphore, #tpu.memory_space<semaphore_mem>> -> memref<!tpu.dma_semaphore, #tpu.memory_space<semaphore_mem>>
        tpu.enqueue_indirect_dma source(%dma_start3A_193 : memref<10000x128xf32, #tpu.memory_space<hbm>>) target(%dma_start3A_187 : memref<40x128xf32, #tpu.memory_space<vmem>>) offsets(%dma_start3A_190 : memref<40xi32, #tpu.memory_space<vmem>>) semaphore(%dma_start3A_195 : memref<!tpu.dma_semaphore, #tpu.memory_space<semaphore_mem>>)
      } else {
      }
      %dma_wait3A_111 = arith.constant 0 : i32
      %dma_wait3A_112 = arith.constant 0 : i32
      %dma_wait3A_113 = tpu.memref_slice %arg10[%rem3A_105, %dma_wait3A_111, %dma_wait3A_112] : memref<2x40x128xf32, #tpu.memory_space<vmem>> -> memref<1x40x128xf32, #tpu.memory_space<vmem>>
      %dma_wait3A_114 = tpu.memref_squeeze %dma_wait3A_113 : memref<1x40x128xf32, #tpu.memory_space<vmem>> -> memref<40x128xf32, #tpu.memory_space<vmem>>
      %dma_wait3A_115 = arith.constant 0 : i32
      %dma_wait3A_116 = tpu.memref_slice %arg8[%scan3A_104, %dma_wait3A_115] : memref<125x40xi32, #tpu.memory_space<vmem>> -> memref<1x40xi32, #tpu.memory_space<vmem>>
      %dma_wait3A_117 = tpu.memref_squeeze %dma_wait3A_116 : memref<1x40xi32, #tpu.memory_space<vmem>> -> memref<40xi32, #tpu.memory_space<vmem>>
      %dma_wait3A_118 = arith.constant 0 : i32
      %dma_wait3A_119 = arith.constant 0 : i32
      %dma_wait3A_120 = tpu.memref_slice %arg2[%dma_wait3A_118, %dma_wait3A_119] : memref<10000x128xf32, #tpu.memory_space<hbm>> -> memref<10000x128xf32, #tpu.memory_space<hbm>>
      %dma_wait3A_121 = tpu.memref_slice %arg12[%rem3A_105] : memref<2x!tpu.dma_semaphore, #tpu.memory_space<semaphore_mem>> -> memref<1x!tpu.dma_semaphore, #tpu.memory_space<semaphore_mem>>
      %dma_wait3A_122 = tpu.memref_squeeze %dma_wait3A_121 : memref<1x!tpu.dma_semaphore, #tpu.memory_space<semaphore_mem>> -> memref<!tpu.dma_semaphore, #tpu.memory_space<semaphore_mem>>
      tpu.wait_indirect_dma semaphore(%dma_wait3A_122 : memref<!tpu.dma_semaphore, #tpu.memory_space<semaphore_mem>>) src(%dma_wait3A_120 : memref<10000x128xf32, #tpu.memory_space<hbm>>) dst(%dma_wait3A_114 : memref<40x128xf32, #tpu.memory_space<vmem>>)
      %dma_wait3A_123 = arith.constant 0 : i32
      %dma_wait3A_124 = arith.constant 0 : i32
      %dma_wait3A_125 = tpu.memref_slice %arg11[%rem3A_105, %dma_wait3A_123, %dma_wait3A_124] : memref<2x40x128xf32, #tpu.memory_space<vmem>> -> memref<1x40x128xf32, #tpu.memory_space<vmem>>
      %dma_wait3A_126 = tpu.memref_squeeze %dma_wait3A_125 : memref<1x40x128xf32, #tpu.memory_space<vmem>> -> memref<40x128xf32, #tpu.memory_space<vmem>>
      %dma_wait3A_127 = arith.constant 0 : i32
      %dma_wait3A_128 = tpu.memref_slice %arg9[%scan3A_104, %dma_wait3A_127] : memref<125x40xi32, #tpu.memory_space<vmem>> -> memref<1x40xi32, #tpu.memory_space<vmem>>
      %dma_wait3A_129 = tpu.memref_squeeze %dma_wait3A_128 : memref<1x40xi32, #tpu.memory_space<vmem>> -> memref<40xi32, #tpu.memory_space<vmem>>
      %dma_wait3A_130 = arith.constant 0 : i32
      %dma_wait3A_131 = arith.constant 0 : i32
      %dma_wait3A_132 = tpu.memref_slice %arg3[%dma_wait3A_130, %dma_wait3A_131] : memref<10000x128xf32, #tpu.memory_space<hbm>> -> memref<10000x128xf32, #tpu.memory_space<hbm>>
      %dma_wait3A_133 = tpu.memref_slice %arg12[%rem3A_105] : memref<2x!tpu.dma_semaphore, #tpu.memory_space<semaphore_mem>> -> memref<1x!tpu.dma_semaphore, #tpu.memory_space<semaphore_mem>>
      %dma_wait3A_134 = tpu.memref_squeeze %dma_wait3A_133 : memref<1x!tpu.dma_semaphore, #tpu.memory_space<semaphore_mem>> -> memref<!tpu.dma_semaphore, #tpu.memory_space<semaphore_mem>>
      tpu.wait_indirect_dma semaphore(%dma_wait3A_134 : memref<!tpu.dma_semaphore, #tpu.memory_space<semaphore_mem>>) src(%dma_wait3A_132 : memref<10000x128xf32, #tpu.memory_space<hbm>>) dst(%dma_wait3A_126 : memref<40x128xf32, #tpu.memory_space<vmem>>)
      %mul3A_135 = arith.constant 40 : i32
      %mul3A_136 = arith.muli %scan3A_104, %mul3A_135 : i32
      %add3A_137 = arith.addi %mul3A_2, %mul3A_136 : i32
      %dma_start3A_138 = arith.constant 0 : i32
      %dma_start3A_139 = arith.constant 0 : i32
      %dma_start3A_140 = tpu.memref_slice %arg10[%rem3A_105, %dma_start3A_138, %dma_start3A_139] : memref<2x40x128xf32, #tpu.memory_space<vmem>> -> memref<1x40x128xf32, #tpu.memory_space<vmem>>
      %dma_start3A_141 = tpu.memref_squeeze %dma_start3A_140 : memref<1x40x128xf32, #tpu.memory_space<vmem>> -> memref<40x128xf32, #tpu.memory_space<vmem>>
      %dma_start3A_142 = arith.constant 0 : i32
      %dma_start3A_143 = tpu.memref_slice %arg6[%add3A_137, %dma_start3A_142] : memref<160000x128xf32, #tpu.memory_space<hbm>> -> memref<40x128xf32, #tpu.memory_space<hbm>>
      %dma_start3A_144 = tpu.memref_slice %arg13[%rem3A_105] : memref<2x!tpu.dma_semaphore, #tpu.memory_space<semaphore_mem>> -> memref<1x!tpu.dma_semaphore, #tpu.memory_space<semaphore_mem>>
      %dma_start3A_145 = tpu.memref_squeeze %dma_start3A_144 : memref<1x!tpu.dma_semaphore, #tpu.memory_space<semaphore_mem>> -> memref<!tpu.dma_semaphore, #tpu.memory_space<semaphore_mem>>
      %dma_start3A_146 = arith.constant 0 : i32
      %dma_start3A_147 = tpu.memref_slice %arg6[%add3A_137, %dma_start3A_146] : memref<160000x128xf32, #tpu.memory_space<hbm>> -> memref<40x128xf32, #tpu.memory_space<hbm>>
      %dma_start3A_148 = arith.constant 0 : i32
      %dma_start3A_149 = arith.constant 0 : i32
      %dma_start3A_150 = tpu.memref_slice %arg10[%rem3A_105, %dma_start3A_148, %dma_start3A_149] : memref<2x40x128xf32, #tpu.memory_space<vmem>> -> memref<1x40x128xf32, #tpu.memory_space<vmem>>
      %dma_start3A_151 = tpu.memref_squeeze %dma_start3A_150 : memref<1x40x128xf32, #tpu.memory_space<vmem>> -> memref<40x128xf32, #tpu.memory_space<vmem>>
      tpu.enqueue_dma source(%dma_start3A_151 : memref<40x128xf32, #tpu.memory_space<vmem>>) target(%dma_start3A_147 : memref<40x128xf32, #tpu.memory_space<hbm>>) target_semaphore(%dma_start3A_145 : memref<!tpu.dma_semaphore, #tpu.memory_space<semaphore_mem>>)
      %dma_start3A_152 = arith.constant 0 : i32
      %dma_start3A_153 = arith.constant 0 : i32
      %dma_start3A_154 = tpu.memref_slice %arg11[%rem3A_105, %dma_start3A_152, %dma_start3A_153] : memref<2x40x128xf32, #tpu.memory_space<vmem>> -> memref<1x40x128xf32, #tpu.memory_space<vmem>>
      %dma_start3A_155 = tpu.memref_squeeze %dma_start3A_154 : memref<1x40x128xf32, #tpu.memory_space<vmem>> -> memref<40x128xf32, #tpu.memory_space<vmem>>
      %dma_start3A_156 = arith.constant 0 : i32
      %dma_start3A_157 = tpu.memref_slice %arg7[%add3A_137, %dma_start3A_156] : memref<160000x128xf32, #tpu.memory_space<hbm>> -> memref<40x128xf32, #tpu.memory_space<hbm>>
      %dma_start3A_158 = tpu.memref_slice %arg13[%rem3A_105] : memref<2x!tpu.dma_semaphore, #tpu.memory_space<semaphore_mem>> -> memref<1x!tpu.dma_semaphore, #tpu.memory_space<semaphore_mem>>
      %dma_start3A_159 = tpu.memref_squeeze %dma_start3A_158 : memref<1x!tpu.dma_semaphore, #tpu.memory_space<semaphore_mem>> -> memref<!tpu.dma_semaphore, #tpu.memory_space<semaphore_mem>>
      %dma_start3A_160 = arith.constant 0 : i32
      %dma_start3A_161 = tpu.memref_slice %arg7[%add3A_137, %dma_start3A_160] : memref<160000x128xf32, #tpu.memory_space<hbm>> -> memref<40x128xf32, #tpu.memory_space<hbm>>
      %dma_start3A_162 = arith.constant 0 : i32
      %dma_start3A_163 = arith.constant 0 : i32
      %dma_start3A_164 = tpu.memref_slice %arg11[%rem3A_105, %dma_start3A_162, %dma_start3A_163] : memref<2x40x128xf32, #tpu.memory_space<vmem>> -> memref<1x40x128xf32, #tpu.memory_space<vmem>>
      %dma_start3A_165 = tpu.memref_squeeze %dma_start3A_164 : memref<1x40x128xf32, #tpu.memory_space<vmem>> -> memref<40x128xf32, #tpu.memory_space<vmem>>
      tpu.enqueue_dma source(%dma_start3A_165 : memref<40x128xf32, #tpu.memory_space<vmem>>) target(%dma_start3A_161 : memref<40x128xf32, #tpu.memory_space<hbm>>) target_semaphore(%dma_start3A_159 : memref<!tpu.dma_semaphore, #tpu.memory_space<semaphore_mem>>)
    }
    %scan3A_36 = arith.constant 125 : i32
    %add3A_37 = arith.constant 4920 : i32
    %add3A_38 = arith.addi %mul3A_2, %add3A_37 : i32
    %dma_wait3A = arith.constant 1 : i32
    %dma_wait3A_39 = arith.constant 1 : i32
    %dma_wait3A_40 = arith.constant 0 : i32
    %dma_wait3A_41 = arith.constant 0 : i32
    %dma_wait3A_42 = tpu.memref_slice %arg10[%dma_wait3A, %dma_wait3A_40, %dma_wait3A_41] : memref<2x40x128xf32, #tpu.memory_space<vmem>> -> memref<1x40x128xf32, #tpu.memory_space<vmem>>
    %dma_wait3A_43 = tpu.memref_squeeze %dma_wait3A_42 : memref<1x40x128xf32, #tpu.memory_space<vmem>> -> memref<40x128xf32, #tpu.memory_space<vmem>>
    %dma_wait3A_44 = arith.constant 0 : i32
    %dma_wait3A_45 = tpu.memref_slice %arg6[%add3A_38, %dma_wait3A_44] : memref<160000x128xf32, #tpu.memory_space<hbm>> -> memref<40x128xf32, #tpu.memory_space<hbm>>
    %dma_wait3A_46 = tpu.memref_slice %arg13[%dma_wait3A_39] : memref<2x!tpu.dma_semaphore, #tpu.memory_space<semaphore_mem>> -> memref<1x!tpu.dma_semaphore, #tpu.memory_space<semaphore_mem>>
    %dma_wait3A_47 = tpu.memref_squeeze %dma_wait3A_46 : memref<1x!tpu.dma_semaphore, #tpu.memory_space<semaphore_mem>> -> memref<!tpu.dma_semaphore, #tpu.memory_space<semaphore_mem>>
    %dma_wait3A_48 = arith.constant 0 : i32
    %dma_wait3A_49 = tpu.memref_slice %arg6[%add3A_38, %dma_wait3A_48] : memref<160000x128xf32, #tpu.memory_space<hbm>> -> memref<40x128xf32, #tpu.memory_space<hbm>>
    %dma_wait3A_50 = arith.constant 0 : i32
    %dma_wait3A_51 = arith.constant 0 : i32
    %dma_wait3A_52 = tpu.memref_slice %arg10[%dma_wait3A, %dma_wait3A_50, %dma_wait3A_51] : memref<2x40x128xf32, #tpu.memory_space<vmem>> -> memref<1x40x128xf32, #tpu.memory_space<vmem>>
    %dma_wait3A_53 = tpu.memref_squeeze %dma_wait3A_52 : memref<1x40x128xf32, #tpu.memory_space<vmem>> -> memref<40x128xf32, #tpu.memory_space<vmem>>
    tpu.wait_dma2 semaphore(%dma_wait3A_47 : memref<!tpu.dma_semaphore, #tpu.memory_space<semaphore_mem>>) src(%dma_wait3A_53 : memref<40x128xf32, #tpu.memory_space<vmem>>) dst(%dma_wait3A_49 : memref<40x128xf32, #tpu.memory_space<hbm>>)
    %dma_wait3A_54 = arith.constant 1 : i32
    %dma_wait3A_55 = arith.constant 1 : i32
    %dma_wait3A_56 = arith.constant 0 : i32
    %dma_wait3A_57 = arith.constant 0 : i32
    %dma_wait3A_58 = tpu.memref_slice %arg11[%dma_wait3A_54, %dma_wait3A_56, %dma_wait3A_57] : memref<2x40x128xf32, #tpu.memory_space<vmem>> -> memref<1x40x128xf32, #tpu.memory_space<vmem>>
    %dma_wait3A_59 = tpu.memref_squeeze %dma_wait3A_58 : memref<1x40x128xf32, #tpu.memory_space<vmem>> -> memref<40x128xf32, #tpu.memory_space<vmem>>
    %dma_wait3A_60 = arith.constant 0 : i32
    %dma_wait3A_61 = tpu.memref_slice %arg7[%add3A_38, %dma_wait3A_60] : memref<160000x128xf32, #tpu.memory_space<hbm>> -> memref<40x128xf32, #tpu.memory_space<hbm>>
    %dma_wait3A_62 = tpu.memref_slice %arg13[%dma_wait3A_55] : memref<2x!tpu.dma_semaphore, #tpu.memory_space<semaphore_mem>> -> memref<1x!tpu.dma_semaphore, #tpu.memory_space<semaphore_mem>>
    %dma_wait3A_63 = tpu.memref_squeeze %dma_wait3A_62 : memref<1x!tpu.dma_semaphore, #tpu.memory_space<semaphore_mem>> -> memref<!tpu.dma_semaphore, #tpu.memory_space<semaphore_mem>>
    %dma_wait3A_64 = arith.constant 0 : i32
    %dma_wait3A_65 = tpu.memref_slice %arg7[%add3A_38, %dma_wait3A_64] : memref<160000x128xf32, #tpu.memory_space<hbm>> -> memref<40x128xf32, #tpu.memory_space<hbm>>
    %dma_wait3A_66 = arith.constant 0 : i32
    %dma_wait3A_67 = arith.constant 0 : i32
    %dma_wait3A_68 = tpu.memref_slice %arg11[%dma_wait3A_54, %dma_wait3A_66, %dma_wait3A_67] : memref<2x40x128xf32, #tpu.memory_space<vmem>> -> memref<1x40x128xf32, #tpu.memory_space<vmem>>
    %dma_wait3A_69 = tpu.memref_squeeze %dma_wait3A_68 : memref<1x40x128xf32, #tpu.memory_space<vmem>> -> memref<40x128xf32, #tpu.memory_space<vmem>>
    tpu.wait_dma2 semaphore(%dma_wait3A_63 : memref<!tpu.dma_semaphore, #tpu.memory_space<semaphore_mem>>) src(%dma_wait3A_69 : memref<40x128xf32, #tpu.memory_space<vmem>>) dst(%dma_wait3A_65 : memref<40x128xf32, #tpu.memory_space<hbm>>)
    %add3A_70 = arith.constant 4960 : i32
    %add3A_71 = arith.addi %mul3A_2, %add3A_70 : i32
    %dma_wait3A_72 = arith.constant 0 : i32
    %dma_wait3A_73 = arith.constant 0 : i32
    %dma_wait3A_74 = arith.constant 0 : i32
    %dma_wait3A_75 = arith.constant 0 : i32
    %dma_wait3A_76 = tpu.memref_slice %arg10[%dma_wait3A_72, %dma_wait3A_74, %dma_wait3A_75] : memref<2x40x128xf32, #tpu.memory_space<vmem>> -> memref<1x40x128xf32, #tpu.memory_space<vmem>>
    %dma_wait3A_77 = tpu.memref_squeeze %dma_wait3A_76 : memref<1x40x128xf32, #tpu.memory_space<vmem>> -> memref<40x128xf32, #tpu.memory_space<vmem>>
    %dma_wait3A_78 = arith.constant 0 : i32
    %dma_wait3A_79 = tpu.memref_slice %arg6[%add3A_71, %dma_wait3A_78] : memref<160000x128xf32, #tpu.memory_space<hbm>> -> memref<40x128xf32, #tpu.memory_space<hbm>>
    %dma_wait3A_80 = tpu.memref_slice %arg13[%dma_wait3A_73] : memref<2x!tpu.dma_semaphore, #tpu.memory_space<semaphore_mem>> -> memref<1x!tpu.dma_semaphore, #tpu.memory_space<semaphore_mem>>
    %dma_wait3A_81 = tpu.memref_squeeze %dma_wait3A_80 : memref<1x!tpu.dma_semaphore, #tpu.memory_space<semaphore_mem>> -> memref<!tpu.dma_semaphore, #tpu.memory_space<semaphore_mem>>
    %dma_wait3A_82 = arith.constant 0 : i32
    %dma_wait3A_83 = tpu.memref_slice %arg6[%add3A_71, %dma_wait3A_82] : memref<160000x128xf32, #tpu.memory_space<hbm>> -> memref<40x128xf32, #tpu.memory_space<hbm>>
    %dma_wait3A_84 = arith.constant 0 : i32
    %dma_wait3A_85 = arith.constant 0 : i32
    %dma_wait3A_86 = tpu.memref_slice %arg10[%dma_wait3A_72, %dma_wait3A_84, %dma_wait3A_85] : memref<2x40x128xf32, #tpu.memory_space<vmem>> -> memref<1x40x128xf32, #tpu.memory_space<vmem>>
    %dma_wait3A_87 = tpu.memref_squeeze %dma_wait3A_86 : memref<1x40x128xf32, #tpu.memory_space<vmem>> -> memref<40x128xf32, #tpu.memory_space<vmem>>
    tpu.wait_dma2 semaphore(%dma_wait3A_81 : memref<!tpu.dma_semaphore, #tpu.memory_space<semaphore_mem>>) src(%dma_wait3A_87 : memref<40x128xf32, #tpu.memory_space<vmem>>) dst(%dma_wait3A_83 : memref<40x128xf32, #tpu.memory_space<hbm>>)
    %dma_wait3A_88 = arith.constant 0 : i32
    %dma_wait3A_89 = arith.constant 0 : i32
    %dma_wait3A_90 = arith.constant 0 : i32
    %dma_wait3A_91 = arith.constant 0 : i32
    %dma_wait3A_92 = tpu.memref_slice %arg11[%dma_wait3A_88, %dma_wait3A_90, %dma_wait3A_91] : memref<2x40x128xf32, #tpu.memory_space<vmem>> -> memref<1x40x128xf32, #tpu.memory_space<vmem>>
    %dma_wait3A_93 = tpu.memref_squeeze %dma_wait3A_92 : memref<1x40x128xf32, #tpu.memory_space<vmem>> -> memref<40x128xf32, #tpu.memory_space<vmem>>
    %dma_wait3A_94 = arith.constant 0 : i32
    %dma_wait3A_95 = tpu.memref_slice %arg7[%add3A_71, %dma_wait3A_94] : memref<160000x128xf32, #tpu.memory_space<hbm>> -> memref<40x128xf32, #tpu.memory_space<hbm>>
    %dma_wait3A_96 = tpu.memref_slice %arg13[%dma_wait3A_89] : memref<2x!tpu.dma_semaphore, #tpu.memory_space<semaphore_mem>> -> memref<1x!tpu.dma_semaphore, #tpu.memory_space<semaphore_mem>>
    %dma_wait3A_97 = tpu.memref_squeeze %dma_wait3A_96 : memref<1x!tpu.dma_semaphore, #tpu.memory_space<semaphore_mem>> -> memref<!tpu.dma_semaphore, #tpu.memory_space<semaphore_mem>>
    %dma_wait3A_98 = arith.constant 0 : i32
    %dma_wait3A_99 = tpu.memref_slice %arg7[%add3A_71, %dma_wait3A_98] : memref<160000x128xf32, #tpu.memory_space<hbm>> -> memref<40x128xf32, #tpu.memory_space<hbm>>
    %dma_wait3A_100 = arith.constant 0 : i32
    %dma_wait3A_101 = arith.constant 0 : i32
    %dma_wait3A_102 = tpu.memref_slice %arg11[%dma_wait3A_88, %dma_wait3A_100, %dma_wait3A_101] : memref<2x40x128xf32, #tpu.memory_space<vmem>> -> memref<1x40x128xf32, #tpu.memory_space<vmem>>
    %dma_wait3A_103 = tpu.memref_squeeze %dma_wait3A_102 : memref<1x40x128xf32, #tpu.memory_space<vmem>> -> memref<40x128xf32, #tpu.memory_space<vmem>>
    tpu.wait_dma2 semaphore(%dma_wait3A_97 : memref<!tpu.dma_semaphore, #tpu.memory_space<semaphore_mem>>) src(%dma_wait3A_103 : memref<40x128xf32, #tpu.memory_space<vmem>>) dst(%dma_wait3A_99 : memref<40x128xf32, #tpu.memory_space<hbm>>)
    return
  }
}

#map = affine_map<(d0, d1) -> (0, 0)>
#map1 = affine_map<(d0, d1) -> (0, 0, 0, 0)>
#map2 = affine_map<(d0, d1) -> (0, 0, 0)>
module attributes {stable_mosaic.version = 14 : i64} {
  func.func @body(%arg0: i32, %arg1: i32, %arg2: memref<160000x8xf32, #tpu.memory_space<hbm>>, %arg3: memref<2x16x125x40xi32, #tpu.memory_space<hbm>>, %arg4: memref<10000x8xf32, #tpu.memory_space<hbm>>, %arg5: memref<2x10000x8xf32, #tpu.memory_space<hbm>>, %arg6: memref<125x40xi32, #tpu.memory_space<vmem>>, %arg7: memref<2x40x8xf32, #tpu.memory_space<vmem>>, %arg8: memref<10000x8xf32, #tpu.memory_space<vmem_shared>>, %arg9: memref<2x!tpu.dma_semaphore, #tpu.memory_space<semaphore_mem>>, %arg10: memref<2x!tpu.dma_semaphore, #tpu.memory_space<semaphore_mem>>) attributes {dimension_semantics = [#tpu.dimension_semantics<core_parallel>, #tpu.dimension_semantics<subcore_parallel>], iteration_bounds = array<i64: 2, 16>, scalar_prefetch = 0 : i64, scratch_operands = 5 : i64, tpu.core_type = #tpu.core_type<sc_vector_subcore>, window_params = [{transform_indices = #map}, {transform_indices = #map1}, {transform_indices = #map}, {transform_indices = #map2}]} {
    "tpu.region"() ({
      %run_scoped3A = tpu.sem_alloc : memref<!tpu.dma_semaphore, #tpu.memory_space<semaphore_mem>>
      %dma_start3A_62 = arith.constant 0 : i32
      %dma_start3A_63 = arith.constant 0 : i32
      %dma_start3A_64 = tpu.memref_slice %arg3[%arg0, %arg1, %dma_start3A_62, %dma_start3A_63] : memref<2x16x125x40xi32, #tpu.memory_space<hbm>> -> memref<1x1x125x40xi32, #tpu.memory_space<hbm>>
      %dma_start3A_65 = tpu.memref_squeeze %dma_start3A_64 : memref<1x1x125x40xi32, #tpu.memory_space<hbm>> -> memref<125x40xi32, #tpu.memory_space<hbm>>
      %dma_start3A_66 = arith.constant 0 : i32
      %dma_start3A_67 = arith.constant 0 : i32
      %dma_start3A_68 = tpu.memref_slice %arg3[%arg0, %arg1, %dma_start3A_66, %dma_start3A_67] : memref<2x16x125x40xi32, #tpu.memory_space<hbm>> -> memref<1x1x125x40xi32, #tpu.memory_space<hbm>>
      %dma_start3A_69 = tpu.memref_squeeze %dma_start3A_68 : memref<1x1x125x40xi32, #tpu.memory_space<hbm>> -> memref<125x40xi32, #tpu.memory_space<hbm>>
      tpu.enqueue_dma source(%dma_start3A_69 : memref<125x40xi32, #tpu.memory_space<hbm>>) target(%arg6 : memref<125x40xi32, #tpu.memory_space<vmem>>) target_semaphore(%run_scoped3A : memref<!tpu.dma_semaphore, #tpu.memory_space<semaphore_mem>>)
      %dma_wait3A_70 = arith.constant 0 : i32
      %dma_wait3A_71 = arith.constant 0 : i32
      %dma_wait3A_72 = tpu.memref_slice %arg3[%arg0, %arg1, %dma_wait3A_70, %dma_wait3A_71] : memref<2x16x125x40xi32, #tpu.memory_space<hbm>> -> memref<1x1x125x40xi32, #tpu.memory_space<hbm>>
      %dma_wait3A_73 = tpu.memref_squeeze %dma_wait3A_72 : memref<1x1x125x40xi32, #tpu.memory_space<hbm>> -> memref<125x40xi32, #tpu.memory_space<hbm>>
      %dma_wait3A_74 = arith.constant 0 : i32
      %dma_wait3A_75 = arith.constant 0 : i32
      %dma_wait3A_76 = tpu.memref_slice %arg3[%arg0, %arg1, %dma_wait3A_74, %dma_wait3A_75] : memref<2x16x125x40xi32, #tpu.memory_space<hbm>> -> memref<1x1x125x40xi32, #tpu.memory_space<hbm>>
      %dma_wait3A_77 = tpu.memref_squeeze %dma_wait3A_76 : memref<1x1x125x40xi32, #tpu.memory_space<hbm>> -> memref<125x40xi32, #tpu.memory_space<hbm>>
      tpu.wait_dma2 semaphore(%run_scoped3A : memref<!tpu.dma_semaphore, #tpu.memory_space<semaphore_mem>>) src(%dma_wait3A_77 : memref<125x40xi32, #tpu.memory_space<hbm>>) dst(%arg6 : memref<125x40xi32, #tpu.memory_space<vmem>>)
      tpu.yield
    }) : () -> ()
    %eq3A = arith.constant 0 : i32
    %eq3A_0 = arith.cmpi eq, %arg1, %eq3A : i32
    %convert_element_type3A = arith.extui %eq3A_0 : i1 to i32
    %cond3A = arith.constant 0 : i32
    %cond3A_1 = arith.cmpi ne, %convert_element_type3A, %cond3A : i32
    scf.if %cond3A_1 {
      "tpu.region"() ({
        %run_scoped3A = tpu.sem_alloc : memref<!tpu.dma_semaphore, #tpu.memory_space<semaphore_mem>>
        tpu.enqueue_dma source(%arg4 : memref<10000x8xf32, #tpu.memory_space<hbm>>) target(%arg8 : memref<10000x8xf32, #tpu.memory_space<vmem_shared>>) target_semaphore(%run_scoped3A : memref<!tpu.dma_semaphore, #tpu.memory_space<semaphore_mem>>)
        tpu.wait_dma2 semaphore(%run_scoped3A : memref<!tpu.dma_semaphore, #tpu.memory_space<semaphore_mem>>) src(%arg4 : memref<10000x8xf32, #tpu.memory_space<hbm>>) dst(%arg8 : memref<10000x8xf32, #tpu.memory_space<vmem_shared>>)
        tpu.yield
      }) : () -> ()
    } else {
    }
    %barrier3A = arith.constant 0 : index
    tpu.barrier barrier_id(%barrier3A)
    %mul3A = arith.constant 80000 : i32
    %mul3A_2 = arith.muli %arg0, %mul3A : i32
    %mul3A_3 = arith.constant 5000 : i32
    %mul3A_4 = arith.muli %arg1, %mul3A_3 : i32
    %add3A = arith.addi %mul3A_2, %mul3A_4 : i32
    %add3A_5 = arith.constant 0 : i32
    %add3A_6 = arith.addi %add3A, %add3A_5 : i32
    %dma_start3A = arith.constant 0 : i32
    %dma_start3A_7 = arith.constant 0 : i32
    %dma_start3A_8 = arith.constant 0 : i32
    %dma_start3A_9 = arith.constant 0 : i32
    %dma_start3A_10 = tpu.memref_slice %arg7[%dma_start3A, %dma_start3A_8, %dma_start3A_9] : memref<2x40x8xf32, #tpu.memory_space<vmem>> -> memref<1x40x8xf32, #tpu.memory_space<vmem>>
    %dma_start3A_11 = tpu.memref_squeeze %dma_start3A_10 : memref<1x40x8xf32, #tpu.memory_space<vmem>> -> memref<40x8xf32, #tpu.memory_space<vmem>>
    %dma_start3A_12 = arith.constant 0 : i32
    %dma_start3A_13 = tpu.memref_slice %arg2[%add3A_6, %dma_start3A_12] : memref<160000x8xf32, #tpu.memory_space<hbm>> -> memref<40x8xf32, #tpu.memory_space<hbm>>
    %dma_start3A_14 = tpu.memref_slice %arg9[%dma_start3A_7] : memref<2x!tpu.dma_semaphore, #tpu.memory_space<semaphore_mem>> -> memref<1x!tpu.dma_semaphore, #tpu.memory_space<semaphore_mem>>
    %dma_start3A_15 = tpu.memref_squeeze %dma_start3A_14 : memref<1x!tpu.dma_semaphore, #tpu.memory_space<semaphore_mem>> -> memref<!tpu.dma_semaphore, #tpu.memory_space<semaphore_mem>>
    %dma_start3A_16 = arith.constant 0 : i32
    %dma_start3A_17 = arith.constant 0 : i32
    %dma_start3A_18 = tpu.memref_slice %arg7[%dma_start3A, %dma_start3A_16, %dma_start3A_17] : memref<2x40x8xf32, #tpu.memory_space<vmem>> -> memref<1x40x8xf32, #tpu.memory_space<vmem>>
    %dma_start3A_19 = tpu.memref_squeeze %dma_start3A_18 : memref<1x40x8xf32, #tpu.memory_space<vmem>> -> memref<40x8xf32, #tpu.memory_space<vmem>>
    %dma_start3A_20 = arith.constant 0 : i32
    %dma_start3A_21 = tpu.memref_slice %arg2[%add3A_6, %dma_start3A_20] : memref<160000x8xf32, #tpu.memory_space<hbm>> -> memref<40x8xf32, #tpu.memory_space<hbm>>
    tpu.enqueue_dma source(%dma_start3A_21 : memref<40x8xf32, #tpu.memory_space<hbm>>) target(%dma_start3A_19 : memref<40x8xf32, #tpu.memory_space<vmem>>) target_semaphore(%dma_start3A_15 : memref<!tpu.dma_semaphore, #tpu.memory_space<semaphore_mem>>)
    %scan3A = arith.constant 0 : i32
    %scan3A_22 = arith.constant 0 : i32
    %scan3A_23 = arith.constant 125 : i32
    %scan3A_24 = arith.addi %scan3A_22, %scan3A_23 : i32
    %scan3A_25 = arith.constant 1 : i32
    scf.for %scan3A_62 = %scan3A_22 to %scan3A_24 step %scan3A_25  : i32 {
      %rem3A = arith.constant 2 : i32
      %rem3A_63 = arith.remsi %scan3A_62, %rem3A : i32
      %sub3A = arith.constant 1 : i32
      %sub3A_64 = arith.subi %sub3A, %rem3A_63 : i32
      %add3A_65 = arith.constant 1 : i32
      %add3A_66 = arith.addi %scan3A_62, %add3A_65 : i32
      %lt3A = arith.constant 125 : i32
      %lt3A_67 = arith.cmpi slt, %add3A_66, %lt3A : i32
      %convert_element_type3A_68 = arith.extui %lt3A_67 : i1 to i32
      %cond3A_69 = arith.constant 0 : i32
      %cond3A_70 = arith.cmpi ne, %convert_element_type3A_68, %cond3A_69 : i32
      scf.if %cond3A_70 {
        %ge3A = arith.constant 1 : i32
        %ge3A_100 = arith.cmpi sge, %scan3A_62, %ge3A : i32
        %convert_element_type3A_101 = arith.extui %ge3A_100 : i1 to i32
        %cond3A_102 = arith.constant 0 : i32
        %cond3A_103 = arith.cmpi ne, %convert_element_type3A_101, %cond3A_102 : i32
        scf.if %cond3A_103 {
          %sub3A_123 = arith.constant 1 : i32
          %sub3A_124 = arith.subi %scan3A_62, %sub3A_123 : i32
          %dma_wait3A_125 = arith.constant 0 : i32
          %dma_wait3A_126 = arith.constant 0 : i32
          %dma_wait3A_127 = tpu.memref_slice %arg7[%sub3A_64, %dma_wait3A_125, %dma_wait3A_126] : memref<2x40x8xf32, #tpu.memory_space<vmem>> -> memref<1x40x8xf32, #tpu.memory_space<vmem>>
          %dma_wait3A_128 = tpu.memref_squeeze %dma_wait3A_127 : memref<1x40x8xf32, #tpu.memory_space<vmem>> -> memref<40x8xf32, #tpu.memory_space<vmem>>
          %dma_wait3A_129 = arith.constant 0 : i32
          %dma_wait3A_130 = tpu.memref_slice %arg6[%sub3A_124, %dma_wait3A_129] : memref<125x40xi32, #tpu.memory_space<vmem>> -> memref<1x40xi32, #tpu.memory_space<vmem>>
          %dma_wait3A_131 = tpu.memref_squeeze %dma_wait3A_130 : memref<1x40xi32, #tpu.memory_space<vmem>> -> memref<40xi32, #tpu.memory_space<vmem>>
          %dma_wait3A_132 = arith.constant 0 : i32
          %dma_wait3A_133 = arith.constant 0 : i32
          %dma_wait3A_134 = tpu.memref_slice %arg8[%dma_wait3A_132, %dma_wait3A_133] : memref<10000x8xf32, #tpu.memory_space<vmem_shared>> -> memref<10000x8xf32, #tpu.memory_space<vmem_shared>>
          %dma_wait3A_135 = tpu.memref_slice %arg10[%sub3A_64] : memref<2x!tpu.dma_semaphore, #tpu.memory_space<semaphore_mem>> -> memref<1x!tpu.dma_semaphore, #tpu.memory_space<semaphore_mem>>
          %dma_wait3A_136 = tpu.memref_squeeze %dma_wait3A_135 : memref<1x!tpu.dma_semaphore, #tpu.memory_space<semaphore_mem>> -> memref<!tpu.dma_semaphore, #tpu.memory_space<semaphore_mem>>
          tpu.wait_indirect_dma semaphore(%dma_wait3A_136 : memref<!tpu.dma_semaphore, #tpu.memory_space<semaphore_mem>>) src(%dma_wait3A_128 : memref<40x8xf32, #tpu.memory_space<vmem>>) dst(%dma_wait3A_134 : memref<10000x8xf32, #tpu.memory_space<vmem_shared>>)
        } else {
        }
        %add3A_104 = arith.constant 1 : i32
        %add3A_105 = arith.addi %scan3A_62, %add3A_104 : i32
        %mul3A_106 = arith.constant 40 : i32
        %mul3A_107 = arith.muli %add3A_105, %mul3A_106 : i32
        %add3A_108 = arith.addi %add3A, %mul3A_107 : i32
        %dma_start3A_109 = arith.constant 0 : i32
        %dma_start3A_110 = arith.constant 0 : i32
        %dma_start3A_111 = tpu.memref_slice %arg7[%sub3A_64, %dma_start3A_109, %dma_start3A_110] : memref<2x40x8xf32, #tpu.memory_space<vmem>> -> memref<1x40x8xf32, #tpu.memory_space<vmem>>
        %dma_start3A_112 = tpu.memref_squeeze %dma_start3A_111 : memref<1x40x8xf32, #tpu.memory_space<vmem>> -> memref<40x8xf32, #tpu.memory_space<vmem>>
        %dma_start3A_113 = arith.constant 0 : i32
        %dma_start3A_114 = tpu.memref_slice %arg2[%add3A_108, %dma_start3A_113] : memref<160000x8xf32, #tpu.memory_space<hbm>> -> memref<40x8xf32, #tpu.memory_space<hbm>>
        %dma_start3A_115 = tpu.memref_slice %arg9[%sub3A_64] : memref<2x!tpu.dma_semaphore, #tpu.memory_space<semaphore_mem>> -> memref<1x!tpu.dma_semaphore, #tpu.memory_space<semaphore_mem>>
        %dma_start3A_116 = tpu.memref_squeeze %dma_start3A_115 : memref<1x!tpu.dma_semaphore, #tpu.memory_space<semaphore_mem>> -> memref<!tpu.dma_semaphore, #tpu.memory_space<semaphore_mem>>
        %dma_start3A_117 = arith.constant 0 : i32
        %dma_start3A_118 = arith.constant 0 : i32
        %dma_start3A_119 = tpu.memref_slice %arg7[%sub3A_64, %dma_start3A_117, %dma_start3A_118] : memref<2x40x8xf32, #tpu.memory_space<vmem>> -> memref<1x40x8xf32, #tpu.memory_space<vmem>>
        %dma_start3A_120 = tpu.memref_squeeze %dma_start3A_119 : memref<1x40x8xf32, #tpu.memory_space<vmem>> -> memref<40x8xf32, #tpu.memory_space<vmem>>
        %dma_start3A_121 = arith.constant 0 : i32
        %dma_start3A_122 = tpu.memref_slice %arg2[%add3A_108, %dma_start3A_121] : memref<160000x8xf32, #tpu.memory_space<hbm>> -> memref<40x8xf32, #tpu.memory_space<hbm>>
        tpu.enqueue_dma source(%dma_start3A_122 : memref<40x8xf32, #tpu.memory_space<hbm>>) target(%dma_start3A_120 : memref<40x8xf32, #tpu.memory_space<vmem>>) target_semaphore(%dma_start3A_116 : memref<!tpu.dma_semaphore, #tpu.memory_space<semaphore_mem>>)
      } else {
      }
      %mul3A_71 = arith.constant 40 : i32
      %mul3A_72 = arith.muli %scan3A_62, %mul3A_71 : i32
      %add3A_73 = arith.addi %add3A, %mul3A_72 : i32
      %dma_wait3A_74 = arith.constant 0 : i32
      %dma_wait3A_75 = arith.constant 0 : i32
      %dma_wait3A_76 = tpu.memref_slice %arg7[%rem3A_63, %dma_wait3A_74, %dma_wait3A_75] : memref<2x40x8xf32, #tpu.memory_space<vmem>> -> memref<1x40x8xf32, #tpu.memory_space<vmem>>
      %dma_wait3A_77 = tpu.memref_squeeze %dma_wait3A_76 : memref<1x40x8xf32, #tpu.memory_space<vmem>> -> memref<40x8xf32, #tpu.memory_space<vmem>>
      %dma_wait3A_78 = arith.constant 0 : i32
      %dma_wait3A_79 = tpu.memref_slice %arg2[%add3A_73, %dma_wait3A_78] : memref<160000x8xf32, #tpu.memory_space<hbm>> -> memref<40x8xf32, #tpu.memory_space<hbm>>
      %dma_wait3A_80 = tpu.memref_slice %arg9[%rem3A_63] : memref<2x!tpu.dma_semaphore, #tpu.memory_space<semaphore_mem>> -> memref<1x!tpu.dma_semaphore, #tpu.memory_space<semaphore_mem>>
      %dma_wait3A_81 = tpu.memref_squeeze %dma_wait3A_80 : memref<1x!tpu.dma_semaphore, #tpu.memory_space<semaphore_mem>> -> memref<!tpu.dma_semaphore, #tpu.memory_space<semaphore_mem>>
      %dma_wait3A_82 = arith.constant 0 : i32
      %dma_wait3A_83 = arith.constant 0 : i32
      %dma_wait3A_84 = tpu.memref_slice %arg7[%rem3A_63, %dma_wait3A_82, %dma_wait3A_83] : memref<2x40x8xf32, #tpu.memory_space<vmem>> -> memref<1x40x8xf32, #tpu.memory_space<vmem>>
      %dma_wait3A_85 = tpu.memref_squeeze %dma_wait3A_84 : memref<1x40x8xf32, #tpu.memory_space<vmem>> -> memref<40x8xf32, #tpu.memory_space<vmem>>
      %dma_wait3A_86 = arith.constant 0 : i32
      %dma_wait3A_87 = tpu.memref_slice %arg2[%add3A_73, %dma_wait3A_86] : memref<160000x8xf32, #tpu.memory_space<hbm>> -> memref<40x8xf32, #tpu.memory_space<hbm>>
      tpu.wait_dma2 semaphore(%dma_wait3A_81 : memref<!tpu.dma_semaphore, #tpu.memory_space<semaphore_mem>>) src(%dma_wait3A_87 : memref<40x8xf32, #tpu.memory_space<hbm>>) dst(%dma_wait3A_85 : memref<40x8xf32, #tpu.memory_space<vmem>>)
      %dma_start3A_88 = arith.constant 0 : i32
      %dma_start3A_89 = arith.constant 0 : i32
      %dma_start3A_90 = tpu.memref_slice %arg7[%rem3A_63, %dma_start3A_88, %dma_start3A_89] : memref<2x40x8xf32, #tpu.memory_space<vmem>> -> memref<1x40x8xf32, #tpu.memory_space<vmem>>
      %dma_start3A_91 = tpu.memref_squeeze %dma_start3A_90 : memref<1x40x8xf32, #tpu.memory_space<vmem>> -> memref<40x8xf32, #tpu.memory_space<vmem>>
      %dma_start3A_92 = arith.constant 0 : i32
      %dma_start3A_93 = tpu.memref_slice %arg6[%scan3A_62, %dma_start3A_92] : memref<125x40xi32, #tpu.memory_space<vmem>> -> memref<1x40xi32, #tpu.memory_space<vmem>>
      %dma_start3A_94 = tpu.memref_squeeze %dma_start3A_93 : memref<1x40xi32, #tpu.memory_space<vmem>> -> memref<40xi32, #tpu.memory_space<vmem>>
      %dma_start3A_95 = arith.constant 0 : i32
      %dma_start3A_96 = arith.constant 0 : i32
      %dma_start3A_97 = tpu.memref_slice %arg8[%dma_start3A_95, %dma_start3A_96] : memref<10000x8xf32, #tpu.memory_space<vmem_shared>> -> memref<10000x8xf32, #tpu.memory_space<vmem_shared>>
      %dma_start3A_98 = tpu.memref_slice %arg10[%rem3A_63] : memref<2x!tpu.dma_semaphore, #tpu.memory_space<semaphore_mem>> -> memref<1x!tpu.dma_semaphore, #tpu.memory_space<semaphore_mem>>
      %dma_start3A_99 = tpu.memref_squeeze %dma_start3A_98 : memref<1x!tpu.dma_semaphore, #tpu.memory_space<semaphore_mem>> -> memref<!tpu.dma_semaphore, #tpu.memory_space<semaphore_mem>>
      tpu.enqueue_indirect_dma source(%dma_start3A_91 : memref<40x8xf32, #tpu.memory_space<vmem>>) target(%dma_start3A_97 : memref<10000x8xf32, #tpu.memory_space<vmem_shared>>) offsets(%dma_start3A_94 : memref<40xi32, #tpu.memory_space<vmem>>) semaphore(%dma_start3A_99 : memref<!tpu.dma_semaphore, #tpu.memory_space<semaphore_mem>>) {add = true}
    }
    %scan3A_26 = arith.constant 125 : i32
    %dma_wait3A = arith.constant 1 : i32
    %dma_wait3A_27 = arith.constant 123 : i32
    %dma_wait3A_28 = arith.constant 1 : i32
    %dma_wait3A_29 = arith.constant 0 : i32
    %dma_wait3A_30 = arith.constant 0 : i32
    %dma_wait3A_31 = tpu.memref_slice %arg7[%dma_wait3A, %dma_wait3A_29, %dma_wait3A_30] : memref<2x40x8xf32, #tpu.memory_space<vmem>> -> memref<1x40x8xf32, #tpu.memory_space<vmem>>
    %dma_wait3A_32 = tpu.memref_squeeze %dma_wait3A_31 : memref<1x40x8xf32, #tpu.memory_space<vmem>> -> memref<40x8xf32, #tpu.memory_space<vmem>>
    %dma_wait3A_33 = arith.constant 0 : i32
    %dma_wait3A_34 = tpu.memref_slice %arg6[%dma_wait3A_27, %dma_wait3A_33] : memref<125x40xi32, #tpu.memory_space<vmem>> -> memref<1x40xi32, #tpu.memory_space<vmem>>
    %dma_wait3A_35 = tpu.memref_squeeze %dma_wait3A_34 : memref<1x40xi32, #tpu.memory_space<vmem>> -> memref<40xi32, #tpu.memory_space<vmem>>
    %dma_wait3A_36 = arith.constant 0 : i32
    %dma_wait3A_37 = arith.constant 0 : i32
    %dma_wait3A_38 = tpu.memref_slice %arg8[%dma_wait3A_36, %dma_wait3A_37] : memref<10000x8xf32, #tpu.memory_space<vmem_shared>> -> memref<10000x8xf32, #tpu.memory_space<vmem_shared>>
    %dma_wait3A_39 = tpu.memref_slice %arg10[%dma_wait3A_28] : memref<2x!tpu.dma_semaphore, #tpu.memory_space<semaphore_mem>> -> memref<1x!tpu.dma_semaphore, #tpu.memory_space<semaphore_mem>>
    %dma_wait3A_40 = tpu.memref_squeeze %dma_wait3A_39 : memref<1x!tpu.dma_semaphore, #tpu.memory_space<semaphore_mem>> -> memref<!tpu.dma_semaphore, #tpu.memory_space<semaphore_mem>>
    tpu.wait_indirect_dma semaphore(%dma_wait3A_40 : memref<!tpu.dma_semaphore, #tpu.memory_space<semaphore_mem>>) src(%dma_wait3A_32 : memref<40x8xf32, #tpu.memory_space<vmem>>) dst(%dma_wait3A_38 : memref<10000x8xf32, #tpu.memory_space<vmem_shared>>)
    %dma_wait3A_41 = arith.constant 0 : i32
    %dma_wait3A_42 = arith.constant 124 : i32
    %dma_wait3A_43 = arith.constant 0 : i32
    %dma_wait3A_44 = arith.constant 0 : i32
    %dma_wait3A_45 = arith.constant 0 : i32
    %dma_wait3A_46 = tpu.memref_slice %arg7[%dma_wait3A_41, %dma_wait3A_44, %dma_wait3A_45] : memref<2x40x8xf32, #tpu.memory_space<vmem>> -> memref<1x40x8xf32, #tpu.memory_space<vmem>>
    %dma_wait3A_47 = tpu.memref_squeeze %dma_wait3A_46 : memref<1x40x8xf32, #tpu.memory_space<vmem>> -> memref<40x8xf32, #tpu.memory_space<vmem>>
    %dma_wait3A_48 = arith.constant 0 : i32
    %dma_wait3A_49 = tpu.memref_slice %arg6[%dma_wait3A_42, %dma_wait3A_48] : memref<125x40xi32, #tpu.memory_space<vmem>> -> memref<1x40xi32, #tpu.memory_space<vmem>>
    %dma_wait3A_50 = tpu.memref_squeeze %dma_wait3A_49 : memref<1x40xi32, #tpu.memory_space<vmem>> -> memref<40xi32, #tpu.memory_space<vmem>>
    %dma_wait3A_51 = arith.constant 0 : i32
    %dma_wait3A_52 = arith.constant 0 : i32
    %dma_wait3A_53 = tpu.memref_slice %arg8[%dma_wait3A_51, %dma_wait3A_52] : memref<10000x8xf32, #tpu.memory_space<vmem_shared>> -> memref<10000x8xf32, #tpu.memory_space<vmem_shared>>
    %dma_wait3A_54 = tpu.memref_slice %arg10[%dma_wait3A_43] : memref<2x!tpu.dma_semaphore, #tpu.memory_space<semaphore_mem>> -> memref<1x!tpu.dma_semaphore, #tpu.memory_space<semaphore_mem>>
    %dma_wait3A_55 = tpu.memref_squeeze %dma_wait3A_54 : memref<1x!tpu.dma_semaphore, #tpu.memory_space<semaphore_mem>> -> memref<!tpu.dma_semaphore, #tpu.memory_space<semaphore_mem>>
    tpu.wait_indirect_dma semaphore(%dma_wait3A_55 : memref<!tpu.dma_semaphore, #tpu.memory_space<semaphore_mem>>) src(%dma_wait3A_47 : memref<40x8xf32, #tpu.memory_space<vmem>>) dst(%dma_wait3A_53 : memref<10000x8xf32, #tpu.memory_space<vmem_shared>>)
    %barrier3A_56 = arith.constant 0 : index
    tpu.barrier barrier_id(%barrier3A_56)
    %eq3A_57 = arith.constant 0 : i32
    %eq3A_58 = arith.cmpi eq, %arg1, %eq3A_57 : i32
    %convert_element_type3A_59 = arith.extui %eq3A_58 : i1 to i32
    %cond3A_60 = arith.constant 0 : i32
    %cond3A_61 = arith.cmpi ne, %convert_element_type3A_59, %cond3A_60 : i32
    scf.if %cond3A_61 {
      "tpu.region"() ({
        %run_scoped3A = tpu.sem_alloc : memref<!tpu.dma_semaphore, #tpu.memory_space<semaphore_mem>>
        %dma_start3A_62 = arith.constant 0 : i32
        %dma_start3A_63 = arith.constant 0 : i32
        %dma_start3A_64 = tpu.memref_slice %arg5[%arg0, %dma_start3A_62, %dma_start3A_63] : memref<2x10000x8xf32, #tpu.memory_space<hbm>> -> memref<1x10000x8xf32, #tpu.memory_space<hbm>>
        %dma_start3A_65 = tpu.memref_squeeze %dma_start3A_64 : memref<1x10000x8xf32, #tpu.memory_space<hbm>> -> memref<10000x8xf32, #tpu.memory_space<hbm>>
        tpu.enqueue_dma source(%arg8 : memref<10000x8xf32, #tpu.memory_space<vmem_shared>>) target(%dma_start3A_65 : memref<10000x8xf32, #tpu.memory_space<hbm>>) target_semaphore(%run_scoped3A : memref<!tpu.dma_semaphore, #tpu.memory_space<semaphore_mem>>)
        %dma_wait3A_66 = arith.constant 0 : i32
        %dma_wait3A_67 = arith.constant 0 : i32
        %dma_wait3A_68 = tpu.memref_slice %arg5[%arg0, %dma_wait3A_66, %dma_wait3A_67] : memref<2x10000x8xf32, #tpu.memory_space<hbm>> -> memref<1x10000x8xf32, #tpu.memory_space<hbm>>
        %dma_wait3A_69 = tpu.memref_squeeze %dma_wait3A_68 : memref<1x10000x8xf32, #tpu.memory_space<hbm>> -> memref<10000x8xf32, #tpu.memory_space<hbm>>
        tpu.wait_dma2 semaphore(%run_scoped3A : memref<!tpu.dma_semaphore, #tpu.memory_space<semaphore_mem>>) src(%arg8 : memref<10000x8xf32, #tpu.memory_space<vmem_shared>>) dst(%dma_wait3A_69 : memref<10000x8xf32, #tpu.memory_space<hbm>>)
        tpu.yield
      }) : () -> ()
    } else {
    }
    return
  }
}

module attributes {stable_mosaic.version = 14 : i64} {
  func.func @_tables_body(%arg0: memref<10000x128xf32, #tpu.memory_space<vmem>>, %arg1: memref<128x128xf32, #tpu.memory_space<vmem>>, %arg2: memref<128x128xf32, #tpu.memory_space<vmem>>, %arg3: memref<10000x128xf32, #tpu.memory_space<vmem>>, %arg4: memref<10000x128xf32, #tpu.memory_space<vmem>>) attributes {dimension_semantics = [], scalar_prefetch = 0 : i64, scratch_operands = 0 : i64, tpu.core_type = #tpu.core_type<tc>} {
    %get3A = arith.constant 0 : index
    %get3A_0 = arith.constant 0 : index
    %get3A_1 = vector.load %arg0[%get3A, %get3A_0] : memref<10000x128xf32, #tpu.memory_space<vmem>>, vector<10000x128xf32>
    %get3A_2 = arith.constant 0 : index
    %get3A_3 = arith.constant 0 : index
    %get3A_4 = vector.load %arg1[%get3A_2, %get3A_3] : memref<128x128xf32, #tpu.memory_space<vmem>>, vector<128x128xf32>
    %dot_general3A = arith.constant dense<0.000000e+00> : vector<10000x128xf32>
    %dot_general3A_5 = tpu.matmul %get3A_1, %get3A_4, %dot_general3A {dimension_numbers = #tpu.dot_dimension_numbers<[1], [0], [0], [1], [0, 0, 1, 1], [], []>, transpose_lhs_hint = false} : vector<10000x128xf32>, vector<128x128xf32>, vector<10000x128xf32> -> vector<10000x128xf32>
    %swap3A = arith.constant 0 : index
    %swap3A_6 = arith.constant 0 : index
    %swap3A_7 = vector.load %arg3[%swap3A, %swap3A_6] : memref<10000x128xf32, #tpu.memory_space<vmem>>, vector<10000x128xf32>
    tpu.vector_store %arg3[%swap3A, %swap3A_6], %dot_general3A_5 {strides = array<i32>} : memref<10000x128xf32, #tpu.memory_space<vmem>>, vector<10000x128xf32>,
    %get3A_8 = arith.constant 0 : index
    %get3A_9 = arith.constant 0 : index
    %get3A_10 = vector.load %arg2[%get3A_8, %get3A_9] : memref<128x128xf32, #tpu.memory_space<vmem>>, vector<128x128xf32>
    %dot_general3A_11 = arith.constant dense<0.000000e+00> : vector<10000x128xf32>
    %dot_general3A_12 = tpu.matmul %get3A_1, %get3A_10, %dot_general3A_11 {dimension_numbers = #tpu.dot_dimension_numbers<[1], [0], [0], [1], [0, 0, 1, 1], [], []>, transpose_lhs_hint = false} : vector<10000x128xf32>, vector<128x128xf32>, vector<10000x128xf32> -> vector<10000x128xf32>
    %swap3A_13 = arith.constant 0 : index
    %swap3A_14 = arith.constant 0 : index
    %swap3A_15 = vector.load %arg4[%swap3A_13, %swap3A_14] : memref<10000x128xf32, #tpu.memory_space<vmem>>, vector<10000x128xf32>
    tpu.vector_store %arg4[%swap3A_13, %swap3A_14], %dot_general3A_12 {strides = array<i32>} : memref<10000x128xf32, #tpu.memory_space<vmem>>, vector<10000x128xf32>,
    return
  }
}

module attributes {stable_mosaic.version = 14 : i64} {
  func.func @_mlp_body(%arg0: i32, %arg1: memref<2000x128xf32, #tpu.memory_space<vmem>>, %arg2: memref<2000x128xf32, #tpu.memory_space<vmem>>, %arg3: memref<2000x3xf32, #tpu.memory_space<vmem>>, %arg4: memref<1x128xf32, #tpu.memory_space<vmem>>, %arg5: memref<1x128xf32, #tpu.memory_space<vmem>>, %arg6: memref<128x128xf32, #tpu.memory_space<vmem>>, %arg7: memref<1x128xf32, #tpu.memory_space<vmem>>, %arg8: memref<128x128xf32, #tpu.memory_space<vmem>>, %arg9: memref<1x128xf32, #tpu.memory_space<vmem>>, %arg10: memref<128x1xf32, #tpu.memory_space<vmem>>, %arg11: memref<2000x8xf32, #tpu.memory_space<vmem>>) attributes {dimension_semantics = [#tpu.dimension_semantics<arbitrary>], iteration_bounds = array<i64: 80>, scalar_prefetch = 0 : i64, scratch_operands = 0 : i64, tpu.core_type = #tpu.core_type<tc>, window_params = [{transform_indices = @transform_0, window_bounds = array<i64: 2000, 128>}, {transform_indices = @transform_1, window_bounds = array<i64: 2000, 128>}, {transform_indices = @transform_2, window_bounds = array<i64: 2000, 3>}, {pipeline_mode = #tpu.pipeline_mode<synchronous>, transform_indices = @transform_3, window_bounds = array<i64: 1, 128>}, {pipeline_mode = #tpu.pipeline_mode<synchronous>, transform_indices = @transform_4, window_bounds = array<i64: 1, 128>}, {pipeline_mode = #tpu.pipeline_mode<synchronous>, transform_indices = @transform_5, window_bounds = array<i64: 128, 128>}, {pipeline_mode = #tpu.pipeline_mode<synchronous>, transform_indices = @transform_6, window_bounds = array<i64: 1, 128>}, {pipeline_mode = #tpu.pipeline_mode<synchronous>, transform_indices = @transform_7, window_bounds = array<i64: 128, 128>}, {pipeline_mode = #tpu.pipeline_mode<synchronous>, transform_indices = @transform_8, window_bounds = array<i64: 1, 128>}, {pipeline_mode = #tpu.pipeline_mode<synchronous>, transform_indices = @transform_9, window_bounds = array<i64: 128, 1>}, {transform_indices = @transform_10, window_bounds = array<i64: 2000, 8>}]} {
    %get3A = arith.constant 0 : index
    %get3A_0 = arith.constant 0 : index
    %get3A_1 = vector.load %arg3[%get3A, %get3A_0] : memref<2000x3xf32, #tpu.memory_space<vmem>>, vector<2000x3xf32>
    %mul3A = arith.mulf %get3A_1, %get3A_1 : vector<2000x3xf32>
    %reduce_sum3A = arith.constant dense<0.000000e+00> : vector<2000xf32>
    %reduce_sum3A_2 = vector.multi_reduction <add>, %mul3A, %reduce_sum3A [1] : vector<2000x3xf32> to vector<2000xf32>
    %broadcast_in_dim3A = vector.shape_cast %reduce_sum3A_2 : vector<2000xf32> to vector<2000x1xf32>
    %get3A_3 = arith.constant 0 : index
    %get3A_4 = arith.constant 0 : index
    %get3A_5 = vector.load %arg1[%get3A_3, %get3A_4] : memref<2000x128xf32, #tpu.memory_space<vmem>>, vector<2000x128xf32>
    %get3A_6 = arith.constant 0 : index
    %get3A_7 = arith.constant 0 : index
    %get3A_8 = vector.load %arg2[%get3A_6, %get3A_7] : memref<2000x128xf32, #tpu.memory_space<vmem>>, vector<2000x128xf32>
    %add3A = arith.addf %get3A_5, %get3A_8 : vector<2000x128xf32>
    %get3A_9 = arith.constant 0 : index
    %get3A_10 = arith.constant 0 : index
    %get3A_11 = vector.load %arg4[%get3A_9, %get3A_10] : memref<1x128xf32, #tpu.memory_space<vmem>>, vector<1x128xf32>
    %mul3A_12 = vector.broadcast %broadcast_in_dim3A : vector<2000x1xf32> to vector<2000x128xf32>
    %mul3A_13 = vector.broadcast %get3A_11 : vector<1x128xf32> to vector<2000x128xf32>
    %mul3A_14 = arith.mulf %mul3A_12, %mul3A_13 : vector<2000x128xf32>
    %add3A_15 = arith.addf %add3A, %mul3A_14 : vector<2000x128xf32>
    %get3A_16 = arith.constant 0 : index
    %get3A_17 = arith.constant 0 : index
    %get3A_18 = vector.load %arg5[%get3A_16, %get3A_17] : memref<1x128xf32, #tpu.memory_space<vmem>>, vector<1x128xf32>
    %add3A_19 = vector.broadcast %get3A_18 : vector<1x128xf32> to vector<2000x128xf32>
    %add3A_20 = arith.addf %add3A_15, %add3A_19 : vector<2000x128xf32>
    %logistic3A = arith.negf %add3A_20 : vector<2000x128xf32>
    %logistic3A_21 = math.exp %logistic3A : vector<2000x128xf32>
    %logistic3A_22 = arith.constant 1.000000e+00 : f32
    %logistic3A_23 = vector.broadcast %logistic3A_22 : f32 to vector<2000x128xf32>
    %logistic3A_24 = arith.addf %logistic3A_23, %logistic3A_21 : vector<2000x128xf32>
    %logistic3A_25 = arith.divf %logistic3A_23, %logistic3A_24 : vector<2000x128xf32>
    %mul3A_26 = arith.mulf %add3A_20, %logistic3A_25 : vector<2000x128xf32>
    %get3A_27 = arith.constant 0 : index
    %get3A_28 = arith.constant 0 : index
    %get3A_29 = vector.load %arg6[%get3A_27, %get3A_28] : memref<128x128xf32, #tpu.memory_space<vmem>>, vector<128x128xf32>
    %dot_general3A = arith.constant dense<0.000000e+00> : vector<2000x128xf32>
    %dot_general3A_30 = tpu.matmul %mul3A_26, %get3A_29, %dot_general3A {dimension_numbers = #tpu.dot_dimension_numbers<[1], [0], [0], [1], [0, 0, 1, 1], [], []>, transpose_lhs_hint = false} : vector<2000x128xf32>, vector<128x128xf32>, vector<2000x128xf32> -> vector<2000x128xf32>
    %get3A_31 = arith.constant 0 : index
    %get3A_32 = arith.constant 0 : index
    %get3A_33 = vector.load %arg7[%get3A_31, %get3A_32] : memref<1x128xf32, #tpu.memory_space<vmem>>, vector<1x128xf32>
    %add3A_34 = vector.broadcast %get3A_33 : vector<1x128xf32> to vector<2000x128xf32>
    %add3A_35 = arith.addf %dot_general3A_30, %add3A_34 : vector<2000x128xf32>
    %logistic3A_36 = arith.negf %add3A_35 : vector<2000x128xf32>
    %logistic3A_37 = math.exp %logistic3A_36 : vector<2000x128xf32>
    %logistic3A_38 = arith.constant 1.000000e+00 : f32
    %logistic3A_39 = vector.broadcast %logistic3A_38 : f32 to vector<2000x128xf32>
    %logistic3A_40 = arith.addf %logistic3A_39, %logistic3A_37 : vector<2000x128xf32>
    %logistic3A_41 = arith.divf %logistic3A_39, %logistic3A_40 : vector<2000x128xf32>
    %mul3A_42 = arith.mulf %add3A_35, %logistic3A_41 : vector<2000x128xf32>
    %get3A_43 = arith.constant 0 : index
    %get3A_44 = arith.constant 0 : index
    %get3A_45 = vector.load %arg8[%get3A_43, %get3A_44] : memref<128x128xf32, #tpu.memory_space<vmem>>, vector<128x128xf32>
    %dot_general3A_46 = arith.constant dense<0.000000e+00> : vector<2000x128xf32>
    %dot_general3A_47 = tpu.matmul %mul3A_42, %get3A_45, %dot_general3A_46 {dimension_numbers = #tpu.dot_dimension_numbers<[1], [0], [0], [1], [0, 0, 1, 1], [], []>, transpose_lhs_hint = false} : vector<2000x128xf32>, vector<128x128xf32>, vector<2000x128xf32> -> vector<2000x128xf32>
    %get3A_48 = arith.constant 0 : index
    %get3A_49 = arith.constant 0 : index
    %get3A_50 = vector.load %arg9[%get3A_48, %get3A_49] : memref<1x128xf32, #tpu.memory_space<vmem>>, vector<1x128xf32>
    %add3A_51 = vector.broadcast %get3A_50 : vector<1x128xf32> to vector<2000x128xf32>
    %add3A_52 = arith.addf %dot_general3A_47, %add3A_51 : vector<2000x128xf32>
    %logistic3A_53 = arith.negf %add3A_52 : vector<2000x128xf32>
    %logistic3A_54 = math.exp %logistic3A_53 : vector<2000x128xf32>
    %logistic3A_55 = arith.constant 1.000000e+00 : f32
    %logistic3A_56 = vector.broadcast %logistic3A_55 : f32 to vector<2000x128xf32>
    %logistic3A_57 = arith.addf %logistic3A_56, %logistic3A_54 : vector<2000x128xf32>
    %logistic3A_58 = arith.divf %logistic3A_56, %logistic3A_57 : vector<2000x128xf32>
    %mul3A_59 = arith.mulf %add3A_52, %logistic3A_58 : vector<2000x128xf32>
    %get3A_60 = arith.constant 0 : index
    %get3A_61 = arith.constant 0 : index
    %get3A_62 = vector.load %arg10[%get3A_60, %get3A_61] : memref<128x1xf32, #tpu.memory_space<vmem>>, vector<128x1xf32>
    %dot_general3A_63 = arith.constant dense<0.000000e+00> : vector<2000x1xf32>
    %dot_general3A_64 = tpu.matmul %mul3A_59, %get3A_62, %dot_general3A_63 {dimension_numbers = #tpu.dot_dimension_numbers<[1], [0], [0], [1], [0, 0, 1, 1], [], []>, transpose_lhs_hint = false} : vector<2000x128xf32>, vector<128x1xf32>, vector<2000x1xf32> -> vector<2000x1xf32>
    %mul3A_65 = vector.broadcast %dot_general3A_64 : vector<2000x1xf32> to vector<2000x3xf32>
    %mul3A_66 = arith.mulf %get3A_1, %mul3A_65 : vector<2000x3xf32>
    %jit3A = arith.constant -1.000000e+02 : f32
    %jit3A_67 = arith.constant 1.000000e+02 : f32
    %max3A = vector.broadcast %jit3A : f32 to vector<2000x3xf32>
    %max3A_68 = arith.maximumf %max3A, %mul3A_66 : vector<2000x3xf32>
    %min3A = vector.broadcast %jit3A_67 : f32 to vector<2000x3xf32>
    %min3A_69 = arith.minimumf %min3A, %max3A_68 : vector<2000x3xf32>
    %broadcast_in_dim3A_70 = arith.constant 1.000000e+00 : f32
    %broadcast_in_dim3A_71 = vector.broadcast %broadcast_in_dim3A_70 : f32 to vector<2000x1xf32>
    %broadcast_in_dim3A_72 = arith.constant 0.000000e+00 : f32
    %broadcast_in_dim3A_73 = vector.broadcast %broadcast_in_dim3A_72 : f32 to vector<2000x4xf32>
    %concatenate3A = tpu.concatenate %min3A_69, %broadcast_in_dim3A_71, %broadcast_in_dim3A_73 in 1 : vector<2000x3xf32>, vector<2000x1xf32>, vector<2000x4xf32> -> vector<2000x8xf32>
    %swap3A = arith.constant 0 : index
    %swap3A_74 = arith.constant 0 : index
    %swap3A_75 = vector.load %arg11[%swap3A, %swap3A_74] : memref<2000x8xf32, #tpu.memory_space<vmem>>, vector<2000x8xf32>
    tpu.vector_store %arg11[%swap3A, %swap3A_74], %concatenate3A {strides = array<i32>} : memref<2000x8xf32, #tpu.memory_space<vmem>>, vector<2000x8xf32>,
    return
  }
  func.func @transform_0(%arg0: i32) -> (i32, i32) {
    %c0_i32 = arith.constant 0 : i32
    %c0_i32_0 = arith.constant 0 : i32
    return %arg0, %c0_i32 : i32, i32
  }
  func.func @transform_1(%arg0: i32) -> (i32, i32) {
    %c0_i32 = arith.constant 0 : i32
    %c0_i32_0 = arith.constant 0 : i32
    return %arg0, %c0_i32 : i32, i32
  }
  func.func @transform_2(%arg0: i32) -> (i32, i32) {
    %c0_i32 = arith.constant 0 : i32
    %c0_i32_0 = arith.constant 0 : i32
    return %arg0, %c0_i32 : i32, i32
  }
  func.func @transform_3(%arg0: i32) -> (i32, i32) {
    %c0_i32 = arith.constant 0 : i32
    %c0_i32_0 = arith.constant 0 : i32
    %c0_i32_1 = arith.constant 0 : i32
    return %c0_i32, %c0_i32_0 : i32, i32
  }
  func.func @transform_4(%arg0: i32) -> (i32, i32) {
    %c0_i32 = arith.constant 0 : i32
    %c0_i32_0 = arith.constant 0 : i32
    %c0_i32_1 = arith.constant 0 : i32
    return %c0_i32, %c0_i32_0 : i32, i32
  }
  func.func @transform_5(%arg0: i32) -> (i32, i32) {
    %c0_i32 = arith.constant 0 : i32
    %c0_i32_0 = arith.constant 0 : i32
    %c0_i32_1 = arith.constant 0 : i32
    return %c0_i32, %c0_i32_0 : i32, i32
  }
  func.func @transform_6(%arg0: i32) -> (i32, i32) {
    %c0_i32 = arith.constant 0 : i32
    %c0_i32_0 = arith.constant 0 : i32
    %c0_i32_1 = arith.constant 0 : i32
    return %c0_i32, %c0_i32_0 : i32, i32
  }
  func.func @transform_7(%arg0: i32) -> (i32, i32) {
    %c0_i32 = arith.constant 0 : i32
    %c0_i32_0 = arith.constant 0 : i32
    %c0_i32_1 = arith.constant 0 : i32
    return %c0_i32, %c0_i32_0 : i32, i32
  }
  func.func @transform_8(%arg0: i32) -> (i32, i32) {
    %c0_i32 = arith.constant 0 : i32
    %c0_i32_0 = arith.constant 0 : i32
    %c0_i32_1 = arith.constant 0 : i32
    return %c0_i32, %c0_i32_0 : i32, i32
  }
  func.func @transform_9(%arg0: i32) -> (i32, i32) {
    %c0_i32 = arith.constant 0 : i32
    %c0_i32_0 = arith.constant 0 : i32
    %c0_i32_1 = arith.constant 0 : i32
    return %c0_i32, %c0_i32_0 : i32, i32
  }
  func.func @transform_10(%arg0: i32) -> (i32, i32) {
    %c0_i32 = arith.constant 0 : i32
    %c0_i32_0 = arith.constant 0 : i32
    return %arg0, %c0_i32 : i32, i32
  }
}

module attributes {stable_mosaic.version = 14 : i64} {
  func.func @_combine_body(%arg0: memref<4x10000x8xf32, #tpu.memory_space<vmem>>, %arg1: memref<10000x3xf32, #tpu.memory_space<vmem>>) attributes {dimension_semantics = [], scalar_prefetch = 0 : i64, scratch_operands = 0 : i64, tpu.core_type = #tpu.core_type<tc>} {
    %get3A = arith.constant 0 : index
    %get3A_0 = arith.constant 0 : index
    %get3A_1 = arith.constant 0 : index
    %get3A_2 = vector.load %arg0[%get3A, %get3A_0, %get3A_1] : memref<4x10000x8xf32, #tpu.memory_space<vmem>>, vector<4x10000x8xf32>
    %reduce_sum3A = arith.constant dense<0.000000e+00> : vector<10000x8xf32>
    %reduce_sum3A_3 = vector.multi_reduction <add>, %get3A_2, %reduce_sum3A [0] : vector<4x10000x8xf32> to vector<10000x8xf32>
    %slice3A = vector.extract_strided_slice %reduce_sum3A_3 {offsets = [0, 3], sizes = [10000, 1], strides = [1, 1]} : vector<10000x8xf32> to vector<10000x1xf32>
    %max3A = arith.constant 1.000000e+00 : f32
    %max3A_4 = vector.broadcast %max3A : f32 to vector<10000x1xf32>
    %max3A_5 = arith.maximumf %slice3A, %max3A_4 : vector<10000x1xf32>
    %slice3A_6 = vector.extract_strided_slice %reduce_sum3A_3 {offsets = [0, 0], sizes = [10000, 3], strides = [1, 1]} : vector<10000x8xf32> to vector<10000x3xf32>
    %div3A = vector.broadcast %max3A_5 : vector<10000x1xf32> to vector<10000x3xf32>
    %div3A_7 = arith.divf %slice3A_6, %div3A : vector<10000x3xf32>
    %swap3A = arith.constant 0 : index
    %swap3A_8 = arith.constant 0 : index
    %swap3A_9 = vector.load %arg1[%swap3A, %swap3A_8] : memref<10000x3xf32, #tpu.memory_space<vmem>>, vector<10000x3xf32>
    tpu.vector_store %arg1[%swap3A, %swap3A_8], %div3A_7 {strides = array<i32>} : memref<10000x3xf32, #tpu.memory_space<vmem>>, vector<10000x3xf32>,
    return
  }
}

</mosaic_0001>

<sc_bundles>
// kernel: kernel.10.cloned.1.call-start
scs
__scs_entry_jumppad:
0x0: {  	(pc) =	sbr.rel $0x88, $3  }
0x1: {  	(tag) =	ssettag $0x0;
	lr =	simm.s32 $0x1  }
0x2: {  	[smem:$0x3F97] =	sst lr;
	_ =	strace $0xD0000000  }
0x3: {  	_ = 	snop  }
0x4: {  	_ = 	snop  }
0x5: {  	_ = 	snop  }
0x6: {  	_ = 	snop  }
0x7: {  	_ = 	snop  }
__scs_overlays_trampoline_lowered:
0x8: {  	[smem:$0x3FA6] =	sst s0  }
0x9: {  	[smem:$0x3FA7] =	sst s1  }
0xa: {  	[smem:$0x3FA8] =	sst s2  }
0xb: {  	[smem:$0x3FA9] =	sst s3  }
0xc: {  	[smem:$0x3FAA] =	sst s4  }
0xd: {  	[smem:$0x3FAB] =	sst s5  }
0xe: {  	[smem:$0x3FAC] =	sst s6  }
0xf: {  	[smem:$0x3FAD] =	sst s7  }
0x10: {  	[smem:$0x3FAE] =	sst s8  }
0x11: {  	[smem:$0x3FAF] =	sst s9;
	s0 =	simm.s32 @!p0 $0x0  }
0x12: {  	s1 =	sld [smem:$0x3F95];
	s0 =	simm.s32 @p0 $0x1  }
0x13: {  	[smem:$0x3FB0] =	sst s0;
	s0 =	simm.s32 @!p1 $0x0  }
0x14: {  	s2 =	sld [smem:$0x3F94];
	s0 =	simm.s32 @p1 $0x1  }
0x15: {  	[smem:$0x3FB1] =	sst s0;
	s0 =	simm.s32 @!p2 $0x0  }
0x16: {  	s3 =	sld [smem:$0x3FDB];
	s0 =	simm.s32 @p2 $0x1  }
0x17: {  	s4 =	simm.s32 $0x1BF5;
	[smem:$0x3FB3] =	sst s0  }
0x18: {  	s0 =	sld [smem:$0x3F96];
	_ =	swait.ge [sflag:s4], $0x0  }
0x19: {  	s7 =	sld [smem:$0x3F97]  }
0x1a: {  	s8 =	sadd.s32 $0xFFFFE003, lr  }
0x1b: {  	s9 =	sadd.s32 $0xFFFFFEF7, lr;
	s5 =	simm.s32 $0xFFFFFFFF;
	p2 =	slt.u32 s8, $0xFFFFF086  }
0x1c: {  	p1 =	slt.u32 s9, $0xF7A;
	s5 =	simm.s32 @!p2 $0x0  }
0x1d: {  	s5 =	simm.s32 @p1 $0x1;
	p0 =	seq.s32 s7, s2  }
0x1e: {  	s7 =	smul.u32 @!p0 $0xF7A, s2;
	p2 =	seq.s32 @!p0 s5, $0x0  }
0x1f: {  	s9 =	smul.u32 $0xF7A, s1;
	s8 =	simm.s32 @!p0 $0x1BF5;
	p2 =	por !p2, p0  }
0x20: {  	[sflag:s8] =	ssyncset.s32 @!p0 $0xFFFFF086;
	s6 =	sadd.s32 @!p0 s3, s7;
	s7 =	simm.s32 @!p0 $0x108  }
0x21: {  	s3 =	sadd.s32 s3, s9;
	s6 =	sadd.s32 @!p0 $0x88, s6;
	s7 =	simm.s32 @p2 $0x1082  }
0x22: {  	[simem:s7], [sflag:s8] =	dma.local @!p0 [hbm:s6], $0xF7A  }
0x23: {  	s9 =	sor.u32 $0xD0000000, s2;
	s6 =	simm.s32 $0x108;
	_ =	swait.ge @!p0 [sflag:s8], $0x0  }
0x24: {  	s3 =	sadd.s32 $0x88, s3;
	s6 =	simm.s32 @!p1 $0x1082;
	[sflag:s4] =	ssyncset.s32 $0xFFFFF086  }
0x25: {  	[simem:s6], [sflag:s4] =	dma.local [hbm:s3], $0xF7A  }
0x26: {  	[smem:$0x3F97] =	sst s1;
	(tag) =	ssettag s2;
	_ =	strace s9  }
0x27: {  	s1 =	sld [smem:$0x3FA7]  }
0x28: {  	s2 =	sld [smem:$0x3FA8]  }
0x29: {  	s4 =	sld [smem:$0x3FAA]  }
0x2a: {  	p0 =	seq.s32 s5, $0x0;
	s5 =	sld [smem:$0x3FAB]  }
0x2b: {  	s6 =	sld [smem:$0x3FAC]  }
0x2c: {  	s7 =	sld [smem:$0x3FAD]  }
0x2d: {  	s3 =	simm.s32 $0x108;
	s8 =	sld [smem:$0x3FAE]  }
0x2e: {  	s3 =	simm.s32 @!p0 $0x1082;
	s9 =	sld [smem:$0x3FAF]  }
0x2f: {  	lr =	sadd.s32 s0, s3;
	s0 =	sld [smem:$0x3FA6]  }
0x30: {  	s3 =	sld [smem:$0x3FA9]  }
0x31: {  	[smem:$0x3FB2] =	sst s10  }
0x32: {  	s10 =	sld [smem:$0x3FB0];
	_ =	sdelay $0x3  }
0x33: {  	p0 =	seq.s32 s10, $0x1;
	s10 =	sld [smem:$0x3FB2];
	_ =	sdelay $0x3  }
0x34: {  	[smem:$0x3FB2] =	sst s10  }
0x35: {  	s10 =	sld [smem:$0x3FB1];
	_ =	sdelay $0x3  }
0x36: {  	p1 =	seq.s32 s10, $0x1;
	s10 =	sld [smem:$0x3FB2];
	_ =	sdelay $0x3  }
0x37: {  	[smem:$0x3FB2] =	sst s10  }
0x38: {  	s10 =	sld [smem:$0x3FB3]  }
0x39: {  	_ = 	snop;
	(pc) =	sbr.ind lr, $3  }
0x3a: {  	_ = 	snop  }
0x3b: {  	_ = 	snop  }
0x3c: {  	p2 =	seq.s32 s10, $0x1;
	s10 =	sld [smem:$0x3FB2]  }
0x3d: {  	_ =	shalt  }
0x3e: {  	_ =	shalt  }
0x3f: {  	_ =	shalt  }
0x40: {  	_ =	shalt  }
0x41: {  	_ =	shalt  }
0x42: {  	_ =	shalt  }
0x43: {  	_ =	shalt  }
0x44: {  	_ =	shalt  }
0x45: {  	_ =	shalt  }
0x46: {  	_ =	shalt  }
0x47: {  	_ =	shalt  }
0x48: {  	_ =	shalt  }
0x49: {  	_ =	shalt  }
0x4a: {  	_ =	shalt  }
0x4b: {  	_ =	shalt  }
0x4c: {  	_ =	shalt  }
0x4d: {  	_ =	shalt  }
0x4e: {  	_ =	shalt  }
0x4f: {  	_ =	shalt  }
0x50: {  	_ =	shalt  }
0x51: {  	_ =	shalt  }
0x52: {  	_ =	shalt  }
0x53: {  	_ =	shalt  }
0x54: {  	_ =	shalt  }
0x55: {  	_ =	shalt  }
0x56: {  	_ =	shalt  }
0x57: {  	_ =	shalt  }
0x58: {  	_ =	shalt  }
0x59: {  	_ =	shalt  }
0x5a: {  	_ =	shalt  }
0x5b: {  	_ =	shalt  }
0x5c: {  	_ =	shalt  }
0x5d: {  	_ =	shalt  }
0x5e: {  	_ =	shalt  }
0x5f: {  	_ =	shalt  }
0x60: {  	_ =	shalt  }
0x61: {  	_ =	shalt  }
0x62: {  	_ =	shalt  }
0x63: {  	_ =	shalt  }
0x64: {  	_ =	shalt  }
0x65: {  	_ =	shalt  }
0x66: {  	_ =	shalt  }
0x67: {  	_ =	shalt  }
0x68: {  	_ =	shalt  }
0x69: {  	_ =	shalt  }
0x6a: {  	_ =	shalt  }
0x6b: {  	_ =	shalt  }
0x6c: {  	_ =	shalt  }
0x6d: {  	_ =	shalt  }
0x6e: {  	_ =	shalt  }
0x6f: {  	_ =	shalt  }
0x70: {  	_ =	shalt  }
0x71: {  	_ =	shalt  }
0x72: {  	_ =	shalt  }
0x73: {  	_ =	shalt  }
0x74: {  	_ =	shalt  }
0x75: {  	_ =	shalt  }
0x76: {  	_ =	shalt  }
0x77: {  	_ =	shalt  }
0x78: {  	_ =	shalt  }
0x79: {  	_ =	shalt  }
0x7a: {  	_ =	shalt  }
0x7b: {  	_ =	shalt  }
0x7c: {  	_ =	shalt  }
0x7d: {  	_ =	shalt  }
0x7e: {  	_ =	shalt  }
0x7f: {  	_ =	shalt  }
0x80: {  	_ =	shalt  }
0x81: {  	_ =	shalt  }
0x82: {  	_ =	shalt  }
0x83: {  	_ =	shalt  }
0x84: {  	_ =	shalt  }
0x85: {  	_ =	shalt  }
0x86: {  	_ =	shalt  }
0x87: {  	_ =	shalt  }
.Lfunc_end0:
.L_simem_size_0:
called_computation_lowered:
.L_overlay_start_0:
0x88: {  	s2 =	sld [smem:$0x3FD9]  }
0x89: {  	s3 =	sld [smem:$0x3FFE];
	_ =	sdelay $0x1  }
0x8a: {  	s1 =	srdreg.scid  }
0x8b: {  	s0 =	sand.u32 $0x1, s1  }
0x8c: {  	s16 =	sshll.u32 s0, $0xA;
	s2 =	sadd.s32 s3, s2  }
0x8d: {  	s2 =	sadd.s32 s2, s16  }
0x8e: {  	[smem:$0x3FBE] =	sst s2  }
0x8f: {  	_ = 	snop  }
0x90: {  	(tm) =	ssettm $0x1  }
0x91: {  	s17 =	sld [smem:$0x3FFB];
	_ =	sdelay $0x3  }
0x92: {  	_ =	strace s17  }
0x93: {  	s2 =	sld [smem:$0x3FFC];
	_ =	sdelay $0x3  }
0x94: {  	_ =	strace s2  }
0x95: {  	s2 =	sld [smem:$0x3FFD];
	_ =	sdelay $0x3  }
0x96: {  	_ =	strace s2  }
0x97: {  	_ =	strace $0x8FFFFFFF  }
0x98: {  	s18 =	sld [smem:$0x3FDB];
	_ =	sdelay $0x1  }
0x99: {  	s19 =	simm.s32 $_scs_section_size  }
0x9a: {  	s4 =	simm.s32 $_size__tile_overlayer_lowered;
	s5 =	simm.s32 $_tile_overlayer_lowered  }
0x9b: {  	s22 =	simm.s32 $0x1BFF;
	s21 =	sshll.u32 s5, $0x1;
	s2 =	sadd.s32 s19, s18  }
0x9c: {  	s6 =	simm.s32 $0x0;
	s20 =	sshll.u32 s4, $0x1;
	s4 =	sadd.s32 s21, s2  }
0x9d: {  	[timem:s6], [sflag:s22] =	dma.local [hbm:s4], s20  }
0x9e: {  	_ =	swait.ge [sflag:s22], s20  }
0x9f: {  	s3 =	ssub.s32 $0x0, s20;
	[sflag:s22] =	ssyncset.done $0x0  }
0xa0: {  	[sflag:s22] =	ssyncadd.s32 s3;
	_ =	sdelay $0x1  }
0xa1: {  	s23 =	simm.s32 $0x1B8B  }
0xa2: {  	_ =	swait.ge [sflag:s23], $0x1  }
0xa3: {  	[sflag:s23] =	ssyncset.done $0x0  }
0xa4: {  	s25 =	simm.s32 $0x1B8E;
	s24 =	sld [smem:$0x3FFE];
	[sflag:s23] =	ssyncadd.s32 $0xFFFFFFFF  }
0xa5: {  	s26 =	simm.s32 $execute0_lowered;
	[smem:$0x3FD2] =	sst s25  }
0xa6: {  	s4 =	sshll.u32 s26, $0x1;
	_ =	strace $0x80000046;
	[dreg:$0x1] =	wrdreg $0xFFFFFFFF  }
0xa7: {  	s28 =	simm.s32 $_size_execute0_lowered;
	s2 =	sadd.s32 s2, s4;
	[dreg:$0x0] =	wrdreg $0x0  }
0xa8: {  	s4 =	sshll.u32 s28, $0x1;
	[dreg:$0x2] =	wrdreg s2  }
0xa9: {  	[dreg:$0x3] =	wrdreg s4  }
0xaa: {  	[dreg:$0x4] =	wrdreg $0xC0  }
0xab: {  	_ =	task [dreg:s6], $0x5FFFF  }
0xac: {  	[dreg:$0x1] =	wrdreg $0xFFFFFFFF  }
0xad: {  	[dreg:$0x0] =	wrdreg $0x60  }
0xae: {  	[dreg:$0x2] =	wrdreg s24  }
0xaf: {  	[dreg:$0x3] =	wrdreg $0x9  }
0xb0: {  	_ =	task.clear_ibuf [dreg:s6], $0x4FFFF;
	_ =	strace $0x90000046  }
0xb1: {  	s29 =	simm.s32 $0x9;
	_ =	strace $0x80000048  }
0xb2: {  	_ =	swait.ge [sflag:s29], $0x1  }
0xb3: {  	[sflag:s29] =	ssyncadd.s32 $0xFFFFFFFF  }
0xb4: {  	_ =	strace $0x90000048  }
0xb5: {  	_ =	sfence  }
0xb6: {  	s30 =	sld [smem:$0x0];
	_ =	sdelay $0x2  }
0xb7: {  	s31 =	sshll.u32 s1, $0xD;
	s1 =	sshrl.u32 s1, $0x2  }
0xb8: {  	s3 =	sand.u32 $0x4000, s31;
	s1 =	sadd.s32 s1, s30  }
0xb9: {  	s0 =	sor.u32 s3, s0;
	s1 =	sshll.u32 s1, $0x11  }
0xba: {  	s0 =	sor.u32 s1, s0  }
0xbb: {  	s0 =	sadd.s32 $0x8F2B, s0  }
0xbc: {  	[sflag:s0] =	ssyncadd.remote.s32 $0x1  }
0xbd: {  	_ =	sfence.sel $0xFFFF  }
0xbe: {  	[dreg:$0x0] =	wrdreg $0xFFFFFFFF;
	(pc) =	sbr.abs _section_cstart, $3  }
0xbf: {  	[dreg:$0x1] =	wrdreg $0xFFFFFFFF  }
0xc0: {  	_ =	task.clear_ibuf [dreg:s6], $0x2FFFF;
	_ =	strace $0x9FFFFFFF  }
0xc1: {  	(tm) =	ssettm $0x7FFFFFFF  }
tec
execute0_lowered:
.L_overlay_start_1:
0x0: {  	(tag) =	ssettag $0x1  }
0x1: {  	s5 =	rddreg [dreg:$0x0]  }
0x2: {  	s0 =	rddreg [dreg:$0x1]  }
0x3: {  	s1 =	simm.s32 $0x0;
	s6 =	srdreg.scid;
	s2 =	stileid.u32  }
0x4: {  	s11 =	simm.s32 $0x4000;
	s12 =	simm.s32 $0x28;
	s13 =	simm.s32 $0x8000  }
0x5: {  	s14 =	simm.s32 $0xA800;
	s15 =	simm.s32 $0x4;
	s16 =	simm.s32 $0x3  }
0x6: {  	s17 =	simm.s32 $0x0;
	[smem:$0x7FF] =	sst s1;
	s3 =	sadd.s32 $0x27C00, s5  }
0x7: {  	s4 =	sadd.s32 $0x4EE00, s5;
	s6 =	sand.u32 $0x1, s6;
	s30 =	smul.u32 $0x13880, s2  }
0x8: {  	s8 =	sshll.u32 s2, $0xB;
	s7 =	sshll.u32 s6, $0xF;
	s9 =	smul.u32 $0x138800, s6  }
.Ltmp0:
0x9: {  	s6 =	ssub.s32 $0x2, s6;
	s7 =	sor.u32 s8, s7;
	(pc) =	sbr.rel .LBB2_1-.Ltmp0, $4  }
0xa: {  	_ =	strace $0x80000047;
	s31 =	sshrl.u32 s6, $0x1;
	s7 =	sadd.s32 s7, s5  }
0xb: {  	s9 =	sadd.s32 s9, s5;
	s10 =	ssub.s32 s6, s31;
	s5 =	sadd.s32 $0x7C00, s7  }
0xc: {  	s9 =	sadd.s32 s30, s9;
	s6 =	sadd.s32 $0x17C00, s7;
	s7 =	smax.u32 s10, $0x1  }
0xd: {  	s10 =	simm.s32 $0x5;
	s8 =	sadd.s32 $0x76000, s9;
	s9 =	sadd.s32 $0x2E7000, s9  }
.LBB2_7:
0xe: {  	_ =	swait.ge [sflag:s15], $0x1400  }
0xf: {  	[sflag:s15] =	ssyncset.done $0x0  }
0x10: {  	[sflag:s15] =	ssyncadd.s32 $0xFFFFEC00  }
0x11: {  	_ =	swait.ge [sflag:s15], $0x1400  }
0x12: {  	[sflag:s15] =	ssyncset.done $0x0  }
0x13: {  	s17 =	sadd.s32 $0x1, s17;
	[sflag:s15] =	ssyncadd.s32 $0xFFFFEC00  }
0x14: {  	p0 =	sne.s32 s17, s7;
	_ =	swait.ge [sflag:s16], $0x1400  }
.Ltmp1:
0x15: {  	[sflag:s16] =	ssyncset.done $0x0;
	(pc) =	sbr.rel @!p0 .LBB2_8-.Ltmp1, $4  }
0x16: {  	[sflag:s16] =	ssyncadd.s32 $0xFFFFEC00  }
0x17: {  	_ =	swait.ge [sflag:s16], $0x1400  }
0x18: {  	[sflag:s16] =	ssyncset.done $0x0  }
0x19: {  	[sflag:s16] =	ssyncadd.s32 $0xFFFFEC00  }
.LBB2_1:
0x1a: {  	[tilespmem:s1], [sflag:$0x5] =	stream.linear.gather [hbm4b:s5+s1], $0x3E80, $0x38;
	[tilespmem:$0xD000] =	vst v63  }
0x1b: {  	_ =	swait.ge [sflag:s10], $0x3E80  }
0x1c: {  	[sflag:s10] =	ssyncset.done $0x0  }
0x1d: {  	[sflag:s10] =	ssyncadd.s32 $0xFFFFC180  }
0x1e: {  	[tilespmem:s11], [sflag:$0x5] =	stream.linear.gather [hbm4b:s6+s1], $0x3E80, $0x38;
	[tilespmem:$0xD000] =	vst v63  }
0x1f: {  	_ =	swait.ge [sflag:s10], $0x3E80  }
.Ltmp2:
0x20: {  	[sflag:s10] =	ssyncset.done $0x0;
	(pc) =	sbr.rel .LBB2_2-.Ltmp2, $4  }
0x21: {  	s18 =	simm.s32 $0x80;
	s19 =	simm.s32 $0x4080;
	[sflag:s10] =	ssyncadd.s32 $0xFFFFC180  }
0x22: {  	[tilespmem:s13], [sflag:$0x1] =	stream.indirect.gather [hbm4b:s3+s12], $0x80, s1, s12, $0xb8;
	[tilespmem:$0xD000] =	vst v63  }
0x23: {  	s20 =	smov.u32 s9;
	s21 =	smov.u32 s8;
	s22 =	simm.s32 $0x0  }
0x24: {  	[tilespmem:s14], [sflag:$0x1] =	stream.indirect.gather [hbm4b:s4+s12], $0x80, s11, s12, $0xb8;
	[tilespmem:$0xD000] =	vst v63  }
.LBB2_5:
0x25: {  	s25 =	smul.u32 $0x1400, s24;
	_ =	sdelay $0x1  }
0x26: {  	s31 =	sadd.s32 $0x1, s24;
	s26 =	sor.u32 $0x8000, s25  }
0x27: {  	[tilespmem:s26], [sflag:s31] =	stream.indirect.gather [hbm4b:s3+s12], $0x80, s18, s12, $0xb8;
	[tilespmem:$0xD000] =	vst v63  }
0x28: {  	s25 =	sadd.s32 $0xA800, s25  }
0x29: {  	[tilespmem:s25], [sflag:s31] =	stream.indirect.gather [hbm4b:s4+s12], $0x80, s19, s12, $0xb8;
	[tilespmem:$0xD000] =	vst v63  }
.LBB2_6:
0x2a: {  	s24 =	sadd.s32 $0x1, s23  }
0x2b: {  	_ =	swait.ge [sflag:s24], $0x1400  }
0x2c: {  	[sflag:s24] =	ssyncset.done $0x0  }
0x2d: {  	[sflag:s24] =	ssyncadd.s32 $0xFFFFEC00  }
0x2e: {  	s25 =	smul.u32 $0x1400, s23;
	s22 =	sadd.s32 $0x1, s22;
	_ =	swait.ge [sflag:s24], $0x1400  }
0x2f: {  	s29 =	sadd.s32 $0x3, s23;
	p0 =	sne.s32 s22, $0x7D;
	[sflag:s24] =	ssyncset.done $0x0  }
.Ltmp3:
0x30: {  	s30 =	sor.u32 $0x8000, s25;
	[sflag:s24] =	ssyncadd.s32 $0xFFFFEC00;
	(pc) =	sbr.rel @!p0 .LBB2_7-.Ltmp3, $4  }
0x31: {  	[hbm4b:s21+s1] =	stream.linear.scatter [tilespmem:s30], [sflag:s29], $0x1400, $0x38;
	[tilespmem:$0xD000] =	vst v63  }
0x32: {  	s18 =	sadd.s32 $0x80, s18;
	s31 =	sadd.s32 $0xA800, s25  }
0x33: {  	[hbm4b:s20+s1] =	stream.linear.scatter [tilespmem:s31], [sflag:s29], $0x1400, $0x38;
	[tilespmem:$0xD000] =	vst v63  }
0x34: {  	s19 =	sadd.s32 $0x80, s19;
	s21 =	sadd.s32 $0x280, s21;
	s20 =	sadd.s32 $0x280, s20  }
.LBB2_2:
0x35: {  	p0 =	seq.s32 s22, $0x0  }
.Ltmp4:
0x36: {  	_ = 	snop;
	(pc) =	sbr.rel @p0 .LBB2_5-.Ltmp4, $3  }
0x37: {  	_ =	sdelay $0x1  }
0x38: {  	s23 =	sand.u32 $0x1, s22  }
0x39: {  	s24 =	sxor.u32 $0x1, s23  }
0x3a: {  	p0 =	seq.s32 s22, $0x7C  }
.Ltmp5:
0x3b: {  	_ = 	snop;
	(pc) =	sbr.rel @p0 .LBB2_6-.Ltmp5, $1  }
0x3c: {  	_ =	sdelay $0x3  }
0x3d: {  	s25 =	sadd.s32 $0x3, s24  }
0x3e: {  	_ =	swait.ge [sflag:s25], $0x1400  }
.Ltmp6:
0x3f: {  	[sflag:s25] =	ssyncset.done $0x0;
	(pc) =	sbr.rel .LBB2_5-.Ltmp6, $4  }
0x40: {  	[sflag:s25] =	ssyncadd.s32 $0xFFFFEC00  }
0x41: {  	_ =	swait.ge [sflag:s25], $0x1400  }
0x42: {  	[sflag:s25] =	ssyncset.done $0x0  }
0x43: {  	[sflag:s25] =	ssyncadd.s32 $0xFFFFEC00  }
.LBB2_8:
0x44: {  	_ =	sfence.sel $0x180000  }
0x45: {  	[bflag:$0x0] =	sbarrier.arrive $0xFFFF  }
0x46: {  	p0 =	sne.s32 s2, $0x0;
	_ =	strace $0x90000047  }
0x47: {  	s0 =	sadd.s32 @!p0 $0x100000, s0;
	[bflag:$0x2] =	sbarrier.arrive $0xFFFF  }
0x48: {  	[sflag:s0] =	ssyncadd.tile.s32 @!p0 $0x1;
	_ =	shalt  }
.Lfunc_end2:
_tile_overlayer_lowered:
.L_overlay_start_2:
0x49: {  	(tag) =	ssettag $0x2  }
0x4a: {  	s0 =	rddreg [dreg:$0x0];
	s2 =	stileid.u32  }
0x4b: {  	s1 =	rddreg [dreg:$0x1];
	p0 =	sne.s32 s2, $0x0  }
0x4c: {  	s3 =	rddreg [dreg:$0x2];
	[bflag:$0x3] =	sbarrier.arrive $0xFFFF;
	s2 =	simm.s32 @!p0 $0x1C05  }
0x4d: {  	[timem:s3], [sflag:s2] =	dma.local @!p0 [hbm:s0], s1  }
0x4e: {  	s0 =	simm.s32 @!p0 $0x5  }
0x4f: {  	_ =	swait.ge @!p0 [sflag:s0], s1  }
0x50: {  	s1 =	ssub.s32 @!p0 $0x0, s1;
	[sflag:s0] =	ssyncset.done @!p0 $0x0  }
0x51: {  	[sflag:s0] =	ssyncadd.s32 @!p0 s1  }
0x52: {  	[bflag:$0x3] =	sbarrier.arrive $0xFFFF  }
0x53: {  	_ =	shalt  }

// kernel: kernel.13.cloned.1.call-start
scs
__scs_entry_jumppad:
0x0: {  	(pc) =	sbr.rel $0x88, $3  }
0x1: {  	(tag) =	ssettag $0x0;
	lr =	simm.s32 $0x1  }
0x2: {  	[smem:$0x3F97] =	sst lr;
	_ =	strace $0xD0000000  }
0x3: {  	_ = 	snop  }
0x4: {  	_ = 	snop  }
0x5: {  	_ = 	snop  }
0x6: {  	_ = 	snop  }
0x7: {  	_ = 	snop  }
__scs_overlays_trampoline_lowered:
0x8: {  	[smem:$0x3FA6] =	sst s0  }
0x9: {  	[smem:$0x3FA7] =	sst s1  }
0xa: {  	[smem:$0x3FA8] =	sst s2  }
0xb: {  	[smem:$0x3FA9] =	sst s3  }
0xc: {  	[smem:$0x3FAA] =	sst s4  }
0xd: {  	[smem:$0x3FAB] =	sst s5  }
0xe: {  	[smem:$0x3FAC] =	sst s6  }
0xf: {  	[smem:$0x3FAD] =	sst s7  }
0x10: {  	[smem:$0x3FAE] =	sst s8  }
0x11: {  	[smem:$0x3FAF] =	sst s9;
	s0 =	simm.s32 @!p0 $0x0  }
0x12: {  	s1 =	sld [smem:$0x3F95];
	s0 =	simm.s32 @p0 $0x1  }
0x13: {  	[smem:$0x3FB0] =	sst s0;
	s0 =	simm.s32 @!p1 $0x0  }
0x14: {  	s2 =	sld [smem:$0x3F94];
	s0 =	simm.s32 @p1 $0x1  }
0x15: {  	[smem:$0x3FB1] =	sst s0;
	s0 =	simm.s32 @!p2 $0x0  }
0x16: {  	s3 =	sld [smem:$0x3FDB];
	s0 =	simm.s32 @p2 $0x1  }
0x17: {  	s4 =	simm.s32 $0x1BF5;
	[smem:$0x3FB3] =	sst s0  }
0x18: {  	s0 =	sld [smem:$0x3F96];
	_ =	swait.ge [sflag:s4], $0x0  }
0x19: {  	s7 =	sld [smem:$0x3F97]  }
0x1a: {  	s8 =	sadd.s32 $0xFFFFE003, lr  }
0x1b: {  	s9 =	sadd.s32 $0xFFFFFEF7, lr;
	s5 =	simm.s32 $0xFFFFFFFF;
	p2 =	slt.u32 s8, $0xFFFFF086  }
0x1c: {  	p1 =	slt.u32 s9, $0xF7A;
	s5 =	simm.s32 @!p2 $0x0  }
0x1d: {  	s5 =	simm.s32 @p1 $0x1;
	p0 =	seq.s32 s7, s2  }
0x1e: {  	s7 =	smul.u32 @!p0 $0xF7A, s2;
	p2 =	seq.s32 @!p0 s5, $0x0  }
0x1f: {  	s9 =	smul.u32 $0xF7A, s1;
	s8 =	simm.s32 @!p0 $0x1BF5;
	p2 =	por !p2, p0  }
0x20: {  	[sflag:s8] =	ssyncset.s32 @!p0 $0xFFFFF086;
	s6 =	sadd.s32 @!p0 s3, s7;
	s7 =	simm.s32 @!p0 $0x108  }
0x21: {  	s3 =	sadd.s32 s3, s9;
	s6 =	sadd.s32 @!p0 $0x88, s6;
	s7 =	simm.s32 @p2 $0x1082  }
0x22: {  	[simem:s7], [sflag:s8] =	dma.local @!p0 [hbm:s6], $0xF7A  }
0x23: {  	s9 =	sor.u32 $0xD0000000, s2;
	s6 =	simm.s32 $0x108;
	_ =	swait.ge @!p0 [sflag:s8], $0x0  }
0x24: {  	s3 =	sadd.s32 $0x88, s3;
	s6 =	simm.s32 @!p1 $0x1082;
	[sflag:s4] =	ssyncset.s32 $0xFFFFF086  }
0x25: {  	[simem:s6], [sflag:s4] =	dma.local [hbm:s3], $0xF7A  }
0x26: {  	[smem:$0x3F97] =	sst s1;
	(tag) =	ssettag s2;
	_ =	strace s9  }
0x27: {  	s1 =	sld [smem:$0x3FA7]  }
0x28: {  	s2 =	sld [smem:$0x3FA8]  }
0x29: {  	s4 =	sld [smem:$0x3FAA]  }
0x2a: {  	p0 =	seq.s32 s5, $0x0;
	s5 =	sld [smem:$0x3FAB]  }
0x2b: {  	s6 =	sld [smem:$0x3FAC]  }
0x2c: {  	s7 =	sld [smem:$0x3FAD]  }
0x2d: {  	s3 =	simm.s32 $0x108;
	s8 =	sld [smem:$0x3FAE]  }
0x2e: {  	s3 =	simm.s32 @!p0 $0x1082;
	s9 =	sld [smem:$0x3FAF]  }
0x2f: {  	lr =	sadd.s32 s0, s3;
	s0 =	sld [smem:$0x3FA6]  }
0x30: {  	s3 =	sld [smem:$0x3FA9]  }
0x31: {  	[smem:$0x3FB2] =	sst s10  }
0x32: {  	s10 =	sld [smem:$0x3FB0];
	_ =	sdelay $0x3  }
0x33: {  	p0 =	seq.s32 s10, $0x1;
	s10 =	sld [smem:$0x3FB2];
	_ =	sdelay $0x3  }
0x34: {  	[smem:$0x3FB2] =	sst s10  }
0x35: {  	s10 =	sld [smem:$0x3FB1];
	_ =	sdelay $0x3  }
0x36: {  	p1 =	seq.s32 s10, $0x1;
	s10 =	sld [smem:$0x3FB2];
	_ =	sdelay $0x3  }
0x37: {  	[smem:$0x3FB2] =	sst s10  }
0x38: {  	s10 =	sld [smem:$0x3FB3]  }
0x39: {  	_ = 	snop;
	(pc) =	sbr.ind lr, $3  }
0x3a: {  	_ = 	snop  }
0x3b: {  	_ = 	snop  }
0x3c: {  	p2 =	seq.s32 s10, $0x1;
	s10 =	sld [smem:$0x3FB2]  }
0x3d: {  	_ =	shalt  }
0x3e: {  	_ =	shalt  }
0x3f: {  	_ =	shalt  }
0x40: {  	_ =	shalt  }
0x41: {  	_ =	shalt  }
0x42: {  	_ =	shalt  }
0x43: {  	_ =	shalt  }
0x44: {  	_ =	shalt  }
0x45: {  	_ =	shalt  }
0x46: {  	_ =	shalt  }
0x47: {  	_ =	shalt  }
0x48: {  	_ =	shalt  }
0x49: {  	_ =	shalt  }
0x4a: {  	_ =	shalt  }
0x4b: {  	_ =	shalt  }
0x4c: {  	_ =	shalt  }
0x4d: {  	_ =	shalt  }
0x4e: {  	_ =	shalt  }
0x4f: {  	_ =	shalt  }
0x50: {  	_ =	shalt  }
0x51: {  	_ =	shalt  }
0x52: {  	_ =	shalt  }
0x53: {  	_ =	shalt  }
0x54: {  	_ =	shalt  }
0x55: {  	_ =	shalt  }
0x56: {  	_ =	shalt  }
0x57: {  	_ =	shalt  }
0x58: {  	_ =	shalt  }
0x59: {  	_ =	shalt  }
0x5a: {  	_ =	shalt  }
0x5b: {  	_ =	shalt  }
0x5c: {  	_ =	shalt  }
0x5d: {  	_ =	shalt  }
0x5e: {  	_ =	shalt  }
0x5f: {  	_ =	shalt  }
0x60: {  	_ =	shalt  }
0x61: {  	_ =	shalt  }
0x62: {  	_ =	shalt  }
0x63: {  	_ =	shalt  }
0x64: {  	_ =	shalt  }
0x65: {  	_ =	shalt  }
0x66: {  	_ =	shalt  }
0x67: {  	_ =	shalt  }
0x68: {  	_ =	shalt  }
0x69: {  	_ =	shalt  }
0x6a: {  	_ =	shalt  }
0x6b: {  	_ =	shalt  }
0x6c: {  	_ =	shalt  }
0x6d: {  	_ =	shalt  }
0x6e: {  	_ =	shalt  }
0x6f: {  	_ =	shalt  }
0x70: {  	_ =	shalt  }
0x71: {  	_ =	shalt  }
0x72: {  	_ =	shalt  }
0x73: {  	_ =	shalt  }
0x74: {  	_ =	shalt  }
0x75: {  	_ =	shalt  }
0x76: {  	_ =	shalt  }
0x77: {  	_ =	shalt  }
0x78: {  	_ =	shalt  }
0x79: {  	_ =	shalt  }
0x7a: {  	_ =	shalt  }
0x7b: {  	_ =	shalt  }
0x7c: {  	_ =	shalt  }
0x7d: {  	_ =	shalt  }
0x7e: {  	_ =	shalt  }
0x7f: {  	_ =	shalt  }
0x80: {  	_ =	shalt  }
0x81: {  	_ =	shalt  }
0x82: {  	_ =	shalt  }
0x83: {  	_ =	shalt  }
0x84: {  	_ =	shalt  }
0x85: {  	_ =	shalt  }
0x86: {  	_ =	shalt  }
0x87: {  	_ =	shalt  }
.Lfunc_end0:
.L_simem_size_0:
called_computation.1_lowered:
.L_overlay_start_0:
0x88: {  	s2 =	sld [smem:$0x3FD9]  }
0x89: {  	s3 =	sld [smem:$0x3FFE];
	_ =	sdelay $0x1  }
0x8a: {  	s1 =	srdreg.scid  }
0x8b: {  	s0 =	sand.u32 $0x1, s1  }
0x8c: {  	s17 =	sshll.u32 s0, $0xA;
	s2 =	sadd.s32 s3, s2  }
0x8d: {  	s2 =	sadd.s32 s2, s17  }
0x8e: {  	[smem:$0x3FBE] =	sst s2  }
0x8f: {  	_ = 	snop  }
0x90: {  	(tm) =	ssettm $0x1  }
0x91: {  	s18 =	sld [smem:$0x3FFB];
	_ =	sdelay $0x3  }
0x92: {  	_ =	strace s18  }
0x93: {  	s2 =	sld [smem:$0x3FFC];
	_ =	sdelay $0x3  }
0x94: {  	_ =	strace s2  }
0x95: {  	s2 =	sld [smem:$0x3FFD];
	_ =	sdelay $0x3  }
0x96: {  	_ =	strace s2  }
0x97: {  	_ =	strace $0x8FFFFFFF  }
0x98: {  	s19 =	sld [smem:$0x3FDB];
	_ =	sdelay $0x1  }
0x99: {  	s20 =	simm.s32 $_scs_section_size  }
0x9a: {  	s4 =	simm.s32 $_size__tile_overlayer_lowered;
	s5 =	simm.s32 $_tile_overlayer_lowered  }
0x9b: {  	s6 =	simm.s32 $0x1BFF;
	s21 =	sshll.u32 s5, $0x1;
	s3 =	sadd.s32 s20, s19  }
0x9c: {  	s22 =	simm.s32 $0x0;
	s4 =	sshll.u32 s4, $0x1;
	s5 =	sadd.s32 s21, s3  }
0x9d: {  	[timem:s22], [sflag:s6] =	dma.local [hbm:s5], s4  }
0x9e: {  	_ =	swait.ge [sflag:s6], s4  }
0x9f: {  	s4 =	ssub.s32 $0x0, s4;
	[sflag:s6] =	ssyncset.done $0x0  }
0xa0: {  	[sflag:s6] =	ssyncadd.s32 s4;
	_ =	sdelay $0x1  }
0xa1: {  	s23 =	simm.s32 $0x1B8B  }
0xa2: {  	_ =	swait.ge [sflag:s23], $0x1  }
0xa3: {  	[sflag:s23] =	ssyncset.done $0x0  }
0xa4: {  	[sflag:s23] =	ssyncadd.s32 $0xFFFFFFFF  }
0xa5: {  	s4 =	sld [smem:$0x0]  }
0xa6: {  	s5 =	sand.u32 $0xFFFFFFFE, s1  }
0xa7: {  	p0 =	sne.s32 s1, s5  }
0xa8: {  	s5 =	sshll.u32 @p0 s5, $0xE  }
0xa9: {  	s5 =	sadd.s32 @p0 $0x11B8D, s5;
	s6 =	sshll.u32 @p0 s4, $0x11  }
0xaa: {  	s5 =	sor.u32 @p0 s6, s5  }
0xab: {  	[sflag:s5] =	ssyncadd.remote.s32 @p0 $0x1;
	_ =	sdelay $0x1  }
0xac: {  	s5 =	simm.s32 @p0 $0x1B8D  }
0xad: {  	_ =	swait.eq @p0 [sflag:s5], $0x1  }
0xae: {  	[sflag:s5] =	ssyncadd.s32 @p0 $0xFFFFFFFF  }
0xaf: {  	s6 =	sshll.u32 @!p0 s1, $0xE  }
0xb0: {  	s6 =	sor.u32 @!p0 $0x4000, s6;
	s5 =	simm.s32 @!p0 $0x1B8D  }
0xb1: {  	s4 =	sshll.u32 @!p0 s4, $0x11;
	s6 =	sadd.s32 @!p0 $0x11B8D, s6;
	_ =	swait.eq @!p0 [sflag:s5], $0x1  }
0xb2: {  	s4 =	sor.u32 @!p0 s4, s6;
	[sflag:s5] =	ssyncadd.s32 @!p0 $0xFFFFFFFF  }
0xb3: {  	s25 =	simm.s32 $0x1B8E;
	s24 =	sld [smem:$0x3FFE];
	[sflag:s4] =	ssyncadd.remote.s32 @!p0 $0x1  }
0xb4: {  	s26 =	simm.s32 $execute0_lowered;
	[smem:$0x3FD2] =	sst s25  }
0xb5: {  	s5 =	sshll.u32 s26, $0x1;
	_ =	strace $0x8000004C;
	[dreg:$0x1] =	wrdreg $0xFFFFFFFF  }
0xb6: {  	s28 =	simm.s32 $_size_execute0_lowered;
	s3 =	sadd.s32 s3, s5;
	[dreg:$0x0] =	wrdreg $0x0  }
0xb7: {  	s5 =	sshll.u32 s28, $0x1;
	[dreg:$0x2] =	wrdreg s3  }
0xb8: {  	[dreg:$0x3] =	wrdreg s5  }
0xb9: {  	[dreg:$0x4] =	wrdreg $0xC0  }
0xba: {  	_ =	task [dreg:s22], $0x5FFFF  }
0xbb: {  	[dreg:$0x1] =	wrdreg $0xFFFFFFFF  }
0xbc: {  	[dreg:$0x0] =	wrdreg $0x60  }
0xbd: {  	[dreg:$0x2] =	wrdreg s24  }
0xbe: {  	[dreg:$0x3] =	wrdreg $0x16080  }
0xbf: {  	[dreg:$0x4] =	wrdreg $0x9  }
0xc0: {  	_ =	task.clear_ibuf [dreg:s22], $0x5FFFF;
	_ =	strace $0x9000004C  }
0xc1: {  	s29 =	simm.s32 $0x9;
	_ =	strace $0x8000004E  }
0xc2: {  	_ =	swait.ge [sflag:s29], $0x1  }
0xc3: {  	[sflag:s29] =	ssyncadd.s32 $0xFFFFFFFF  }
0xc4: {  	_ =	strace $0x9000004E  }
0xc5: {  	_ =	sfence  }
0xc6: {  	s30 =	sld [smem:$0x0];
	_ =	sdelay $0x2  }
0xc7: {  	s31 =	sshll.u32 s1, $0xD;
	s1 =	sshrl.u32 s1, $0x2  }
0xc8: {  	s4 =	sand.u32 $0x4000, s31;
	s1 =	sadd.s32 s1, s30  }
0xc9: {  	s0 =	sor.u32 s4, s0;
	s1 =	sshll.u32 s1, $0x11  }
0xca: {  	s0 =	sor.u32 s1, s0  }
0xcb: {  	s0 =	sadd.s32 $0x8F2B, s0  }
0xcc: {  	[sflag:s0] =	ssyncadd.remote.s32 $0x1  }
0xcd: {  	_ =	sfence.sel $0xFFFF  }
0xce: {  	[dreg:$0x0] =	wrdreg $0xFFFFFFFF;
	(pc) =	sbr.abs _section_cstart, $3  }
0xcf: {  	[dreg:$0x1] =	wrdreg $0xFFFFFFFF  }
0xd0: {  	_ =	task.clear_ibuf [dreg:s22], $0x2FFFF;
	_ =	strace $0x9FFFFFFF  }
0xd1: {  	(tm) =	ssettm $0x7FFFFFFF  }
tec
execute0_lowered:
.L_overlay_start_1:
0x0: {  	(tag) =	ssettag $0x1  }
0x1: {  	s4 =	rddreg [dreg:$0x0];
	s0 =	srdreg.scid  }
0x2: {  	s1 =	rddreg [dreg:$0x1];
	s9 =	stileid.u32  }
0x3: {  	s2 =	simm.s32 $0x0;
	s14 =	simm.s32 $0x3;
	s15 =	simm.s32 $0x0  }
0x4: {  	s3 =	sand.u32 $0x1, s0;
	s0 =	rddreg [dreg:$0x2];
	s8 =	smul.u32 $0x1388, s9  }
0x5: {  	[smem:$0x7FF] =	sst s2;
	s7 =	sadd.s32 $0xA5A000, s4;
	p0 =	sne.s32 s9, $0x0  }
0x6: {  	s9 =	simm.s32 $0x5;
	s6 =	smul.u32 $0x13880, s3;
	s11 =	ssub.s32 $0x2, s3  }
0x7: {  	_ =	strace $0x8000004D;
	s3 =	sadd.s32 $0x7C00, s4;
	s13 =	sshrl.u32 s11, $0x1  }
0x8: {  	s5 =	sadd.s32 s8, s6;
	s12 =	sshrl.u32 s6, $0x3;
	s11 =	ssub.s32 s11, s13  }
.Ltmp0:
0x9: {  	s31 =	sadd.s32 s6, s7;
	s13 =	simm.s32 $0x4;
	(pc) =	sbr.rel .LBB2_1-.Ltmp0, $4  }
0xa: {  	s10 =	sshrl.u32 s5, $0x3;
	s12 =	sadd.s32 s12, s4;
	s5 =	sadd.s32 s7, s5  }
0xb: {  	s7 =	smax.u32 s11, $0x1;
	s8 =	sadd.s32 s8, s31;
	s11 =	simm.s32 $0x1388  }
0xc: {  	s10 =	sadd.s32 s10, s4;
	s6 =	sadd.s32 $0xA400, s12;
	s8 =	sadd.s32 $0x28, s8  }
0xd: {  	s12 =	simm.s32 $0x28;
	s4 =	sadd.s32 $0x2C00, s10;
	s10 =	sshrl.u32 @!p0 s1, $0x3  }
.LBB2_7:
0xe: {  	_ =	swait.ge [sflag:s13], $0x140  }
0xf: {  	[sflag:s13] =	ssyncset.done $0x0  }
0x10: {  	[sflag:s13] =	ssyncadd.s32 $0xFFFFFEC0  }
0x11: {  	_ =	swait.ge [sflag:s14], $0x140  }
0x12: {  	[sflag:s14] =	ssyncset.done $0x0  }
0x13: {  	s15 =	sadd.s32 $0x1, s15;
	[sflag:s14] =	ssyncadd.s32 $0xFFFFFEC0  }
0x14: {  	s16 =	simm.s32 @!p0 $0x1C05;
	p1 =	sne.s32 s15, s7;
	[bflag:$0x0] =	sbarrier.arrive $0xFFFF  }
0x15: {  	[hbm:s6], [sflag:s16] =	dma.local @!p0 [spmem:s10], $0x2710  }
.Ltmp1:
0x16: {  	_ = 	snop;
	(pc) =	sbr.rel @!p1 .LBB2_8-.Ltmp1, $4  }
0x17: {  	s16 =	simm.s32 @!p0 $0x5  }
0x18: {  	_ =	swait.ge @!p0 [sflag:s16], $0x2710  }
0x19: {  	[sflag:s16] =	ssyncset.done @!p0 $0x0  }
0x1a: {  	[sflag:s16] =	ssyncadd.s32 @!p0 $0xFFFFD8F0  }
.LBB2_1:
0x1b: {  	[tilespmem:s2], [sflag:$0x5] =	stream.linear.gather [hbm4b:s4+s2], $0x1388, $0x38;
	[tilespmem:$0x2990] =	vst v63  }
0x1c: {  	_ =	swait.ge [sflag:s9], $0x1388  }
0x1d: {  	[sflag:s9] =	ssyncset.done $0x0  }
0x1e: {  	s16 =	simm.s32 @!p0 $0x1C05;
	[sflag:s9] =	ssyncadd.s32 $0xFFFFEC78  }
0x1f: {  	[spmem:s10], [sflag:s16] =	dma.local @!p0 [hbm:s3], $0x2710  }
0x20: {  	s16 =	simm.s32 @!p0 $0x5  }
.Ltmp2:
0x21: {  	_ =	swait.ge @!p0 [sflag:s16], $0x2710;
	(pc) =	sbr.rel .LBB2_2-.Ltmp2, $4  }
0x22: {  	[sflag:s16] =	ssyncset.done @!p0 $0x0  }
0x23: {  	s17 =	simm.s32 $0x0;
	[sflag:s16] =	ssyncadd.s32 @!p0 $0xFFFFD8F0  }
0x24: {  	s18 =	simm.s32 $0x0;
	s16 =	smov.u32 s8;
	[bflag:$0x0] =	sbarrier.arrive $0xFFFF  }
0x25: {  	[tilespmem:s11], [sflag:$0x1] =	stream.linear.gather [hbm4b:s5+s2], $0x140, $0x38;
	[tilespmem:$0x2990] =	vst v63  }
.LBB2_5:
0x26: {  	s21 =	smul.u32 $0x500, s20;
	_ =	sdelay $0x1  }
0x27: {  	s21 =	sshrl.u32 s21, $0x2  }
0x28: {  	s31 =	sadd.s32 $0x1, s20;
	s21 =	sadd.s32 $0x1388, s21  }
0x29: {  	[tilespmem:s21], [sflag:s31] =	stream.linear.gather [hbm4b:s16+s2], $0x140, $0x38;
	[tilespmem:$0x2990] =	vst v63  }
.LBB2_6:
0x2a: {  	s18 =	sadd.s32 $0x1, s18  }
0x2b: {  	s20 =	sadd.s32 $0x1, s19;
	s21 =	smul.u32 $0x500, s19;
	p1 =	sne.s32 s18, $0x7D  }
.Ltmp3:
0x2c: {  	_ =	swait.ge [sflag:s20], $0x140;
	(pc) =	sbr.rel @!p1 .LBB2_7-.Ltmp3, $4  }
0x2d: {  	s21 =	sshrl.u32 s21, $0x2;
	[sflag:s20] =	ssyncset.done $0x0  }
0x2e: {  	s31 =	sadd.s32 $0x3, s19;
	s21 =	sadd.s32 $0x1388, s21;
	[sflag:s20] =	ssyncadd.s32 $0xFFFFFEC0  }
0x2f: {  	[spmem:s1] =	stream.indirect.scatter.add.f32 [tilespmem:s21], [sflag:s31], $0x8, s17, s12, $0xb8;
	[tilespmem:$0x2990] =	vst v63  }
0x30: {  	s16 =	sadd.s32 $0x28, s16;
	s17 =	sadd.s32 $0x28, s17  }
.LBB2_2:
0x31: {  	p1 =	seq.s32 s18, $0x0  }
.Ltmp4:
0x32: {  	_ = 	snop;
	(pc) =	sbr.rel @p1 .LBB2_5-.Ltmp4, $3  }
0x33: {  	_ =	sdelay $0x1  }
0x34: {  	s19 =	sand.u32 $0x1, s18  }
0x35: {  	s20 =	sxor.u32 $0x1, s19  }
0x36: {  	p1 =	seq.s32 s18, $0x7C  }
.Ltmp5:
0x37: {  	_ = 	snop;
	(pc) =	sbr.rel @p1 .LBB2_6-.Ltmp5, $1  }
0x38: {  	_ =	sdelay $0x3  }
.Ltmp6:
0x39: {  	(pc) =	sbr.rel .LBB2_5-.Ltmp6, $4  }
0x3a: {  	s21 =	sadd.s32 $0x3, s20  }
0x3b: {  	_ =	swait.ge [sflag:s21], $0x140  }
0x3c: {  	[sflag:s21] =	ssyncset.done $0x0  }
0x3d: {  	[sflag:s21] =	ssyncadd.s32 $0xFFFFFEC0  }
.LBB2_8:
0x3e: {  	_ =	sfence.sel $0x180000  }
0x3f: {  	[bflag:$0x0] =	sbarrier.arrive $0xFFFF  }
0x40: {  	_ =	strace $0x9000004D  }
0x41: {  	s0 =	sadd.s32 @!p0 $0x100000, s0;
	[bflag:$0x2] =	sbarrier.arrive $0xFFFF  }
0x42: {  	[sflag:s0] =	ssyncadd.tile.s32 @!p0 $0x1;
	_ =	shalt  }
.Lfunc_end2:
_tile_overlayer_lowered:
.L_overlay_start_2:
0x43: {  	(tag) =	ssettag $0x2  }
0x44: {  	s0 =	rddreg [dreg:$0x0];
	s2 =	stileid.u32  }
0x45: {  	s1 =	rddreg [dreg:$0x1];
	p0 =	sne.s32 s2, $0x0  }
0x46: {  	s3 =	rddreg [dreg:$0x2];
	[bflag:$0x3] =	sbarrier.arrive $0xFFFF;
	s2 =	simm.s32 @!p0 $0x1C05  }
0x47: {  	[timem:s3], [sflag:s2] =	dma.local @!p0 [hbm:s0], s1  }
0x48: {  	s0 =	simm.s32 @!p0 $0x5  }
0x49: {  	_ =	swait.ge @!p0 [sflag:s0], s1  }
0x4a: {  	s1 =	ssub.s32 @!p0 $0x0, s1;
	[sflag:s0] =	ssyncset.done @!p0 $0x0  }
0x4b: {  	[sflag:s0] =	ssyncadd.s32 @!p0 s1  }
0x4c: {  	[bflag:$0x3] =	sbarrier.arrive $0xFFFF  }
0x4d: {  	_ =	shalt  }

// kernel: kernel.16.cloned.1.call-start
scs
__scs_entry_jumppad:
0x0: {  	(pc) =	sbr.rel $0x88, $3  }
0x1: {  	(tag) =	ssettag $0x0;
	lr =	simm.s32 $0x1  }
0x2: {  	[smem:$0x3F97] =	sst lr;
	_ =	strace $0xD0000000  }
0x3: {  	_ = 	snop  }
0x4: {  	_ = 	snop  }
0x5: {  	_ = 	snop  }
0x6: {  	_ = 	snop  }
0x7: {  	_ = 	snop  }
__scs_overlays_trampoline_lowered:
0x8: {  	[smem:$0x3FA6] =	sst s0  }
0x9: {  	[smem:$0x3FA7] =	sst s1  }
0xa: {  	[smem:$0x3FA8] =	sst s2  }
0xb: {  	[smem:$0x3FA9] =	sst s3  }
0xc: {  	[smem:$0x3FAA] =	sst s4  }
0xd: {  	[smem:$0x3FAB] =	sst s5  }
0xe: {  	[smem:$0x3FAC] =	sst s6  }
0xf: {  	[smem:$0x3FAD] =	sst s7  }
0x10: {  	[smem:$0x3FAE] =	sst s8  }
0x11: {  	[smem:$0x3FAF] =	sst s9;
	s0 =	simm.s32 @!p0 $0x0  }
0x12: {  	s1 =	sld [smem:$0x3F95];
	s0 =	simm.s32 @p0 $0x1  }
0x13: {  	[smem:$0x3FB0] =	sst s0;
	s0 =	simm.s32 @!p1 $0x0  }
0x14: {  	s2 =	sld [smem:$0x3F94];
	s0 =	simm.s32 @p1 $0x1  }
0x15: {  	[smem:$0x3FB1] =	sst s0;
	s0 =	simm.s32 @!p2 $0x0  }
0x16: {  	s3 =	sld [smem:$0x3FDB];
	s0 =	simm.s32 @p2 $0x1  }
0x17: {  	s4 =	simm.s32 $0x1BF5;
	[smem:$0x3FB3] =	sst s0  }
0x18: {  	s0 =	sld [smem:$0x3F96];
	_ =	swait.ge [sflag:s4], $0x0  }
0x19: {  	s7 =	sld [smem:$0x3F97]  }
0x1a: {  	s8 =	sadd.s32 $0xFFFFE003, lr  }
0x1b: {  	s9 =	sadd.s32 $0xFFFFFEF7, lr;
	s5 =	simm.s32 $0xFFFFFFFF;
	p2 =	slt.u32 s8, $0xFFFFF086  }
0x1c: {  	p1 =	slt.u32 s9, $0xF7A;
	s5 =	simm.s32 @!p2 $0x0  }
0x1d: {  	s5 =	simm.s32 @p1 $0x1;
	p0 =	seq.s32 s7, s2  }
0x1e: {  	s7 =	smul.u32 @!p0 $0xF7A, s2;
	p2 =	seq.s32 @!p0 s5, $0x0  }
0x1f: {  	s9 =	smul.u32 $0xF7A, s1;
	s8 =	simm.s32 @!p0 $0x1BF5;
	p2 =	por !p2, p0  }
0x20: {  	[sflag:s8] =	ssyncset.s32 @!p0 $0xFFFFF086;
	s6 =	sadd.s32 @!p0 s3, s7;
	s7 =	simm.s32 @!p0 $0x108  }
0x21: {  	s3 =	sadd.s32 s3, s9;
	s6 =	sadd.s32 @!p0 $0x88, s6;
	s7 =	simm.s32 @p2 $0x1082  }
0x22: {  	[simem:s7], [sflag:s8] =	dma.local @!p0 [hbm:s6], $0xF7A  }
0x23: {  	s9 =	sor.u32 $0xD0000000, s2;
	s6 =	simm.s32 $0x108;
	_ =	swait.ge @!p0 [sflag:s8], $0x0  }
0x24: {  	s3 =	sadd.s32 $0x88, s3;
	s6 =	simm.s32 @!p1 $0x1082;
	[sflag:s4] =	ssyncset.s32 $0xFFFFF086  }
0x25: {  	[simem:s6], [sflag:s4] =	dma.local [hbm:s3], $0xF7A  }
0x26: {  	[smem:$0x3F97] =	sst s1;
	(tag) =	ssettag s2;
	_ =	strace s9  }
0x27: {  	s1 =	sld [smem:$0x3FA7]  }
0x28: {  	s2 =	sld [smem:$0x3FA8]  }
0x29: {  	s4 =	sld [smem:$0x3FAA]  }
0x2a: {  	p0 =	seq.s32 s5, $0x0;
	s5 =	sld [smem:$0x3FAB]  }
0x2b: {  	s6 =	sld [smem:$0x3FAC]  }
0x2c: {  	s7 =	sld [smem:$0x3FAD]  }
0x2d: {  	s3 =	simm.s32 $0x108;
	s8 =	sld [smem:$0x3FAE]  }
0x2e: {  	s3 =	simm.s32 @!p0 $0x1082;
	s9 =	sld [smem:$0x3FAF]  }
0x2f: {  	lr =	sadd.s32 s0, s3;
	s0 =	sld [smem:$0x3FA6]  }
0x30: {  	s3 =	sld [smem:$0x3FA9]  }
0x31: {  	[smem:$0x3FB2] =	sst s10  }
0x32: {  	s10 =	sld [smem:$0x3FB0];
	_ =	sdelay $0x3  }
0x33: {  	p0 =	seq.s32 s10, $0x1;
	s10 =	sld [smem:$0x3FB2];
	_ =	sdelay $0x3  }
0x34: {  	[smem:$0x3FB2] =	sst s10  }
0x35: {  	s10 =	sld [smem:$0x3FB1];
	_ =	sdelay $0x3  }
0x36: {  	p1 =	seq.s32 s10, $0x1;
	s10 =	sld [smem:$0x3FB2];
	_ =	sdelay $0x3  }
0x37: {  	[smem:$0x3FB2] =	sst s10  }
0x38: {  	s10 =	sld [smem:$0x3FB3]  }
0x39: {  	_ = 	snop;
	(pc) =	sbr.ind lr, $3  }
0x3a: {  	_ = 	snop  }
0x3b: {  	_ = 	snop  }
0x3c: {  	p2 =	seq.s32 s10, $0x1;
	s10 =	sld [smem:$0x3FB2]  }
0x3d: {  	_ =	shalt  }
0x3e: {  	_ =	shalt  }
0x3f: {  	_ =	shalt  }
0x40: {  	_ =	shalt  }
0x41: {  	_ =	shalt  }
0x42: {  	_ =	shalt  }
0x43: {  	_ =	shalt  }
0x44: {  	_ =	shalt  }
0x45: {  	_ =	shalt  }
0x46: {  	_ =	shalt  }
0x47: {  	_ =	shalt  }
0x48: {  	_ =	shalt  }
0x49: {  	_ =	shalt  }
0x4a: {  	_ =	shalt  }
0x4b: {  	_ =	shalt  }
0x4c: {  	_ =	shalt  }
0x4d: {  	_ =	shalt  }
0x4e: {  	_ =	shalt  }
0x4f: {  	_ =	shalt  }
0x50: {  	_ =	shalt  }
0x51: {  	_ =	shalt  }
0x52: {  	_ =	shalt  }
0x53: {  	_ =	shalt  }
0x54: {  	_ =	shalt  }
0x55: {  	_ =	shalt  }
0x56: {  	_ =	shalt  }
0x57: {  	_ =	shalt  }
0x58: {  	_ =	shalt  }
0x59: {  	_ =	shalt  }
0x5a: {  	_ =	shalt  }
0x5b: {  	_ =	shalt  }
0x5c: {  	_ =	shalt  }
0x5d: {  	_ =	shalt  }
0x5e: {  	_ =	shalt  }
0x5f: {  	_ =	shalt  }
0x60: {  	_ =	shalt  }
0x61: {  	_ =	shalt  }
0x62: {  	_ =	shalt  }
0x63: {  	_ =	shalt  }
0x64: {  	_ =	shalt  }
0x65: {  	_ =	shalt  }
0x66: {  	_ =	shalt  }
0x67: {  	_ =	shalt  }
0x68: {  	_ =	shalt  }
0x69: {  	_ =	shalt  }
0x6a: {  	_ =	shalt  }
0x6b: {  	_ =	shalt  }
0x6c: {  	_ =	shalt  }
0x6d: {  	_ =	shalt  }
0x6e: {  	_ =	shalt  }
0x6f: {  	_ =	shalt  }
0x70: {  	_ =	shalt  }
0x71: {  	_ =	shalt  }
0x72: {  	_ =	shalt  }
0x73: {  	_ =	shalt  }
0x74: {  	_ =	shalt  }
0x75: {  	_ =	shalt  }
0x76: {  	_ =	shalt  }
0x77: {  	_ =	shalt  }
0x78: {  	_ =	shalt  }
0x79: {  	_ =	shalt  }
0x7a: {  	_ =	shalt  }
0x7b: {  	_ =	shalt  }
0x7c: {  	_ =	shalt  }
0x7d: {  	_ =	shalt  }
0x7e: {  	_ =	shalt  }
0x7f: {  	_ =	shalt  }
0x80: {  	_ =	shalt  }
0x81: {  	_ =	shalt  }
0x82: {  	_ =	shalt  }
0x83: {  	_ =	shalt  }
0x84: {  	_ =	shalt  }
0x85: {  	_ =	shalt  }
0x86: {  	_ =	shalt  }
0x87: {  	_ =	shalt  }
.Lfunc_end0:
.L_simem_size_0:
called_computation.2_lowered:
.L_overlay_start_0:
0x88: {  	s2 =	sld [smem:$0x3FD9]  }
0x89: {  	s3 =	sld [smem:$0x3FFE];
	_ =	sdelay $0x1  }
0x8a: {  	s1 =	srdreg.scid  }
0x8b: {  	s0 =	sand.u32 $0x1, s1  }
0x8c: {  	s17 =	sshll.u32 s0, $0xA;
	s2 =	sadd.s32 s3, s2  }
0x8d: {  	s2 =	sadd.s32 s2, s17  }
0x8e: {  	[smem:$0x3FBE] =	sst s2  }
0x8f: {  	_ = 	snop  }
0x90: {  	(tm) =	ssettm $0x1  }
0x91: {  	s18 =	sld [smem:$0x3FFB];
	_ =	sdelay $0x3  }
0x92: {  	_ =	strace s18  }
0x93: {  	s2 =	sld [smem:$0x3FFC];
	_ =	sdelay $0x3  }
0x94: {  	_ =	strace s2  }
0x95: {  	s2 =	sld [smem:$0x3FFD];
	_ =	sdelay $0x3  }
0x96: {  	_ =	strace s2  }
0x97: {  	_ =	strace $0x8FFFFFFF  }
0x98: {  	s19 =	sld [smem:$0x3FDB];
	_ =	sdelay $0x1  }
0x99: {  	s20 =	simm.s32 $_scs_section_size  }
0x9a: {  	s4 =	simm.s32 $_size__tile_overlayer_lowered;
	s5 =	simm.s32 $_tile_overlayer_lowered  }
0x9b: {  	s6 =	simm.s32 $0x1BFF;
	s21 =	sshll.u32 s5, $0x1;
	s3 =	sadd.s32 s20, s19  }
0x9c: {  	s22 =	simm.s32 $0x0;
	s4 =	sshll.u32 s4, $0x1;
	s5 =	sadd.s32 s21, s3  }
0x9d: {  	[timem:s22], [sflag:s6] =	dma.local [hbm:s5], s4  }
0x9e: {  	_ =	swait.ge [sflag:s6], s4  }
0x9f: {  	s4 =	ssub.s32 $0x0, s4;
	[sflag:s6] =	ssyncset.done $0x0  }
0xa0: {  	[sflag:s6] =	ssyncadd.s32 s4;
	_ =	sdelay $0x1  }
0xa1: {  	s23 =	simm.s32 $0x1B8B  }
0xa2: {  	_ =	swait.ge [sflag:s23], $0x1  }
0xa3: {  	[sflag:s23] =	ssyncset.done $0x0  }
0xa4: {  	[sflag:s23] =	ssyncadd.s32 $0xFFFFFFFF  }
0xa5: {  	s4 =	sld [smem:$0x0]  }
0xa6: {  	s5 =	sand.u32 $0xFFFFFFFE, s1  }
0xa7: {  	p0 =	sne.s32 s1, s5  }
0xa8: {  	s5 =	sshll.u32 @p0 s5, $0xE  }
0xa9: {  	s5 =	sadd.s32 @p0 $0x11B8D, s5;
	s6 =	sshll.u32 @p0 s4, $0x11  }
0xaa: {  	s5 =	sor.u32 @p0 s6, s5  }
0xab: {  	[sflag:s5] =	ssyncadd.remote.s32 @p0 $0x1;
	_ =	sdelay $0x1  }
0xac: {  	s5 =	simm.s32 @p0 $0x1B8D  }
0xad: {  	_ =	swait.eq @p0 [sflag:s5], $0x1  }
0xae: {  	[sflag:s5] =	ssyncadd.s32 @p0 $0xFFFFFFFF  }
0xaf: {  	s6 =	sshll.u32 @!p0 s1, $0xE  }
0xb0: {  	s6 =	sor.u32 @!p0 $0x4000, s6;
	s5 =	simm.s32 @!p0 $0x1B8D  }
0xb1: {  	s4 =	sshll.u32 @!p0 s4, $0x11;
	s6 =	sadd.s32 @!p0 $0x11B8D, s6;
	_ =	swait.eq @!p0 [sflag:s5], $0x1  }
0xb2: {  	s4 =	sor.u32 @!p0 s4, s6;
	[sflag:s5] =	ssyncadd.s32 @!p0 $0xFFFFFFFF  }
0xb3: {  	s25 =	simm.s32 $0x1B8E;
	s24 =	sld [smem:$0x3FFE];
	[sflag:s4] =	ssyncadd.remote.s32 @!p0 $0x1  }
0xb4: {  	s26 =	simm.s32 $execute0_lowered;
	[smem:$0x3FD2] =	sst s25  }
0xb5: {  	s5 =	sshll.u32 s26, $0x1;
	_ =	strace $0x80000049;
	[dreg:$0x1] =	wrdreg $0xFFFFFFFF  }
0xb6: {  	s28 =	simm.s32 $_size_execute0_lowered;
	s3 =	sadd.s32 s3, s5;
	[dreg:$0x0] =	wrdreg $0x0  }
0xb7: {  	s5 =	sshll.u32 s28, $0x1;
	[dreg:$0x2] =	wrdreg s3  }
0xb8: {  	[dreg:$0x3] =	wrdreg s5  }
0xb9: {  	[dreg:$0x4] =	wrdreg $0xC0  }
0xba: {  	_ =	task [dreg:s22], $0x5FFFF  }
0xbb: {  	[dreg:$0x1] =	wrdreg $0xFFFFFFFF  }
0xbc: {  	[dreg:$0x0] =	wrdreg $0x60  }
0xbd: {  	[dreg:$0x2] =	wrdreg s24  }
0xbe: {  	[dreg:$0x3] =	wrdreg $0xA  }
0xbf: {  	_ =	task.clear_ibuf [dreg:s22], $0x4FFFF;
	_ =	strace $0x90000049  }
0xc0: {  	s29 =	simm.s32 $0xA;
	_ =	strace $0x8000004B  }
0xc1: {  	_ =	swait.ge [sflag:s29], $0x1  }
0xc2: {  	[sflag:s29] =	ssyncadd.s32 $0xFFFFFFFF  }
0xc3: {  	_ =	strace $0x9000004B  }
0xc4: {  	_ =	sfence  }
0xc5: {  	s30 =	sld [smem:$0x0];
	_ =	sdelay $0x2  }
0xc6: {  	s31 =	sshll.u32 s1, $0xD;
	s1 =	sshrl.u32 s1, $0x2  }
0xc7: {  	s4 =	sand.u32 $0x4000, s31;
	s1 =	sadd.s32 s1, s30  }
0xc8: {  	s0 =	sor.u32 s4, s0;
	s1 =	sshll.u32 s1, $0x11  }
0xc9: {  	s0 =	sor.u32 s1, s0  }
0xca: {  	s0 =	sadd.s32 $0x8F2B, s0  }
0xcb: {  	[sflag:s0] =	ssyncadd.remote.s32 $0x1  }
0xcc: {  	_ =	sfence.sel $0xFFFF  }
0xcd: {  	[dreg:$0x0] =	wrdreg $0xFFFFFFFF;
	(pc) =	sbr.abs _section_cstart, $3  }
0xce: {  	[dreg:$0x1] =	wrdreg $0xFFFFFFFF  }
0xcf: {  	_ =	task.clear_ibuf [dreg:s22], $0x2FFFF;
	_ =	strace $0x9FFFFFFF  }
0xd0: {  	(tm) =	ssettm $0x7FFFFFFF  }
0xd1: {  	_ =	shalt  }
tec
execute0_lowered:
.L_overlay_start_1:
0x0: {  	(tag) =	ssettag $0x1  }
0x1: {  	s5 =	rddreg [dreg:$0x0]  }
0x2: {  	s0 =	rddreg [dreg:$0x1]  }
0x3: {  	s1 =	simm.s32 $0x0;
	s6 =	srdreg.scid;
	s2 =	stileid.u32  }
0x4: {  	s11 =	simm.s32 $0x4000;
	s12 =	simm.s32 $0x28;
	s13 =	simm.s32 $0x8000  }
0x5: {  	s14 =	simm.s32 $0xA800;
	s15 =	simm.s32 $0x4;
	s16 =	simm.s32 $0x3  }
0x6: {  	s17 =	simm.s32 $0x0;
	[smem:$0x7FF] =	sst s1;
	s3 =	sadd.s32 $0x27C00, s5  }
0x7: {  	s4 =	sadd.s32 $0x4EE00, s5;
	s6 =	sand.u32 $0x1, s6;
	s30 =	smul.u32 $0x13880, s2  }
0x8: {  	s8 =	sshll.u32 s2, $0xB;
	s7 =	sshll.u32 s6, $0xF;
	s9 =	smul.u32 $0x138800, s6  }
.Ltmp0:
0x9: {  	s6 =	ssub.s32 $0x2, s6;
	s7 =	sor.u32 s8, s7;
	(pc) =	sbr.rel .LBB2_1-.Ltmp0, $4  }
0xa: {  	_ =	strace $0x8000004A;
	s31 =	sshrl.u32 s6, $0x1;
	s7 =	sadd.s32 s7, s5  }
0xb: {  	s9 =	sadd.s32 s9, s5;
	s10 =	ssub.s32 s6, s31;
	s5 =	sadd.s32 $0x558000, s7  }
0xc: {  	s9 =	sadd.s32 s30, s9;
	s6 =	sadd.s32 $0x568000, s7;
	s7 =	smax.u32 s10, $0x1  }
0xd: {  	s10 =	simm.s32 $0x5;
	s8 =	sadd.s32 $0x578000, s9;
	s9 =	sadd.s32 $0x7E9000, s9  }
.LBB2_7:
0xe: {  	_ =	swait.ge [sflag:s15], $0x1400  }
0xf: {  	[sflag:s15] =	ssyncset.done $0x0  }
0x10: {  	[sflag:s15] =	ssyncadd.s32 $0xFFFFEC00  }
0x11: {  	_ =	swait.ge [sflag:s15], $0x1400  }
0x12: {  	[sflag:s15] =	ssyncset.done $0x0  }
0x13: {  	s17 =	sadd.s32 $0x1, s17;
	[sflag:s15] =	ssyncadd.s32 $0xFFFFEC00  }
0x14: {  	p0 =	sne.s32 s17, s7;
	_ =	swait.ge [sflag:s16], $0x1400  }
.Ltmp1:
0x15: {  	[sflag:s16] =	ssyncset.done $0x0;
	(pc) =	sbr.rel @!p0 .LBB2_8-.Ltmp1, $4  }
0x16: {  	[sflag:s16] =	ssyncadd.s32 $0xFFFFEC00  }
0x17: {  	_ =	swait.ge [sflag:s16], $0x1400  }
0x18: {  	[sflag:s16] =	ssyncset.done $0x0  }
0x19: {  	[sflag:s16] =	ssyncadd.s32 $0xFFFFEC00  }
.LBB2_1:
0x1a: {  	[tilespmem:s1], [sflag:$0x5] =	stream.linear.gather [hbm4b:s5+s1], $0x3E80, $0x38;
	[tilespmem:$0xD000] =	vst v63  }
0x1b: {  	_ =	swait.ge [sflag:s10], $0x3E80  }
0x1c: {  	[sflag:s10] =	ssyncset.done $0x0  }
0x1d: {  	[sflag:s10] =	ssyncadd.s32 $0xFFFFC180  }
0x1e: {  	[tilespmem:s11], [sflag:$0x5] =	stream.linear.gather [hbm4b:s6+s1], $0x3E80, $0x38;
	[tilespmem:$0xD000] =	vst v63  }
0x1f: {  	_ =	swait.ge [sflag:s10], $0x3E80  }
.Ltmp2:
0x20: {  	[sflag:s10] =	ssyncset.done $0x0;
	(pc) =	sbr.rel .LBB2_2-.Ltmp2, $4  }
0x21: {  	s18 =	simm.s32 $0x80;
	s19 =	simm.s32 $0x4080;
	[sflag:s10] =	ssyncadd.s32 $0xFFFFC180  }
0x22: {  	[tilespmem:s13], [sflag:$0x1] =	stream.indirect.gather [hbm4b:s3+s12], $0x80, s1, s12, $0xb8;
	[tilespmem:$0xD000] =	vst v63  }
0x23: {  	s20 =	smov.u32 s9;
	s21 =	smov.u32 s8;
	s22 =	simm.s32 $0x0  }
0x24: {  	[tilespmem:s14], [sflag:$0x1] =	stream.indirect.gather [hbm4b:s4+s12], $0x80, s11, s12, $0xb8;
	[tilespmem:$0xD000] =	vst v63  }
.LBB2_5:
0x25: {  	s25 =	smul.u32 $0x1400, s24;
	_ =	sdelay $0x1  }
0x26: {  	s31 =	sadd.s32 $0x1, s24;
	s26 =	sor.u32 $0x8000, s25  }
0x27: {  	[tilespmem:s26], [sflag:s31] =	stream.indirect.gather [hbm4b:s3+s12], $0x80, s18, s12, $0xb8;
	[tilespmem:$0xD000] =	vst v63  }
0x28: {  	s25 =	sadd.s32 $0xA800, s25  }
0x29: {  	[tilespmem:s25], [sflag:s31] =	stream.indirect.gather [hbm4b:s4+s12], $0x80, s19, s12, $0xb8;
	[tilespmem:$0xD000] =	vst v63  }
.LBB2_6:
0x2a: {  	s24 =	sadd.s32 $0x1, s23  }
0x2b: {  	_ =	swait.ge [sflag:s24], $0x1400  }
0x2c: {  	[sflag:s24] =	ssyncset.done $0x0  }
0x2d: {  	[sflag:s24] =	ssyncadd.s32 $0xFFFFEC00  }
0x2e: {  	s25 =	smul.u32 $0x1400, s23;
	s22 =	sadd.s32 $0x1, s22;
	_ =	swait.ge [sflag:s24], $0x1400  }
0x2f: {  	s29 =	sadd.s32 $0x3, s23;
	p0 =	sne.s32 s22, $0x7D;
	[sflag:s24] =	ssyncset.done $0x0  }
.Ltmp3:
0x30: {  	s30 =	sor.u32 $0x8000, s25;
	[sflag:s24] =	ssyncadd.s32 $0xFFFFEC00;
	(pc) =	sbr.rel @!p0 .LBB2_7-.Ltmp3, $4  }
0x31: {  	[hbm4b:s21+s1] =	stream.linear.scatter [tilespmem:s30], [sflag:s29], $0x1400, $0x38;
	[tilespmem:$0xD000] =	vst v63  }
0x32: {  	s18 =	sadd.s32 $0x80, s18;
	s31 =	sadd.s32 $0xA800, s25  }
0x33: {  	[hbm4b:s20+s1] =	stream.linear.scatter [tilespmem:s31], [sflag:s29], $0x1400, $0x38;
	[tilespmem:$0xD000] =	vst v63  }
0x34: {  	s19 =	sadd.s32 $0x80, s19;
	s21 =	sadd.s32 $0x280, s21;
	s20 =	sadd.s32 $0x280, s20  }
.LBB2_2:
0x35: {  	p0 =	seq.s32 s22, $0x0  }
.Ltmp4:
0x36: {  	_ = 	snop;
	(pc) =	sbr.rel @p0 .LBB2_5-.Ltmp4, $3  }
0x37: {  	_ =	sdelay $0x1  }
0x38: {  	s23 =	sand.u32 $0x1, s22  }
0x39: {  	s24 =	sxor.u32 $0x1, s23  }
0x3a: {  	p0 =	seq.s32 s22, $0x7C  }
.Ltmp5:
0x3b: {  	_ = 	snop;
	(pc) =	sbr.rel @p0 .LBB2_6-.Ltmp5, $1  }
0x3c: {  	_ =	sdelay $0x3  }
0x3d: {  	s25 =	sadd.s32 $0x3, s24  }
0x3e: {  	_ =	swait.ge [sflag:s25], $0x1400  }
.Ltmp6:
0x3f: {  	[sflag:s25] =	ssyncset.done $0x0;
	(pc) =	sbr.rel .LBB2_5-.Ltmp6, $4  }
0x40: {  	[sflag:s25] =	ssyncadd.s32 $0xFFFFEC00  }
0x41: {  	_ =	swait.ge [sflag:s25], $0x1400  }
0x42: {  	[sflag:s25] =	ssyncset.done $0x0  }
0x43: {  	[sflag:s25] =	ssyncadd.s32 $0xFFFFEC00  }
.LBB2_8:
0x44: {  	_ =	sfence.sel $0x180000  }
0x45: {  	[bflag:$0x0] =	sbarrier.arrive $0xFFFF  }
0x46: {  	p0 =	sne.s32 s2, $0x0;
	_ =	strace $0x9000004A  }
0x47: {  	s0 =	sadd.s32 @!p0 $0x100000, s0;
	[bflag:$0x2] =	sbarrier.arrive $0xFFFF  }
0x48: {  	[sflag:s0] =	ssyncadd.tile.s32 @!p0 $0x1;
	_ =	shalt  }
.Lfunc_end2:
_tile_overlayer_lowered:
.L_overlay_start_2:
0x49: {  	(tag) =	ssettag $0x2  }
0x4a: {  	s0 =	rddreg [dreg:$0x0];
	s2 =	stileid.u32  }
0x4b: {  	s1 =	rddreg [dreg:$0x1];
	p0 =	sne.s32 s2, $0x0  }
0x4c: {  	s3 =	rddreg [dreg:$0x2];
	[bflag:$0x3] =	sbarrier.arrive $0xFFFF;
	s2 =	simm.s32 @!p0 $0x1C05  }
0x4d: {  	[timem:s3], [sflag:s2] =	dma.local @!p0 [hbm:s0], s1  }
0x4e: {  	s0 =	simm.s32 @!p0 $0x5  }
0x4f: {  	_ =	swait.ge @!p0 [sflag:s0], s1  }
0x50: {  	s1 =	ssub.s32 @!p0 $0x0, s1;
	[sflag:s0] =	ssyncset.done @!p0 $0x0  }
0x51: {  	[sflag:s0] =	ssyncadd.s32 @!p0 s1  }
0x52: {  	[bflag:$0x3] =	sbarrier.arrive $0xFFFF  }
0x53: {  	_ =	shalt  }

// kernel: kernel.19.cloned.1.call-start
scs
__scs_entry_jumppad:
0x0: {  	(pc) =	sbr.rel $0x88, $3  }
0x1: {  	(tag) =	ssettag $0x0;
	lr =	simm.s32 $0x1  }
0x2: {  	[smem:$0x3F97] =	sst lr;
	_ =	strace $0xD0000000  }
0x3: {  	_ = 	snop  }
0x4: {  	_ = 	snop  }
0x5: {  	_ = 	snop  }
0x6: {  	_ = 	snop  }
0x7: {  	_ = 	snop  }
__scs_overlays_trampoline_lowered:
0x8: {  	[smem:$0x3FA6] =	sst s0  }
0x9: {  	[smem:$0x3FA7] =	sst s1  }
0xa: {  	[smem:$0x3FA8] =	sst s2  }
0xb: {  	[smem:$0x3FA9] =	sst s3  }
0xc: {  	[smem:$0x3FAA] =	sst s4  }
0xd: {  	[smem:$0x3FAB] =	sst s5  }
0xe: {  	[smem:$0x3FAC] =	sst s6  }
0xf: {  	[smem:$0x3FAD] =	sst s7  }
0x10: {  	[smem:$0x3FAE] =	sst s8  }
0x11: {  	[smem:$0x3FAF] =	sst s9;
	s0 =	simm.s32 @!p0 $0x0  }
0x12: {  	s1 =	sld [smem:$0x3F95];
	s0 =	simm.s32 @p0 $0x1  }
0x13: {  	[smem:$0x3FB0] =	sst s0;
	s0 =	simm.s32 @!p1 $0x0  }
0x14: {  	s2 =	sld [smem:$0x3F94];
	s0 =	simm.s32 @p1 $0x1  }
0x15: {  	[smem:$0x3FB1] =	sst s0;
	s0 =	simm.s32 @!p2 $0x0  }
0x16: {  	s3 =	sld [smem:$0x3FDB];
	s0 =	simm.s32 @p2 $0x1  }
0x17: {  	s4 =	simm.s32 $0x1BF5;
	[smem:$0x3FB3] =	sst s0  }
0x18: {  	s0 =	sld [smem:$0x3F96];
	_ =	swait.ge [sflag:s4], $0x0  }
0x19: {  	s7 =	sld [smem:$0x3F97]  }
0x1a: {  	s8 =	sadd.s32 $0xFFFFE003, lr  }
0x1b: {  	s9 =	sadd.s32 $0xFFFFFEF7, lr;
	s5 =	simm.s32 $0xFFFFFFFF;
	p2 =	slt.u32 s8, $0xFFFFF086  }
0x1c: {  	p1 =	slt.u32 s9, $0xF7A;
	s5 =	simm.s32 @!p2 $0x0  }
0x1d: {  	s5 =	simm.s32 @p1 $0x1;
	p0 =	seq.s32 s7, s2  }
0x1e: {  	s7 =	smul.u32 @!p0 $0xF7A, s2;
	p2 =	seq.s32 @!p0 s5, $0x0  }
0x1f: {  	s9 =	smul.u32 $0xF7A, s1;
	s8 =	simm.s32 @!p0 $0x1BF5;
	p2 =	por !p2, p0  }
0x20: {  	[sflag:s8] =	ssyncset.s32 @!p0 $0xFFFFF086;
	s6 =	sadd.s32 @!p0 s3, s7;
	s7 =	simm.s32 @!p0 $0x108  }
0x21: {  	s3 =	sadd.s32 s3, s9;
	s6 =	sadd.s32 @!p0 $0x88, s6;
	s7 =	simm.s32 @p2 $0x1082  }
0x22: {  	[simem:s7], [sflag:s8] =	dma.local @!p0 [hbm:s6], $0xF7A  }
0x23: {  	s9 =	sor.u32 $0xD0000000, s2;
	s6 =	simm.s32 $0x108;
	_ =	swait.ge @!p0 [sflag:s8], $0x0  }
0x24: {  	s3 =	sadd.s32 $0x88, s3;
	s6 =	simm.s32 @!p1 $0x1082;
	[sflag:s4] =	ssyncset.s32 $0xFFFFF086  }
0x25: {  	[simem:s6], [sflag:s4] =	dma.local [hbm:s3], $0xF7A  }
0x26: {  	[smem:$0x3F97] =	sst s1;
	(tag) =	ssettag s2;
	_ =	strace s9  }
0x27: {  	s1 =	sld [smem:$0x3FA7]  }
0x28: {  	s2 =	sld [smem:$0x3FA8]  }
0x29: {  	s4 =	sld [smem:$0x3FAA]  }
0x2a: {  	p0 =	seq.s32 s5, $0x0;
	s5 =	sld [smem:$0x3FAB]  }
0x2b: {  	s6 =	sld [smem:$0x3FAC]  }
0x2c: {  	s7 =	sld [smem:$0x3FAD]  }
0x2d: {  	s3 =	simm.s32 $0x108;
	s8 =	sld [smem:$0x3FAE]  }
0x2e: {  	s3 =	simm.s32 @!p0 $0x1082;
	s9 =	sld [smem:$0x3FAF]  }
0x2f: {  	lr =	sadd.s32 s0, s3;
	s0 =	sld [smem:$0x3FA6]  }
0x30: {  	s3 =	sld [smem:$0x3FA9]  }
0x31: {  	[smem:$0x3FB2] =	sst s10  }
0x32: {  	s10 =	sld [smem:$0x3FB0];
	_ =	sdelay $0x3  }
0x33: {  	p0 =	seq.s32 s10, $0x1;
	s10 =	sld [smem:$0x3FB2];
	_ =	sdelay $0x3  }
0x34: {  	[smem:$0x3FB2] =	sst s10  }
0x35: {  	s10 =	sld [smem:$0x3FB1];
	_ =	sdelay $0x3  }
0x36: {  	p1 =	seq.s32 s10, $0x1;
	s10 =	sld [smem:$0x3FB2];
	_ =	sdelay $0x3  }
0x37: {  	[smem:$0x3FB2] =	sst s10  }
0x38: {  	s10 =	sld [smem:$0x3FB3]  }
0x39: {  	_ = 	snop;
	(pc) =	sbr.ind lr, $3  }
0x3a: {  	_ = 	snop  }
0x3b: {  	_ = 	snop  }
0x3c: {  	p2 =	seq.s32 s10, $0x1;
	s10 =	sld [smem:$0x3FB2]  }
0x3d: {  	_ =	shalt  }
0x3e: {  	_ =	shalt  }
0x3f: {  	_ =	shalt  }
0x40: {  	_ =	shalt  }
0x41: {  	_ =	shalt  }
0x42: {  	_ =	shalt  }
0x43: {  	_ =	shalt  }
0x44: {  	_ =	shalt  }
0x45: {  	_ =	shalt  }
0x46: {  	_ =	shalt  }
0x47: {  	_ =	shalt  }
0x48: {  	_ =	shalt  }
0x49: {  	_ =	shalt  }
0x4a: {  	_ =	shalt  }
0x4b: {  	_ =	shalt  }
0x4c: {  	_ =	shalt  }
0x4d: {  	_ =	shalt  }
0x4e: {  	_ =	shalt  }
0x4f: {  	_ =	shalt  }
0x50: {  	_ =	shalt  }
0x51: {  	_ =	shalt  }
0x52: {  	_ =	shalt  }
0x53: {  	_ =	shalt  }
0x54: {  	_ =	shalt  }
0x55: {  	_ =	shalt  }
0x56: {  	_ =	shalt  }
0x57: {  	_ =	shalt  }
0x58: {  	_ =	shalt  }
0x59: {  	_ =	shalt  }
0x5a: {  	_ =	shalt  }
0x5b: {  	_ =	shalt  }
0x5c: {  	_ =	shalt  }
0x5d: {  	_ =	shalt  }
0x5e: {  	_ =	shalt  }
0x5f: {  	_ =	shalt  }
0x60: {  	_ =	shalt  }
0x61: {  	_ =	shalt  }
0x62: {  	_ =	shalt  }
0x63: {  	_ =	shalt  }
0x64: {  	_ =	shalt  }
0x65: {  	_ =	shalt  }
0x66: {  	_ =	shalt  }
0x67: {  	_ =	shalt  }
0x68: {  	_ =	shalt  }
0x69: {  	_ =	shalt  }
0x6a: {  	_ =	shalt  }
0x6b: {  	_ =	shalt  }
0x6c: {  	_ =	shalt  }
0x6d: {  	_ =	shalt  }
0x6e: {  	_ =	shalt  }
0x6f: {  	_ =	shalt  }
0x70: {  	_ =	shalt  }
0x71: {  	_ =	shalt  }
0x72: {  	_ =	shalt  }
0x73: {  	_ =	shalt  }
0x74: {  	_ =	shalt  }
0x75: {  	_ =	shalt  }
0x76: {  	_ =	shalt  }
0x77: {  	_ =	shalt  }
0x78: {  	_ =	shalt  }
0x79: {  	_ =	shalt  }
0x7a: {  	_ =	shalt  }
0x7b: {  	_ =	shalt  }
0x7c: {  	_ =	shalt  }
0x7d: {  	_ =	shalt  }
0x7e: {  	_ =	shalt  }
0x7f: {  	_ =	shalt  }
0x80: {  	_ =	shalt  }
0x81: {  	_ =	shalt  }
0x82: {  	_ =	shalt  }
0x83: {  	_ =	shalt  }
0x84: {  	_ =	shalt  }
0x85: {  	_ =	shalt  }
0x86: {  	_ =	shalt  }
0x87: {  	_ =	shalt  }
.Lfunc_end0:
.L_simem_size_0:
called_computation.3_lowered:
.L_overlay_start_0:
0x88: {  	s2 =	sld [smem:$0x3FD9]  }
0x89: {  	s3 =	sld [smem:$0x3FFE];
	_ =	sdelay $0x1  }
0x8a: {  	s1 =	srdreg.scid  }
0x8b: {  	s0 =	sand.u32 $0x1, s1  }
0x8c: {  	s17 =	sshll.u32 s0, $0xA;
	s2 =	sadd.s32 s3, s2  }
0x8d: {  	s2 =	sadd.s32 s2, s17  }
0x8e: {  	[smem:$0x3FBE] =	sst s2  }
0x8f: {  	_ = 	snop  }
0x90: {  	(tm) =	ssettm $0x1  }
0x91: {  	s18 =	sld [smem:$0x3FFB];
	_ =	sdelay $0x3  }
0x92: {  	_ =	strace s18  }
0x93: {  	s2 =	sld [smem:$0x3FFC];
	_ =	sdelay $0x3  }
0x94: {  	_ =	strace s2  }
0x95: {  	s2 =	sld [smem:$0x3FFD];
	_ =	sdelay $0x3  }
0x96: {  	_ =	strace s2  }
0x97: {  	_ =	strace $0x8FFFFFFF  }
0x98: {  	s19 =	sld [smem:$0x3FDB];
	_ =	sdelay $0x1  }
0x99: {  	s20 =	simm.s32 $_scs_section_size  }
0x9a: {  	s4 =	simm.s32 $_size__tile_overlayer_lowered;
	s5 =	simm.s32 $_tile_overlayer_lowered  }
0x9b: {  	s6 =	simm.s32 $0x1BFF;
	s21 =	sshll.u32 s5, $0x1;
	s3 =	sadd.s32 s20, s19  }
0x9c: {  	s22 =	simm.s32 $0x0;
	s4 =	sshll.u32 s4, $0x1;
	s5 =	sadd.s32 s21, s3  }
0x9d: {  	[timem:s22], [sflag:s6] =	dma.local [hbm:s5], s4  }
0x9e: {  	_ =	swait.ge [sflag:s6], s4  }
0x9f: {  	s4 =	ssub.s32 $0x0, s4;
	[sflag:s6] =	ssyncset.done $0x0  }
0xa0: {  	[sflag:s6] =	ssyncadd.s32 s4;
	_ =	sdelay $0x1  }
0xa1: {  	s23 =	simm.s32 $0x1B8B  }
0xa2: {  	_ =	swait.ge [sflag:s23], $0x1  }
0xa3: {  	[sflag:s23] =	ssyncset.done $0x0  }
0xa4: {  	[sflag:s23] =	ssyncadd.s32 $0xFFFFFFFF  }
0xa5: {  	s4 =	sld [smem:$0x0]  }
0xa6: {  	s5 =	sand.u32 $0xFFFFFFFE, s1  }
0xa7: {  	p0 =	sne.s32 s1, s5  }
0xa8: {  	s5 =	sshll.u32 @p0 s5, $0xE  }
0xa9: {  	s5 =	sadd.s32 @p0 $0x11B8D, s5;
	s6 =	sshll.u32 @p0 s4, $0x11  }
0xaa: {  	s5 =	sor.u32 @p0 s6, s5  }
0xab: {  	[sflag:s5] =	ssyncadd.remote.s32 @p0 $0x1;
	_ =	sdelay $0x1  }
0xac: {  	s5 =	simm.s32 @p0 $0x1B8D  }
0xad: {  	_ =	swait.eq @p0 [sflag:s5], $0x1  }
0xae: {  	[sflag:s5] =	ssyncadd.s32 @p0 $0xFFFFFFFF  }
0xaf: {  	s6 =	sshll.u32 @!p0 s1, $0xE  }
0xb0: {  	s6 =	sor.u32 @!p0 $0x4000, s6;
	s5 =	simm.s32 @!p0 $0x1B8D  }
0xb1: {  	s4 =	sshll.u32 @!p0 s4, $0x11;
	s6 =	sadd.s32 @!p0 $0x11B8D, s6;
	_ =	swait.eq @!p0 [sflag:s5], $0x1  }
0xb2: {  	s4 =	sor.u32 @!p0 s4, s6;
	[sflag:s5] =	ssyncadd.s32 @!p0 $0xFFFFFFFF  }
0xb3: {  	s25 =	simm.s32 $0x1B8E;
	s24 =	sld [smem:$0x3FFE];
	[sflag:s4] =	ssyncadd.remote.s32 @!p0 $0x1  }
0xb4: {  	s26 =	simm.s32 $execute0_lowered;
	[smem:$0x3FD2] =	sst s25  }
0xb5: {  	s5 =	sshll.u32 s26, $0x1;
	_ =	strace $0x8000004F;
	[dreg:$0x1] =	wrdreg $0xFFFFFFFF  }
0xb6: {  	s28 =	simm.s32 $_size_execute0_lowered;
	s3 =	sadd.s32 s3, s5;
	[dreg:$0x0] =	wrdreg $0x0  }
0xb7: {  	s5 =	sshll.u32 s28, $0x1;
	[dreg:$0x2] =	wrdreg s3  }
0xb8: {  	[dreg:$0x3] =	wrdreg s5  }
0xb9: {  	[dreg:$0x4] =	wrdreg $0xC0  }
0xba: {  	_ =	task [dreg:s22], $0x5FFFF  }
0xbb: {  	[dreg:$0x1] =	wrdreg $0xFFFFFFFF  }
0xbc: {  	[dreg:$0x0] =	wrdreg $0x60  }
0xbd: {  	[dreg:$0x2] =	wrdreg s24  }
0xbe: {  	[dreg:$0x3] =	wrdreg $0x16080  }
0xbf: {  	[dreg:$0x4] =	wrdreg $0xA  }
0xc0: {  	_ =	task.clear_ibuf [dreg:s22], $0x5FFFF;
	_ =	strace $0x9000004F  }
0xc1: {  	s29 =	simm.s32 $0xA;
	_ =	strace $0x80000051  }
0xc2: {  	_ =	swait.ge [sflag:s29], $0x1  }
0xc3: {  	[sflag:s29] =	ssyncadd.s32 $0xFFFFFFFF  }
0xc4: {  	_ =	strace $0x90000051  }
0xc5: {  	_ =	sfence  }
0xc6: {  	s30 =	sld [smem:$0x0];
	_ =	sdelay $0x2  }
0xc7: {  	s31 =	sshll.u32 s1, $0xD;
	s1 =	sshrl.u32 s1, $0x2  }
0xc8: {  	s4 =	sand.u32 $0x4000, s31;
	s1 =	sadd.s32 s1, s30  }
0xc9: {  	s0 =	sor.u32 s4, s0;
	s1 =	sshll.u32 s1, $0x11  }
0xca: {  	s0 =	sor.u32 s1, s0  }
0xcb: {  	s0 =	sadd.s32 $0x8F2B, s0  }
0xcc: {  	[sflag:s0] =	ssyncadd.remote.s32 $0x1  }
0xcd: {  	_ =	sfence.sel $0xFFFF  }
0xce: {  	[dreg:$0x0] =	wrdreg $0xFFFFFFFF;
	(pc) =	sbr.abs _section_cstart, $3  }
0xcf: {  	[dreg:$0x1] =	wrdreg $0xFFFFFFFF  }
0xd0: {  	_ =	task.clear_ibuf [dreg:s22], $0x2FFFF;
	_ =	strace $0x9FFFFFFF  }
0xd1: {  	(tm) =	ssettm $0x7FFFFFFF  }
tec
execute0_lowered:
.L_overlay_start_1:
0x0: {  	(tag) =	ssettag $0x1  }
0x1: {  	s4 =	rddreg [dreg:$0x0];
	s0 =	srdreg.scid  }
0x2: {  	s1 =	rddreg [dreg:$0x1];
	s9 =	stileid.u32  }
0x3: {  	s2 =	simm.s32 $0x0;
	s14 =	simm.s32 $0x3;
	s15 =	simm.s32 $0x0  }
0x4: {  	s3 =	sand.u32 $0x1, s0;
	s0 =	rddreg [dreg:$0x2];
	s8 =	smul.u32 $0x1388, s9  }
0x5: {  	[smem:$0x7FF] =	sst s2;
	s7 =	sadd.s32 $0x14400, s4;
	p0 =	sne.s32 s9, $0x0  }
0x6: {  	s9 =	simm.s32 $0x5;
	s6 =	smul.u32 $0x13880, s3;
	s11 =	ssub.s32 $0x2, s3  }
0x7: {  	_ =	strace $0x80000050;
	s3 =	sadd.s32 $0x7C00, s4;
	s13 =	sshrl.u32 s11, $0x1  }
0x8: {  	s5 =	sadd.s32 s8, s6;
	s12 =	sshrl.u32 s6, $0x3;
	s11 =	ssub.s32 s11, s13  }
.Ltmp0:
0x9: {  	s31 =	sadd.s32 s6, s7;
	s13 =	simm.s32 $0x4;
	(pc) =	sbr.rel .LBB2_1-.Ltmp0, $4  }
0xa: {  	s10 =	sshrl.u32 s5, $0x3;
	s12 =	sadd.s32 s12, s4;
	s5 =	sadd.s32 s7, s5  }
0xb: {  	s7 =	smax.u32 s11, $0x1;
	s8 =	sadd.s32 s8, s31;
	s11 =	simm.s32 $0x1388  }
0xc: {  	s10 =	sadd.s32 s10, s4;
	s6 =	sadd.s32 $0x3B600, s12;
	s8 =	sadd.s32 $0x28, s8  }
0xd: {  	s12 =	simm.s32 $0x28;
	s4 =	sadd.s32 $0xF400, s10;
	s10 =	sshrl.u32 @!p0 s1, $0x3  }
.LBB2_7:
0xe: {  	_ =	swait.ge [sflag:s13], $0x140  }
0xf: {  	[sflag:s13] =	ssyncset.done $0x0  }
0x10: {  	[sflag:s13] =	ssyncadd.s32 $0xFFFFFEC0  }
0x11: {  	_ =	swait.ge [sflag:s14], $0x140  }
0x12: {  	[sflag:s14] =	ssyncset.done $0x0  }
0x13: {  	s15 =	sadd.s32 $0x1, s15;
	[sflag:s14] =	ssyncadd.s32 $0xFFFFFEC0  }
0x14: {  	s16 =	simm.s32 @!p0 $0x1C05;
	p1 =	sne.s32 s15, s7;
	[bflag:$0x0] =	sbarrier.arrive $0xFFFF  }
0x15: {  	[hbm:s6], [sflag:s16] =	dma.local @!p0 [spmem:s10], $0x2710  }
.Ltmp1:
0x16: {  	_ = 	snop;
	(pc) =	sbr.rel @!p1 .LBB2_8-.Ltmp1, $4  }
0x17: {  	s16 =	simm.s32 @!p0 $0x5  }
0x18: {  	_ =	swait.ge @!p0 [sflag:s16], $0x2710  }
0x19: {  	[sflag:s16] =	ssyncset.done @!p0 $0x0  }
0x1a: {  	[sflag:s16] =	ssyncadd.s32 @!p0 $0xFFFFD8F0  }
.LBB2_1:
0x1b: {  	[tilespmem:s2], [sflag:$0x5] =	stream.linear.gather [hbm4b:s4+s2], $0x1388, $0x38;
	[tilespmem:$0x2990] =	vst v63  }
0x1c: {  	_ =	swait.ge [sflag:s9], $0x1388  }
0x1d: {  	[sflag:s9] =	ssyncset.done $0x0  }
0x1e: {  	s16 =	simm.s32 @!p0 $0x1C05;
	[sflag:s9] =	ssyncadd.s32 $0xFFFFEC78  }
0x1f: {  	[spmem:s10], [sflag:s16] =	dma.local @!p0 [hbm:s3], $0x2710  }
0x20: {  	s16 =	simm.s32 @!p0 $0x5  }
.Ltmp2:
0x21: {  	_ =	swait.ge @!p0 [sflag:s16], $0x2710;
	(pc) =	sbr.rel .LBB2_2-.Ltmp2, $4  }
0x22: {  	[sflag:s16] =	ssyncset.done @!p0 $0x0  }
0x23: {  	s17 =	simm.s32 $0x0;
	[sflag:s16] =	ssyncadd.s32 @!p0 $0xFFFFD8F0  }
0x24: {  	s18 =	simm.s32 $0x0;
	s16 =	smov.u32 s8;
	[bflag:$0x0] =	sbarrier.arrive $0xFFFF  }
0x25: {  	[tilespmem:s11], [sflag:$0x1] =	stream.linear.gather [hbm4b:s5+s2], $0x140, $0x38;
	[tilespmem:$0x2990] =	vst v63  }
.LBB2_5:
0x26: {  	s21 =	smul.u32 $0x500, s20;
	_ =	sdelay $0x1  }
0x27: {  	s21 =	sshrl.u32 s21, $0x2  }
0x28: {  	s31 =	sadd.s32 $0x1, s20;
	s21 =	sadd.s32 $0x1388, s21  }
0x29: {  	[tilespmem:s21], [sflag:s31] =	stream.linear.gather [hbm4b:s16+s2], $0x140, $0x38;
	[tilespmem:$0x2990] =	vst v63  }
.LBB2_6:
0x2a: {  	s18 =	sadd.s32 $0x1, s18  }
0x2b: {  	s20 =	sadd.s32 $0x1, s19;
	s21 =	smul.u32 $0x500, s19;
	p1 =	sne.s32 s18, $0x7D  }
.Ltmp3:
0x2c: {  	_ =	swait.ge [sflag:s20], $0x140;
	(pc) =	sbr.rel @!p1 .LBB2_7-.Ltmp3, $4  }
0x2d: {  	s21 =	sshrl.u32 s21, $0x2;
	[sflag:s20] =	ssyncset.done $0x0  }
0x2e: {  	s31 =	sadd.s32 $0x3, s19;
	s21 =	sadd.s32 $0x1388, s21;
	[sflag:s20] =	ssyncadd.s32 $0xFFFFFEC0  }
0x2f: {  	[spmem:s1] =	stream.indirect.scatter.add.f32 [tilespmem:s21], [sflag:s31], $0x8, s17, s12, $0xb8;
	[tilespmem:$0x2990] =	vst v63  }
0x30: {  	s16 =	sadd.s32 $0x28, s16;
	s17 =	sadd.s32 $0x28, s17  }
.LBB2_2:
0x31: {  	p1 =	seq.s32 s18, $0x0  }
.Ltmp4:
0x32: {  	_ = 	snop;
	(pc) =	sbr.rel @p1 .LBB2_5-.Ltmp4, $3  }
0x33: {  	_ =	sdelay $0x1  }
0x34: {  	s19 =	sand.u32 $0x1, s18  }
0x35: {  	s20 =	sxor.u32 $0x1, s19  }
0x36: {  	p1 =	seq.s32 s18, $0x7C  }
.Ltmp5:
0x37: {  	_ = 	snop;
	(pc) =	sbr.rel @p1 .LBB2_6-.Ltmp5, $1  }
0x38: {  	_ =	sdelay $0x3  }
.Ltmp6:
0x39: {  	(pc) =	sbr.rel .LBB2_5-.Ltmp6, $4  }
0x3a: {  	s21 =	sadd.s32 $0x3, s20  }
0x3b: {  	_ =	swait.ge [sflag:s21], $0x140  }
0x3c: {  	[sflag:s21] =	ssyncset.done $0x0  }
0x3d: {  	[sflag:s21] =	ssyncadd.s32 $0xFFFFFEC0  }
.LBB2_8:
0x3e: {  	_ =	sfence.sel $0x180000  }
0x3f: {  	[bflag:$0x0] =	sbarrier.arrive $0xFFFF  }
0x40: {  	_ =	strace $0x90000050  }
0x41: {  	s0 =	sadd.s32 @!p0 $0x100000, s0;
	[bflag:$0x2] =	sbarrier.arrive $0xFFFF  }
0x42: {  	[sflag:s0] =	ssyncadd.tile.s32 @!p0 $0x1;
	_ =	shalt  }
.Lfunc_end2:
_tile_overlayer_lowered:
.L_overlay_start_2:
0x43: {  	(tag) =	ssettag $0x2  }
0x44: {  	s0 =	rddreg [dreg:$0x0];
	s2 =	stileid.u32  }
0x45: {  	s1 =	rddreg [dreg:$0x1];
	p0 =	sne.s32 s2, $0x0  }
0x46: {  	s3 =	rddreg [dreg:$0x2];
	[bflag:$0x3] =	sbarrier.arrive $0xFFFF;
	s2 =	simm.s32 @!p0 $0x1C05  }
0x47: {  	[timem:s3], [sflag:s2] =	dma.local @!p0 [hbm:s0], s1  }
0x48: {  	s0 =	simm.s32 @!p0 $0x5  }
0x49: {  	_ =	swait.ge @!p0 [sflag:s0], s1  }
0x4a: {  	s1 =	ssub.s32 @!p0 $0x0, s1;
	[sflag:s0] =	ssyncset.done @!p0 $0x0  }
0x4b: {  	[sflag:s0] =	ssyncadd.s32 @!p0 s1  }
0x4c: {  	[bflag:$0x3] =	sbarrier.arrive $0xFFFF  }
0x4d: {  	_ =	shalt  }

</sc_bundles>
